<compile_context>
chip_gen: v7x
topology: tpu7x:2x2x1
jax: 0.10.2.dev20260603
libtpu: 0.0.44.dev20260713+nightly
codegen_flags: <defaults>
</compile_context>

<pallas_src>
import functools

import jax
import jax.numpy as jnp
from jax import lax
from jax.experimental import pallas as pl
from jax.experimental.pallas import tpu as pltpu
from jax.experimental.pallas import tpu_sc as plsc

B = 1024
T = 8192
C = 5
TD = T // 2
NC = 2
NS = 16
NW = NC * NS
ROWS_PER_W = B // NW
VSTEPS = T // 16
DSTEPS = TD // 16

_mesh = plsc.VectorSubcoreMesh(core_axis_name="c", subcore_axis_name="s")

_f32 = jnp.float32
_scratch = (
    [pltpu.VMEM((T,), _f32) for _ in range(4)]
    + [pltpu.VMEM((T,), _f32), pltpu.VMEM((T,), _f32), pltpu.VMEM((TD,), _f32)]
    + [pltpu.VMEM((T,), _f32) for _ in range(4)]
    + [pltpu.VMEM((T,), _f32), pltpu.VMEM((T,), _f32), pltpu.VMEM((TD,), _f32)]
    + [pltpu.SemaphoreType.DMA] * 4
)


@functools.partial(
    pl.kernel,
    mesh=_mesh,
    out_type=[
        jax.ShapeDtypeStruct((B * T,), jnp.float32),
        jax.ShapeDtypeStruct((B * TD,), jnp.float32),
    ],
    scratch_types=_scratch,
    compiler_params=pltpu.CompilerParams(needs_layout_passes=False),
)
def _sc_select(in_hbm, os_hbm, od_hbm,
               v1a, v2a, v3a, v4a, os1a, os2a, oda,
               v1b, v2b, v3b, v4b, os1b, os2b, odb,
               sin_a, sin_b, sout_a, sout_b):
    cid = lax.axis_index("c")
    sid = lax.axis_index("s")
    wid = sid * NC + cid
    row0 = wid * ROWS_PER_W
    lanes = lax.iota(jnp.int32, 16)
    lanes2 = lanes * 2
    zeros = jnp.zeros((16,), jnp.float32)
    inv_t = jnp.float32(1.0 / T)

    sets = (
        (v1a, v2a, v3a, v4a, os1a, os2a, oda, sin_a, sout_a),
        (v1b, v2b, v3b, v4b, os1b, os2b, odb, sin_b, sout_b),
    )
    lanes_roll1 = (lanes + 1) & 15
    lanes_zero = jnp.zeros((16,), jnp.int32)
    is15 = lanes == 15
    dnums = lax.GatherDimensionNumbers(
        offset_dims=(), collapsed_slice_dims=(0,), start_index_map=(0,))

    def take16(x, perm):
        return lax.gather(x, perm[:, None], dnums, slice_sizes=(1,),
                          mode=lax.GatherScatterMode.PROMISE_IN_BOUNDS)

    def start_in(row, st):
        sem = st[7]
        for c in range(4):
            pltpu.async_copy(in_hbm.at[c + 1, row], st[c], sem)

    def wait_in(st):
        sem = st[7]
        for c in range(4):
            pltpu.make_async_copy(in_hbm.at[0, 0], st[c], sem).wait()

    def start_out(row, st, pick1):
        sem = st[8]

        @pl.when(pick1)
        def _():
            pltpu.async_copy(st[4], os_hbm.at[pl.ds(row * T, T)], sem)

        @pl.when(jnp.logical_not(pick1))
        def _():
            pltpu.async_copy(st[5], os_hbm.at[pl.ds(row * T, T)], sem)

        pltpu.async_copy(st[6], od_hbm.at[pl.ds(row * TD, TD)], sem)

    def wait_out(st):
        sem = st[8]
        pltpu.make_async_copy(st[4], os_hbm.at[pl.ds(0, T)], sem).wait()
        pltpu.make_async_copy(st[6], od_hbm.at[pl.ds(0, TD)], sem).wait()

    def allsum(x):
        for shift in (8, 4, 2, 1):
            x = x + take16(x, (lanes + shift) & 15)
        return x

    def var_vec(s, q):
        sv = allsum(s) * inv_t
        return allsum(q) * inv_t - sv * sv

    def plane_var(vb):
        @plsc.parallel_loop(0, VSTEPS // 2, unroll=4,
                            carry=(zeros, zeros, zeros, zeros))
        def acc(j, a):
            s, q, s2, q2 = a
            x = vb[pl.ds(j * 32, 16)]
            y = vb[pl.ds(j * 32 + 16, 16)]
            return (s + x, q + x * x, s2 + y, q2 + y * y)

        s, q, s2, q2 = acc
        return var_vec(s + s2, q + q2)

    def var_smooth_var(vb, vd, osc):
        x0 = vb[pl.ds(0, 16)]
        w0 = vd[pl.ds(0, 16)]

        @plsc.parallel_loop(1, VSTEPS // 2, unroll=2,
                            carry=(x0, x0 * x0, zeros, zeros, x0,
                                   w0, w0 * w0, zeros, zeros))
        def acc(j, a):
            s, q, s2, q2, xp, t, u, t2, u2 = a
            x = vb[pl.ds(j * 32 - 16, 16)]
            y = vb[pl.ds(j * 32, 16)]
            sh = take16(xp, lanes_roll1)
            fix = jnp.where(is15, take16(x, lanes_zero), sh)
            osc[pl.ds(j * 32 - 32, 16)] = (xp + fix) * 0.5
            sh2 = take16(x, lanes_roll1)
            fix2 = jnp.where(is15, take16(y, lanes_zero), sh2)
            osc[pl.ds(j * 32 - 16, 16)] = (x + fix2) * 0.5
            w = vd[pl.ds(j * 32 - 16, 16)]
            z = vd[pl.ds(j * 32, 16)]
            return (s + x, q + x * x, s2 + y, q2 + y * y, y,
                    t + w, u + w * w, t2 + z, u2 + z * z)

        s, q, s2, q2, xp, t, u, t2, u2 = acc
        xl = vb[pl.ds(T - 16, 16)]
        wl = vd[pl.ds(T - 16, 16)]
        s = s + xl
        q = q + xl * xl
        t = t + wl
        u = u + wl * wl
        sh = take16(xp, lanes_roll1)
        fix = jnp.where(is15, take16(xl, lanes_zero), sh)
        osc[pl.ds(T - 32, 16)] = (xp + fix) * 0.5
        sh2 = take16(xl, lanes_roll1)
        fix2 = jnp.where(is15, 0.0, sh2)
        osc[pl.ds(T - 16, 16)] = (xl + fix2) * 0.5
        return (var_vec(s + s2, q + q2), var_vec(t + t2, u + u2))

    def down_from(vb, odv):
        @plsc.parallel_loop(0, DSTEPS // 2, unroll=4, carry=lanes2)
        def _dn(j, idx):
            odv[pl.ds(j * 32, 16)] = plsc.load_gather(vb, [idx])
            odv[pl.ds(j * 32 + 16, 16)] = plsc.load_gather(vb, [idx + 32])
            return idx + 64

        del _dn

    def compute(st):
        v1, v2, v3, v4 = st[0], st[1], st[2], st[3]
        odv = st[6]
        var1, var3 = var_smooth_var(v1, v3, st[4])
        var2, var4 = var_smooth_var(v2, v4, st[5])
        pick1v = jnp.where(var1 >= var2, 1, 0)
        pick3v = jnp.where(var3 >= var4, 1, 0)
        pick1 = jnp.sum(pick1v) > 0
        pick3 = jnp.sum(pick3v) > 0

        @pl.when(pick3)
        def _():
            down_from(v3, odv)

        @pl.when(jnp.logical_not(pick3))
        def _():
            down_from(v4, odv)

        return pick1

    start_in(row0, sets[0])
    start_in(row0 + 1, sets[1])

    def pair(rr, carry):
        for k in (0, 1):
            st = sets[k]
            row = row0 + rr * 2 + k
            wait_in(st)

            @pl.when(rr > 0)
            def _():
                wait_out(st)

            pick1 = compute(st)
            start_out(row, st, pick1)
            nxt = jnp.minimum(row + 2, jnp.int32(B - 1))
            start_in(nxt, st)
        return carry

    lax.fori_loop(0, ROWS_PER_W // 2, pair, 0)

    for st in sets:
        wait_in(st)
        wait_out(st)


ROWS_PER_TC_BLK = 8


def _tc_ident_body(in_ref, out_ref):
    out_ref[...] = in_ref[0].reshape(ROWS_PER_TC_BLK * T)


_tc_ident = pl.pallas_call(
    _tc_ident_body,
    out_shape=jax.ShapeDtypeStruct((B * T,), jnp.float32),
    grid=(B // ROWS_PER_TC_BLK,),
    in_specs=[pl.BlockSpec((1, ROWS_PER_TC_BLK, T), lambda i: (0, i, 0))],
    out_specs=pl.BlockSpec((ROWS_PER_TC_BLK * T,), lambda i: (i,)),
)


def kernel(inputs):
    planar = jnp.transpose(inputs, (2, 0, 1))
    oi = _tc_ident(planar)
    osm, od = _sc_select(planar)
    return (
        oi.reshape(B, T, 1),
        osm.reshape(B, T, 1),
        od.reshape(B, TD, 1),
    )

# --- scband reference (transcript-rebuilt; emitter-appended) ---
"""Pipeline reference for scband-grouped-channel-selection-27882927686047 (READ-ONLY COPY).

The authoritative reference and input builder live on the scoring server;
editing this copy changes nothing except your own understanding.
"""

import jax, jax.numpy as jnp
import numpy as np

SMOOTHING_SCALE = 2
DOWNSAMPLING_FACTOR = 2


def setup_inputs(seed: int = 0) -> dict:
    key = jax.random.key(seed)
    inputs = jax.random.normal(key, (1024, 8192, 5), dtype=jnp.float32)
    return {"inputs": inputs}


def reference(inputs):
    B, T, C = inputs.shape
    # identity branch: channel 0
    x_identity = inputs[:, :, 0:1]

    # smoothing branch: pick the higher-variance channel among channels 1..2
    smoothing_group = inputs[:, :, 1:3]
    smoothing_var = jnp.var(smoothing_group, axis=1)  # [B, 2]
    _, smoothing_top_idx = jax.lax.top_k(smoothing_var, 1)  # [B, 1]
    smoothing_top_idx = smoothing_top_idx + 1
    s_idx = jnp.broadcast_to(smoothing_top_idx[:, None, :], (B, T, 1))
    smoothing_selected = jnp.take_along_axis(inputs, s_idx, axis=2)  # [B, T, 1]
    kernel = jnp.ones((SMOOTHING_SCALE, 1, 1), dtype=inputs.dtype) / SMOOTHING_SCALE
    smoothing_transformed = jax.lax.conv_general_dilated(
        smoothing_selected, kernel, window_strides=(1,), padding='SAME',
        dimension_numbers=('NWC', 'WIO', 'NWC'))

    # downsampling branch: pick the higher-variance channel among channels 3..4
    downsampling_group = inputs[:, :, 3:5]
    downsampling_var = jnp.var(downsampling_group, axis=1)  # [B, 2]
    _, downsampling_top_idx = jax.lax.top_k(downsampling_var, 1)  # [B, 1]
    downsampling_top_idx = downsampling_top_idx + 3
    d_idx = jnp.broadcast_to(downsampling_top_idx[:, None, :], (B, T, 1))
    downsampling_selected = jnp.take_along_axis(inputs, d_idx, axis=2)  # [B, T, 1]
    downsampling_transformed = downsampling_selected[:, ::DOWNSAMPLING_FACTOR, :]

    return (x_identity, smoothing_transformed, downsampling_transformed)

if __name__ == "__main__":
    import jax
    _d = setup_inputs()
    print(jax.jit(kernel)(*tuple(_d.values())))

</pallas_src>

<mosaic_0001>
#map = affine_map<(d0, d1) -> (0, 0, 0)>
#map1 = affine_map<(d0, d1) -> (0)>
module attributes {stable_mosaic.version = 14 : i64} {
  func.func @_sc_select(%arg0: i32, %arg1: i32, %arg2: memref<5x1024x8192xf32, #tpu.memory_space<hbm>>, %arg3: memref<8388608xf32, #tpu.memory_space<hbm>>, %arg4: memref<4194304xf32, #tpu.memory_space<hbm>>, %arg5: memref<8192xf32, #tpu.memory_space<vmem>>, %arg6: memref<8192xf32, #tpu.memory_space<vmem>>, %arg7: memref<8192xf32, #tpu.memory_space<vmem>>, %arg8: memref<8192xf32, #tpu.memory_space<vmem>>, %arg9: memref<8192xf32, #tpu.memory_space<vmem>>, %arg10: memref<8192xf32, #tpu.memory_space<vmem>>, %arg11: memref<4096xf32, #tpu.memory_space<vmem>>, %arg12: memref<8192xf32, #tpu.memory_space<vmem>>, %arg13: memref<8192xf32, #tpu.memory_space<vmem>>, %arg14: memref<8192xf32, #tpu.memory_space<vmem>>, %arg15: memref<8192xf32, #tpu.memory_space<vmem>>, %arg16: memref<8192xf32, #tpu.memory_space<vmem>>, %arg17: memref<8192xf32, #tpu.memory_space<vmem>>, %arg18: memref<4096xf32, #tpu.memory_space<vmem>>, %arg19: memref<!tpu.dma_semaphore, #tpu.memory_space<semaphore_mem>>, %arg20: memref<!tpu.dma_semaphore, #tpu.memory_space<semaphore_mem>>, %arg21: memref<!tpu.dma_semaphore, #tpu.memory_space<semaphore_mem>>, %arg22: memref<!tpu.dma_semaphore, #tpu.memory_space<semaphore_mem>>) attributes {dimension_semantics = [#tpu.dimension_semantics<core_parallel>, #tpu.dimension_semantics<subcore_parallel>], iteration_bounds = array<i64: 2, 16>, scalar_prefetch = 0 : i64, scratch_operands = 18 : i64, tpu.core_type = #tpu.core_type<sc_vector_subcore>, window_params = [{transform_indices = #map}, {transform_indices = #map1}, {transform_indices = #map1}]} {
    %mul3A = arith.constant 2 : i32
    %mul3A_0 = arith.muli %arg1, %mul3A : i32
    %add3A = arith.addi %mul3A_0, %arg0 : i32
    %mul3A_1 = arith.constant 32 : i32
    %mul3A_2 = arith.muli %add3A, %mul3A_1 : i32
    %iota3A = tpu.iota {dimensions = array<i32: 0>} : vector<16xi32>
    %mul3A_3 = arith.constant 2 : i32
    %mul3A_4 = vector.broadcast %mul3A_3 : i32 to vector<16xi32>
    %mul3A_5 = arith.muli %iota3A, %mul3A_4 : vector<16xi32>
    %broadcast_in_dim3A = arith.constant 0.000000e+00 : f32
    %broadcast_in_dim3A_6 = vector.broadcast %broadcast_in_dim3A : f32 to vector<16xf32>
    %add3A_7 = arith.constant 1 : i32
    %add3A_8 = vector.broadcast %add3A_7 : i32 to vector<16xi32>
    %add3A_9 = arith.addi %iota3A, %add3A_8 : vector<16xi32>
    %and3A = arith.constant 15 : i32
    %and3A_10 = vector.broadcast %and3A : i32 to vector<16xi32>
    %and3A_11 = arith.andi %add3A_9, %and3A_10 : vector<16xi32>
    %broadcast_in_dim3A_12 = arith.constant 0 : i32
    %broadcast_in_dim3A_13 = vector.broadcast %broadcast_in_dim3A_12 : i32 to vector<16xi32>
    %eq3A = arith.constant 15 : i32
    %eq3A_14 = vector.broadcast %eq3A : i32 to vector<16xi32>
    %eq3A_15 = arith.cmpi eq, %iota3A, %eq3A_14 : vector<16xi32>
    %dma_start3A = arith.constant 1 : i32
    %dma_start3A_16 = arith.constant 0 : i32
    %dma_start3A_17 = tpu.memref_slice %arg2[%dma_start3A, %mul3A_2, %dma_start3A_16] : memref<5x1024x8192xf32, #tpu.memory_space<hbm>> -> memref<1x1x8192xf32, #tpu.memory_space<hbm>>
    %dma_start3A_18 = tpu.memref_squeeze %dma_start3A_17 : memref<1x1x8192xf32, #tpu.memory_space<hbm>> -> memref<8192xf32, #tpu.memory_space<hbm>>
    %dma_start3A_19 = arith.constant 0 : i32
    %dma_start3A_20 = tpu.memref_slice %arg2[%dma_start3A, %mul3A_2, %dma_start3A_19] : memref<5x1024x8192xf32, #tpu.memory_space<hbm>> -> memref<1x1x8192xf32, #tpu.memory_space<hbm>>
    %dma_start3A_21 = tpu.memref_squeeze %dma_start3A_20 : memref<1x1x8192xf32, #tpu.memory_space<hbm>> -> memref<8192xf32, #tpu.memory_space<hbm>>
    tpu.enqueue_dma source(%dma_start3A_21 : memref<8192xf32, #tpu.memory_space<hbm>>) target(%arg5 : memref<8192xf32, #tpu.memory_space<vmem>>) target_semaphore(%arg19 : memref<!tpu.dma_semaphore, #tpu.memory_space<semaphore_mem>>)
    %dma_start3A_22 = arith.constant 2 : i32
    %dma_start3A_23 = arith.constant 0 : i32
    %dma_start3A_24 = tpu.memref_slice %arg2[%dma_start3A_22, %mul3A_2, %dma_start3A_23] : memref<5x1024x8192xf32, #tpu.memory_space<hbm>> -> memref<1x1x8192xf32, #tpu.memory_space<hbm>>
    %dma_start3A_25 = tpu.memref_squeeze %dma_start3A_24 : memref<1x1x8192xf32, #tpu.memory_space<hbm>> -> memref<8192xf32, #tpu.memory_space<hbm>>
    %dma_start3A_26 = arith.constant 0 : i32
    %dma_start3A_27 = tpu.memref_slice %arg2[%dma_start3A_22, %mul3A_2, %dma_start3A_26] : memref<5x1024x8192xf32, #tpu.memory_space<hbm>> -> memref<1x1x8192xf32, #tpu.memory_space<hbm>>
    %dma_start3A_28 = tpu.memref_squeeze %dma_start3A_27 : memref<1x1x8192xf32, #tpu.memory_space<hbm>> -> memref<8192xf32, #tpu.memory_space<hbm>>
    tpu.enqueue_dma source(%dma_start3A_28 : memref<8192xf32, #tpu.memory_space<hbm>>) target(%arg6 : memref<8192xf32, #tpu.memory_space<vmem>>) target_semaphore(%arg19 : memref<!tpu.dma_semaphore, #tpu.memory_space<semaphore_mem>>)
    %dma_start3A_29 = arith.constant 3 : i32
    %dma_start3A_30 = arith.constant 0 : i32
    %dma_start3A_31 = tpu.memref_slice %arg2[%dma_start3A_29, %mul3A_2, %dma_start3A_30] : memref<5x1024x8192xf32, #tpu.memory_space<hbm>> -> memref<1x1x8192xf32, #tpu.memory_space<hbm>>
    %dma_start3A_32 = tpu.memref_squeeze %dma_start3A_31 : memref<1x1x8192xf32, #tpu.memory_space<hbm>> -> memref<8192xf32, #tpu.memory_space<hbm>>
    %dma_start3A_33 = arith.constant 0 : i32
    %dma_start3A_34 = tpu.memref_slice %arg2[%dma_start3A_29, %mul3A_2, %dma_start3A_33] : memref<5x1024x8192xf32, #tpu.memory_space<hbm>> -> memref<1x1x8192xf32, #tpu.memory_space<hbm>>
    %dma_start3A_35 = tpu.memref_squeeze %dma_start3A_34 : memref<1x1x8192xf32, #tpu.memory_space<hbm>> -> memref<8192xf32, #tpu.memory_space<hbm>>
    tpu.enqueue_dma source(%dma_start3A_35 : memref<8192xf32, #tpu.memory_space<hbm>>) target(%arg7 : memref<8192xf32, #tpu.memory_space<vmem>>) target_semaphore(%arg19 : memref<!tpu.dma_semaphore, #tpu.memory_space<semaphore_mem>>)
    %dma_start3A_36 = arith.constant 4 : i32
    %dma_start3A_37 = arith.constant 0 : i32
    %dma_start3A_38 = tpu.memref_slice %arg2[%dma_start3A_36, %mul3A_2, %dma_start3A_37] : memref<5x1024x8192xf32, #tpu.memory_space<hbm>> -> memref<1x1x8192xf32, #tpu.memory_space<hbm>>
    %dma_start3A_39 = tpu.memref_squeeze %dma_start3A_38 : memref<1x1x8192xf32, #tpu.memory_space<hbm>> -> memref<8192xf32, #tpu.memory_space<hbm>>
    %dma_start3A_40 = arith.constant 0 : i32
    %dma_start3A_41 = tpu.memref_slice %arg2[%dma_start3A_36, %mul3A_2, %dma_start3A_40] : memref<5x1024x8192xf32, #tpu.memory_space<hbm>> -> memref<1x1x8192xf32, #tpu.memory_space<hbm>>
    %dma_start3A_42 = tpu.memref_squeeze %dma_start3A_41 : memref<1x1x8192xf32, #tpu.memory_space<hbm>> -> memref<8192xf32, #tpu.memory_space<hbm>>
    tpu.enqueue_dma source(%dma_start3A_42 : memref<8192xf32, #tpu.memory_space<hbm>>) target(%arg8 : memref<8192xf32, #tpu.memory_space<vmem>>) target_semaphore(%arg19 : memref<!tpu.dma_semaphore, #tpu.memory_space<semaphore_mem>>)
    %add3A_43 = arith.constant 1 : i32
    %add3A_44 = arith.addi %mul3A_2, %add3A_43 : i32
    %dma_start3A_45 = arith.constant 1 : i32
    %dma_start3A_46 = arith.constant 0 : i32
    %dma_start3A_47 = tpu.memref_slice %arg2[%dma_start3A_45, %add3A_44, %dma_start3A_46] : memref<5x1024x8192xf32, #tpu.memory_space<hbm>> -> memref<1x1x8192xf32, #tpu.memory_space<hbm>>
    %dma_start3A_48 = tpu.memref_squeeze %dma_start3A_47 : memref<1x1x8192xf32, #tpu.memory_space<hbm>> -> memref<8192xf32, #tpu.memory_space<hbm>>
    %dma_start3A_49 = arith.constant 0 : i32
    %dma_start3A_50 = tpu.memref_slice %arg2[%dma_start3A_45, %add3A_44, %dma_start3A_49] : memref<5x1024x8192xf32, #tpu.memory_space<hbm>> -> memref<1x1x8192xf32, #tpu.memory_space<hbm>>
    %dma_start3A_51 = tpu.memref_squeeze %dma_start3A_50 : memref<1x1x8192xf32, #tpu.memory_space<hbm>> -> memref<8192xf32, #tpu.memory_space<hbm>>
    tpu.enqueue_dma source(%dma_start3A_51 : memref<8192xf32, #tpu.memory_space<hbm>>) target(%arg12 : memref<8192xf32, #tpu.memory_space<vmem>>) target_semaphore(%arg20 : memref<!tpu.dma_semaphore, #tpu.memory_space<semaphore_mem>>)
    %dma_start3A_52 = arith.constant 2 : i32
    %dma_start3A_53 = arith.constant 0 : i32
    %dma_start3A_54 = tpu.memref_slice %arg2[%dma_start3A_52, %add3A_44, %dma_start3A_53] : memref<5x1024x8192xf32, #tpu.memory_space<hbm>> -> memref<1x1x8192xf32, #tpu.memory_space<hbm>>
    %dma_start3A_55 = tpu.memref_squeeze %dma_start3A_54 : memref<1x1x8192xf32, #tpu.memory_space<hbm>> -> memref<8192xf32, #tpu.memory_space<hbm>>
    %dma_start3A_56 = arith.constant 0 : i32
    %dma_start3A_57 = tpu.memref_slice %arg2[%dma_start3A_52, %add3A_44, %dma_start3A_56] : memref<5x1024x8192xf32, #tpu.memory_space<hbm>> -> memref<1x1x8192xf32, #tpu.memory_space<hbm>>
    %dma_start3A_58 = tpu.memref_squeeze %dma_start3A_57 : memref<1x1x8192xf32, #tpu.memory_space<hbm>> -> memref<8192xf32, #tpu.memory_space<hbm>>
    tpu.enqueue_dma source(%dma_start3A_58 : memref<8192xf32, #tpu.memory_space<hbm>>) target(%arg13 : memref<8192xf32, #tpu.memory_space<vmem>>) target_semaphore(%arg20 : memref<!tpu.dma_semaphore, #tpu.memory_space<semaphore_mem>>)
    %dma_start3A_59 = arith.constant 3 : i32
    %dma_start3A_60 = arith.constant 0 : i32
    %dma_start3A_61 = tpu.memref_slice %arg2[%dma_start3A_59, %add3A_44, %dma_start3A_60] : memref<5x1024x8192xf32, #tpu.memory_space<hbm>> -> memref<1x1x8192xf32, #tpu.memory_space<hbm>>
    %dma_start3A_62 = tpu.memref_squeeze %dma_start3A_61 : memref<1x1x8192xf32, #tpu.memory_space<hbm>> -> memref<8192xf32, #tpu.memory_space<hbm>>
    %dma_start3A_63 = arith.constant 0 : i32
    %dma_start3A_64 = tpu.memref_slice %arg2[%dma_start3A_59, %add3A_44, %dma_start3A_63] : memref<5x1024x8192xf32, #tpu.memory_space<hbm>> -> memref<1x1x8192xf32, #tpu.memory_space<hbm>>
    %dma_start3A_65 = tpu.memref_squeeze %dma_start3A_64 : memref<1x1x8192xf32, #tpu.memory_space<hbm>> -> memref<8192xf32, #tpu.memory_space<hbm>>
    tpu.enqueue_dma source(%dma_start3A_65 : memref<8192xf32, #tpu.memory_space<hbm>>) target(%arg14 : memref<8192xf32, #tpu.memory_space<vmem>>) target_semaphore(%arg20 : memref<!tpu.dma_semaphore, #tpu.memory_space<semaphore_mem>>)
    %dma_start3A_66 = arith.constant 4 : i32
    %dma_start3A_67 = arith.constant 0 : i32
    %dma_start3A_68 = tpu.memref_slice %arg2[%dma_start3A_66, %add3A_44, %dma_start3A_67] : memref<5x1024x8192xf32, #tpu.memory_space<hbm>> -> memref<1x1x8192xf32, #tpu.memory_space<hbm>>
    %dma_start3A_69 = tpu.memref_squeeze %dma_start3A_68 : memref<1x1x8192xf32, #tpu.memory_space<hbm>> -> memref<8192xf32, #tpu.memory_space<hbm>>
    %dma_start3A_70 = arith.constant 0 : i32
    %dma_start3A_71 = tpu.memref_slice %arg2[%dma_start3A_66, %add3A_44, %dma_start3A_70] : memref<5x1024x8192xf32, #tpu.memory_space<hbm>> -> memref<1x1x8192xf32, #tpu.memory_space<hbm>>
    %dma_start3A_72 = tpu.memref_squeeze %dma_start3A_71 : memref<1x1x8192xf32, #tpu.memory_space<hbm>> -> memref<8192xf32, #tpu.memory_space<hbm>>
    tpu.enqueue_dma source(%dma_start3A_72 : memref<8192xf32, #tpu.memory_space<hbm>>) target(%arg15 : memref<8192xf32, #tpu.memory_space<vmem>>) target_semaphore(%arg20 : memref<!tpu.dma_semaphore, #tpu.memory_space<semaphore_mem>>)
    %scan3A = arith.constant 0 : i32
    %scan3A_73 = arith.constant 1.22070313E-4 : f32
    %scan3A_74 = arith.constant 0 : i32
    %scan3A_75 = arith.constant 16 : i32
    %scan3A_76 = arith.addi %scan3A_74, %scan3A_75 : i32
    %scan3A_77 = arith.constant 1 : i32
    scf.for %scan3A_158 = %scan3A_74 to %scan3A_76 step %scan3A_77  : i32 {
      %mul3A_159 = arith.constant 2 : i32
      %mul3A_160 = arith.muli %scan3A_158, %mul3A_159 : i32
      %add3A_161 = arith.addi %mul3A_2, %mul3A_160 : i32
      %add3A_162 = arith.constant 0 : i32
      %add3A_163 = arith.addi %add3A_161, %add3A_162 : i32
      %dma_wait3A_164 = arith.constant 0 : i32
      %dma_wait3A_165 = arith.constant 0 : i32
      %dma_wait3A_166 = arith.constant 0 : i32
      %dma_wait3A_167 = tpu.memref_slice %arg2[%dma_wait3A_164, %dma_wait3A_165, %dma_wait3A_166] : memref<5x1024x8192xf32, #tpu.memory_space<hbm>> -> memref<1x1x8192xf32, #tpu.memory_space<hbm>>
      %dma_wait3A_168 = tpu.memref_squeeze %dma_wait3A_167 : memref<1x1x8192xf32, #tpu.memory_space<hbm>> -> memref<8192xf32, #tpu.memory_space<hbm>>
      %dma_wait3A_169 = arith.constant 0 : i32
      %dma_wait3A_170 = tpu.memref_slice %arg2[%dma_wait3A_164, %dma_wait3A_165, %dma_wait3A_169] : memref<5x1024x8192xf32, #tpu.memory_space<hbm>> -> memref<1x1x8192xf32, #tpu.memory_space<hbm>>
      %dma_wait3A_171 = tpu.memref_squeeze %dma_wait3A_170 : memref<1x1x8192xf32, #tpu.memory_space<hbm>> -> memref<8192xf32, #tpu.memory_space<hbm>>
      tpu.wait_dma2 semaphore(%arg19 : memref<!tpu.dma_semaphore, #tpu.memory_space<semaphore_mem>>) src(%dma_wait3A_171 : memref<8192xf32, #tpu.memory_space<hbm>>) dst(%arg5 : memref<8192xf32, #tpu.memory_space<vmem>>)
      %dma_wait3A_172 = arith.constant 0 : i32
      %dma_wait3A_173 = arith.constant 0 : i32
      %dma_wait3A_174 = arith.constant 0 : i32
      %dma_wait3A_175 = tpu.memref_slice %arg2[%dma_wait3A_172, %dma_wait3A_173, %dma_wait3A_174] : memref<5x1024x8192xf32, #tpu.memory_space<hbm>> -> memref<1x1x8192xf32, #tpu.memory_space<hbm>>
      %dma_wait3A_176 = tpu.memref_squeeze %dma_wait3A_175 : memref<1x1x8192xf32, #tpu.memory_space<hbm>> -> memref<8192xf32, #tpu.memory_space<hbm>>
      %dma_wait3A_177 = arith.constant 0 : i32
      %dma_wait3A_178 = tpu.memref_slice %arg2[%dma_wait3A_172, %dma_wait3A_173, %dma_wait3A_177] : memref<5x1024x8192xf32, #tpu.memory_space<hbm>> -> memref<1x1x8192xf32, #tpu.memory_space<hbm>>
      %dma_wait3A_179 = tpu.memref_squeeze %dma_wait3A_178 : memref<1x1x8192xf32, #tpu.memory_space<hbm>> -> memref<8192xf32, #tpu.memory_space<hbm>>
      tpu.wait_dma2 semaphore(%arg19 : memref<!tpu.dma_semaphore, #tpu.memory_space<semaphore_mem>>) src(%dma_wait3A_179 : memref<8192xf32, #tpu.memory_space<hbm>>) dst(%arg6 : memref<8192xf32, #tpu.memory_space<vmem>>)
      %dma_wait3A_180 = arith.constant 0 : i32
      %dma_wait3A_181 = arith.constant 0 : i32
      %dma_wait3A_182 = arith.constant 0 : i32
      %dma_wait3A_183 = tpu.memref_slice %arg2[%dma_wait3A_180, %dma_wait3A_181, %dma_wait3A_182] : memref<5x1024x8192xf32, #tpu.memory_space<hbm>> -> memref<1x1x8192xf32, #tpu.memory_space<hbm>>
      %dma_wait3A_184 = tpu.memref_squeeze %dma_wait3A_183 : memref<1x1x8192xf32, #tpu.memory_space<hbm>> -> memref<8192xf32, #tpu.memory_space<hbm>>
      %dma_wait3A_185 = arith.constant 0 : i32
      %dma_wait3A_186 = tpu.memref_slice %arg2[%dma_wait3A_180, %dma_wait3A_181, %dma_wait3A_185] : memref<5x1024x8192xf32, #tpu.memory_space<hbm>> -> memref<1x1x8192xf32, #tpu.memory_space<hbm>>
      %dma_wait3A_187 = tpu.memref_squeeze %dma_wait3A_186 : memref<1x1x8192xf32, #tpu.memory_space<hbm>> -> memref<8192xf32, #tpu.memory_space<hbm>>
      tpu.wait_dma2 semaphore(%arg19 : memref<!tpu.dma_semaphore, #tpu.memory_space<semaphore_mem>>) src(%dma_wait3A_187 : memref<8192xf32, #tpu.memory_space<hbm>>) dst(%arg7 : memref<8192xf32, #tpu.memory_space<vmem>>)
      %dma_wait3A_188 = arith.constant 0 : i32
      %dma_wait3A_189 = arith.constant 0 : i32
      %dma_wait3A_190 = arith.constant 0 : i32
      %dma_wait3A_191 = tpu.memref_slice %arg2[%dma_wait3A_188, %dma_wait3A_189, %dma_wait3A_190] : memref<5x1024x8192xf32, #tpu.memory_space<hbm>> -> memref<1x1x8192xf32, #tpu.memory_space<hbm>>
      %dma_wait3A_192 = tpu.memref_squeeze %dma_wait3A_191 : memref<1x1x8192xf32, #tpu.memory_space<hbm>> -> memref<8192xf32, #tpu.memory_space<hbm>>
      %dma_wait3A_193 = arith.constant 0 : i32
      %dma_wait3A_194 = tpu.memref_slice %arg2[%dma_wait3A_188, %dma_wait3A_189, %dma_wait3A_193] : memref<5x1024x8192xf32, #tpu.memory_space<hbm>> -> memref<1x1x8192xf32, #tpu.memory_space<hbm>>
      %dma_wait3A_195 = tpu.memref_squeeze %dma_wait3A_194 : memref<1x1x8192xf32, #tpu.memory_space<hbm>> -> memref<8192xf32, #tpu.memory_space<hbm>>
      tpu.wait_dma2 semaphore(%arg19 : memref<!tpu.dma_semaphore, #tpu.memory_space<semaphore_mem>>) src(%dma_wait3A_195 : memref<8192xf32, #tpu.memory_space<hbm>>) dst(%arg8 : memref<8192xf32, #tpu.memory_space<vmem>>)
      %gt3A = arith.constant 0 : i32
      %gt3A_196 = arith.cmpi sgt, %scan3A_158, %gt3A : i32
      %convert_element_type3A = arith.extui %gt3A_196 : i1 to i32
      %cond3A = arith.constant 0 : i32
      %cond3A_197 = arith.cmpi ne, %convert_element_type3A, %cond3A : i32
      scf.if %cond3A_197 {
        %dma_wait3A_1265 = arith.constant 0 : i32
        %dma_wait3A_1266 = tpu.memref_slice %arg3[%dma_wait3A_1265] : memref<8388608xf32, #tpu.memory_space<hbm>> -> memref<8192xf32, #tpu.memory_space<hbm>>
        %dma_wait3A_1267 = arith.constant 0 : i32
        %dma_wait3A_1268 = tpu.memref_slice %arg3[%dma_wait3A_1267] : memref<8388608xf32, #tpu.memory_space<hbm>> -> memref<8192xf32, #tpu.memory_space<hbm>>
        tpu.wait_dma2 semaphore(%arg21 : memref<!tpu.dma_semaphore, #tpu.memory_space<semaphore_mem>>) src(%arg9 : memref<8192xf32, #tpu.memory_space<vmem>>) dst(%dma_wait3A_1268 : memref<8192xf32, #tpu.memory_space<hbm>>)
        %dma_wait3A_1269 = arith.constant 0 : i32
        %dma_wait3A_1270 = tpu.memref_slice %arg4[%dma_wait3A_1269] : memref<4194304xf32, #tpu.memory_space<hbm>> -> memref<4096xf32, #tpu.memory_space<hbm>>
        %dma_wait3A_1271 = arith.constant 0 : i32
        %dma_wait3A_1272 = tpu.memref_slice %arg4[%dma_wait3A_1271] : memref<4194304xf32, #tpu.memory_space<hbm>> -> memref<4096xf32, #tpu.memory_space<hbm>>
        tpu.wait_dma2 semaphore(%arg21 : memref<!tpu.dma_semaphore, #tpu.memory_space<semaphore_mem>>) src(%arg11 : memref<4096xf32, #tpu.memory_space<vmem>>) dst(%dma_wait3A_1272 : memref<4096xf32, #tpu.memory_space<hbm>>)
      } else {
      }
      %get3A = arith.constant 0 : index
      %get3A_198 = tpu.vector_load %arg5[%get3A] {strides = array<i32>} : memref<8192xf32, #tpu.memory_space<vmem>>, vector<16xf32>,
      %get3A_199 = arith.constant 0 : index
      %get3A_200 = tpu.vector_load %arg7[%get3A_199] {strides = array<i32>} : memref<8192xf32, #tpu.memory_space<vmem>>, vector<16xf32>,
      %mul3A_201 = arith.mulf %get3A_198, %get3A_198 : vector<16xf32>
      %mul3A_202 = arith.mulf %get3A_200, %get3A_200 : vector<16xf32>
      %parallel_loop3A = arith.constant 1 : i32
      %parallel_loop3A_203 = arith.constant 256 : i32
      %parallel_loop3A_204 = arith.constant 1 : i32
      %parallel_loop3A_205:9 = scf.for %parallel_loop3A_1265 = %parallel_loop3A to %parallel_loop3A_203 step %parallel_loop3A_204 iter_args(%parallel_loop3A_1266 = %get3A_198, %parallel_loop3A_1267 = %mul3A_201, %parallel_loop3A_1268 = %broadcast_in_dim3A_6, %parallel_loop3A_1269 = %broadcast_in_dim3A_6, %parallel_loop3A_1270 = %get3A_198, %parallel_loop3A_1271 = %get3A_200, %parallel_loop3A_1272 = %mul3A_202, %parallel_loop3A_1273 = %broadcast_in_dim3A_6, %parallel_loop3A_1274 = %broadcast_in_dim3A_6) -> (vector<16xf32>, vector<16xf32>, vector<16xf32>, vector<16xf32>, vector<16xf32>, vector<16xf32>, vector<16xf32>, vector<16xf32>, vector<16xf32>)  : i32 {
        %parallel_loop3A_1275 = arith.constant 32 : i32
        %parallel_loop3A_1276 = arith.muli %parallel_loop3A_1265, %parallel_loop3A_1275 : i32
        %parallel_loop3A_1277 = arith.constant 16 : i32
        %parallel_loop3A_1278 = arith.subi %parallel_loop3A_1276, %parallel_loop3A_1277 : i32
        %parallel_loop3A_1279 = arith.index_cast %parallel_loop3A_1278 : i32 to index
        %parallel_loop3A_1280 = tpu.vector_load %arg5[%parallel_loop3A_1279] {strides = array<i32>} : memref<8192xf32, #tpu.memory_space<vmem>>, vector<16xf32>,
        %parallel_loop3A_1281 = arith.constant 32 : i32
        %parallel_loop3A_1282 = arith.muli %parallel_loop3A_1265, %parallel_loop3A_1281 : i32
        %parallel_loop3A_1283 = arith.index_cast %parallel_loop3A_1282 : i32 to index
        %parallel_loop3A_1284 = tpu.vector_load %arg5[%parallel_loop3A_1283] {strides = array<i32>} : memref<8192xf32, #tpu.memory_space<vmem>>, vector<16xf32>,
        %parallel_loop3A_1285 = vector.shape_cast %and3A_11 : vector<16xi32> to vector<16x1xi32>
        %parallel_loop3A_1286 = vector.shape_cast %parallel_loop3A_1285 : vector<16x1xi32> to vector<16xi32>
        %parallel_loop3A_1287 = tpu.dynamic_gather %parallel_loop3A_1270[%parallel_loop3A_1286] in [0] : vector<16xf32>, vector<16xi32> -> vector<16xf32>
        %parallel_loop3A_1288 = vector.shape_cast %broadcast_in_dim3A_13 : vector<16xi32> to vector<16x1xi32>
        %parallel_loop3A_1289 = vector.shape_cast %parallel_loop3A_1288 : vector<16x1xi32> to vector<16xi32>
        %parallel_loop3A_1290 = tpu.dynamic_gather %parallel_loop3A_1280[%parallel_loop3A_1289] in [0] : vector<16xf32>, vector<16xi32> -> vector<16xf32>
        %parallel_loop3A_1291 = arith.select %eq3A_15, %parallel_loop3A_1290, %parallel_loop3A_1287 : vector<16xi1>, vector<16xf32>
        %parallel_loop3A_1292 = arith.addf %parallel_loop3A_1270, %parallel_loop3A_1291 : vector<16xf32>
        %parallel_loop3A_1293 = arith.constant 5.000000e-01 : f32
        %parallel_loop3A_1294 = vector.broadcast %parallel_loop3A_1293 : f32 to vector<16xf32>
        %parallel_loop3A_1295 = arith.mulf %parallel_loop3A_1292, %parallel_loop3A_1294 : vector<16xf32>
        %parallel_loop3A_1296 = arith.constant 32 : i32
        %parallel_loop3A_1297 = arith.muli %parallel_loop3A_1265, %parallel_loop3A_1296 : i32
        %parallel_loop3A_1298 = arith.constant 32 : i32
        %parallel_loop3A_1299 = arith.subi %parallel_loop3A_1297, %parallel_loop3A_1298 : i32
        %parallel_loop3A_1300 = arith.index_cast %parallel_loop3A_1299 : i32 to index
        %parallel_loop3A_1301 = tpu.vector_load %arg9[%parallel_loop3A_1300] {strides = array<i32>} : memref<8192xf32, #tpu.memory_space<vmem>>, vector<16xf32>,
        tpu.vector_store %arg9[%parallel_loop3A_1300], %parallel_loop3A_1295 {strides = array<i32>} : memref<8192xf32, #tpu.memory_space<vmem>>, vector<16xf32>,
        %parallel_loop3A_1302 = vector.shape_cast %and3A_11 : vector<16xi32> to vector<16x1xi32>
        %parallel_loop3A_1303 = vector.shape_cast %parallel_loop3A_1302 : vector<16x1xi32> to vector<16xi32>
        %parallel_loop3A_1304 = tpu.dynamic_gather %parallel_loop3A_1280[%parallel_loop3A_1303] in [0] : vector<16xf32>, vector<16xi32> -> vector<16xf32>
        %parallel_loop3A_1305 = vector.shape_cast %broadcast_in_dim3A_13 : vector<16xi32> to vector<16x1xi32>
        %parallel_loop3A_1306 = vector.shape_cast %parallel_loop3A_1305 : vector<16x1xi32> to vector<16xi32>
        %parallel_loop3A_1307 = tpu.dynamic_gather %parallel_loop3A_1284[%parallel_loop3A_1306] in [0] : vector<16xf32>, vector<16xi32> -> vector<16xf32>
        %parallel_loop3A_1308 = arith.select %eq3A_15, %parallel_loop3A_1307, %parallel_loop3A_1304 : vector<16xi1>, vector<16xf32>
        %parallel_loop3A_1309 = arith.addf %parallel_loop3A_1280, %parallel_loop3A_1308 : vector<16xf32>
        %parallel_loop3A_1310 = arith.constant 5.000000e-01 : f32
        %parallel_loop3A_1311 = vector.broadcast %parallel_loop3A_1310 : f32 to vector<16xf32>
        %parallel_loop3A_1312 = arith.mulf %parallel_loop3A_1309, %parallel_loop3A_1311 : vector<16xf32>
        %parallel_loop3A_1313 = arith.constant 32 : i32
        %parallel_loop3A_1314 = arith.muli %parallel_loop3A_1265, %parallel_loop3A_1313 : i32
        %parallel_loop3A_1315 = arith.constant 16 : i32
        %parallel_loop3A_1316 = arith.subi %parallel_loop3A_1314, %parallel_loop3A_1315 : i32
        %parallel_loop3A_1317 = arith.index_cast %parallel_loop3A_1316 : i32 to index
        %parallel_loop3A_1318 = tpu.vector_load %arg9[%parallel_loop3A_1317] {strides = array<i32>} : memref<8192xf32, #tpu.memory_space<vmem>>, vector<16xf32>,
        tpu.vector_store %arg9[%parallel_loop3A_1317], %parallel_loop3A_1312 {strides = array<i32>} : memref<8192xf32, #tpu.memory_space<vmem>>, vector<16xf32>,
        %parallel_loop3A_1319 = arith.constant 32 : i32
        %parallel_loop3A_1320 = arith.muli %parallel_loop3A_1265, %parallel_loop3A_1319 : i32
        %parallel_loop3A_1321 = arith.constant 16 : i32
        %parallel_loop3A_1322 = arith.subi %parallel_loop3A_1320, %parallel_loop3A_1321 : i32
        %parallel_loop3A_1323 = arith.index_cast %parallel_loop3A_1322 : i32 to index
        %parallel_loop3A_1324 = tpu.vector_load %arg7[%parallel_loop3A_1323] {strides = array<i32>} : memref<8192xf32, #tpu.memory_space<vmem>>, vector<16xf32>,
        %parallel_loop3A_1325 = arith.constant 32 : i32
        %parallel_loop3A_1326 = arith.muli %parallel_loop3A_1265, %parallel_loop3A_1325 : i32
        %parallel_loop3A_1327 = arith.index_cast %parallel_loop3A_1326 : i32 to index
        %parallel_loop3A_1328 = tpu.vector_load %arg7[%parallel_loop3A_1327] {strides = array<i32>} : memref<8192xf32, #tpu.memory_space<vmem>>, vector<16xf32>,
        %parallel_loop3A_1329 = arith.addf %parallel_loop3A_1266, %parallel_loop3A_1280 : vector<16xf32>
        %parallel_loop3A_1330 = arith.mulf %parallel_loop3A_1280, %parallel_loop3A_1280 : vector<16xf32>
        %parallel_loop3A_1331 = arith.addf %parallel_loop3A_1267, %parallel_loop3A_1330 : vector<16xf32>
        %parallel_loop3A_1332 = arith.addf %parallel_loop3A_1268, %parallel_loop3A_1284 : vector<16xf32>
        %parallel_loop3A_1333 = arith.mulf %parallel_loop3A_1284, %parallel_loop3A_1284 : vector<16xf32>
        %parallel_loop3A_1334 = arith.addf %parallel_loop3A_1269, %parallel_loop3A_1333 : vector<16xf32>
        %parallel_loop3A_1335 = arith.addf %parallel_loop3A_1271, %parallel_loop3A_1324 : vector<16xf32>
        %parallel_loop3A_1336 = arith.mulf %parallel_loop3A_1324, %parallel_loop3A_1324 : vector<16xf32>
        %parallel_loop3A_1337 = arith.addf %parallel_loop3A_1272, %parallel_loop3A_1336 : vector<16xf32>
        %parallel_loop3A_1338 = arith.addf %parallel_loop3A_1273, %parallel_loop3A_1328 : vector<16xf32>
        %parallel_loop3A_1339 = arith.mulf %parallel_loop3A_1328, %parallel_loop3A_1328 : vector<16xf32>
        %parallel_loop3A_1340 = arith.addf %parallel_loop3A_1274, %parallel_loop3A_1339 : vector<16xf32>
        scf.yield %parallel_loop3A_1329, %parallel_loop3A_1331, %parallel_loop3A_1332, %parallel_loop3A_1334, %parallel_loop3A_1284, %parallel_loop3A_1335, %parallel_loop3A_1337, %parallel_loop3A_1338, %parallel_loop3A_1340 : vector<16xf32>, vector<16xf32>, vector<16xf32>, vector<16xf32>, vector<16xf32>, vector<16xf32>, vector<16xf32>, vector<16xf32>, vector<16xf32>
      } {sc.loop_unroll_factor = 2 : i64, sc.parallel_access}
      %get3A_206 = arith.constant 8176 : index
      %get3A_207 = tpu.vector_load %arg5[%get3A_206] {strides = array<i32>} : memref<8192xf32, #tpu.memory_space<vmem>>, vector<16xf32>,
      %get3A_208 = arith.constant 8176 : index
      %get3A_209 = tpu.vector_load %arg7[%get3A_208] {strides = array<i32>} : memref<8192xf32, #tpu.memory_space<vmem>>, vector<16xf32>,
      %add3A_210 = arith.addf %parallel_loop3A_205#0, %get3A_207 : vector<16xf32>
      %mul3A_211 = arith.mulf %get3A_207, %get3A_207 : vector<16xf32>
      %add3A_212 = arith.addf %parallel_loop3A_205#1, %mul3A_211 : vector<16xf32>
      %add3A_213 = arith.addf %parallel_loop3A_205#5, %get3A_209 : vector<16xf32>
      %mul3A_214 = arith.mulf %get3A_209, %get3A_209 : vector<16xf32>
      %add3A_215 = arith.addf %parallel_loop3A_205#6, %mul3A_214 : vector<16xf32>
      %broadcast_in_dim3A_216 = vector.shape_cast %and3A_11 : vector<16xi32> to vector<16x1xi32>
      %gather3A = vector.shape_cast %broadcast_in_dim3A_216 : vector<16x1xi32> to vector<16xi32>
      %gather3A_217 = tpu.dynamic_gather %parallel_loop3A_205#4[%gather3A] in [0] : vector<16xf32>, vector<16xi32> -> vector<16xf32>
      %broadcast_in_dim3A_218 = vector.shape_cast %broadcast_in_dim3A_13 : vector<16xi32> to vector<16x1xi32>
      %gather3A_219 = vector.shape_cast %broadcast_in_dim3A_218 : vector<16x1xi32> to vector<16xi32>
      %gather3A_220 = tpu.dynamic_gather %get3A_207[%gather3A_219] in [0] : vector<16xf32>, vector<16xi32> -> vector<16xf32>
      %select_n3A = arith.select %eq3A_15, %gather3A_220, %gather3A_217 : vector<16xi1>, vector<16xf32>
      %add3A_221 = arith.addf %parallel_loop3A_205#4, %select_n3A : vector<16xf32>
      %mul3A_222 = arith.constant 5.000000e-01 : f32
      %mul3A_223 = vector.broadcast %mul3A_222 : f32 to vector<16xf32>
      %mul3A_224 = arith.mulf %add3A_221, %mul3A_223 : vector<16xf32>
      %swap3A = arith.constant 8160 : index
      %swap3A_225 = tpu.vector_load %arg9[%swap3A] {strides = array<i32>} : memref<8192xf32, #tpu.memory_space<vmem>>, vector<16xf32>,
      tpu.vector_store %arg9[%swap3A], %mul3A_224 {strides = array<i32>} : memref<8192xf32, #tpu.memory_space<vmem>>, vector<16xf32>,
      %broadcast_in_dim3A_226 = vector.shape_cast %and3A_11 : vector<16xi32> to vector<16x1xi32>
      %gather3A_227 = vector.shape_cast %broadcast_in_dim3A_226 : vector<16x1xi32> to vector<16xi32>
      %gather3A_228 = tpu.dynamic_gather %get3A_207[%gather3A_227] in [0] : vector<16xf32>, vector<16xi32> -> vector<16xf32>
      %jit3A = arith.constant 0.000000e+00 : f32
      %broadcast_in_dim3A_229 = vector.broadcast %jit3A : f32 to vector<16xf32>
      %select_n3A_230 = arith.select %eq3A_15, %broadcast_in_dim3A_229, %gather3A_228 : vector<16xi1>, vector<16xf32>
      %add3A_231 = arith.addf %get3A_207, %select_n3A_230 : vector<16xf32>
      %mul3A_232 = arith.constant 5.000000e-01 : f32
      %mul3A_233 = vector.broadcast %mul3A_232 : f32 to vector<16xf32>
      %mul3A_234 = arith.mulf %add3A_231, %mul3A_233 : vector<16xf32>
      %swap3A_235 = arith.constant 8176 : index
      %swap3A_236 = tpu.vector_load %arg9[%swap3A_235] {strides = array<i32>} : memref<8192xf32, #tpu.memory_space<vmem>>, vector<16xf32>,
      tpu.vector_store %arg9[%swap3A_235], %mul3A_234 {strides = array<i32>} : memref<8192xf32, #tpu.memory_space<vmem>>, vector<16xf32>,
      %add3A_237 = arith.addf %add3A_210, %parallel_loop3A_205#2 : vector<16xf32>
      %add3A_238 = arith.addf %add3A_212, %parallel_loop3A_205#3 : vector<16xf32>
      %add3A_239 = arith.constant 8 : i32
      %add3A_240 = vector.broadcast %add3A_239 : i32 to vector<16xi32>
      %add3A_241 = arith.addi %iota3A, %add3A_240 : vector<16xi32>
      %and3A_242 = arith.constant 15 : i32
      %and3A_243 = vector.broadcast %and3A_242 : i32 to vector<16xi32>
      %and3A_244 = arith.andi %add3A_241, %and3A_243 : vector<16xi32>
      %broadcast_in_dim3A_245 = vector.shape_cast %and3A_244 : vector<16xi32> to vector<16x1xi32>
      %gather3A_246 = vector.shape_cast %broadcast_in_dim3A_245 : vector<16x1xi32> to vector<16xi32>
      %gather3A_247 = tpu.dynamic_gather %add3A_237[%gather3A_246] in [0] : vector<16xf32>, vector<16xi32> -> vector<16xf32>
      %add3A_248 = arith.addf %add3A_237, %gather3A_247 : vector<16xf32>
      %add3A_249 = arith.constant 4 : i32
      %add3A_250 = vector.broadcast %add3A_249 : i32 to vector<16xi32>
      %add3A_251 = arith.addi %iota3A, %add3A_250 : vector<16xi32>
      %and3A_252 = arith.constant 15 : i32
      %and3A_253 = vector.broadcast %and3A_252 : i32 to vector<16xi32>
      %and3A_254 = arith.andi %add3A_251, %and3A_253 : vector<16xi32>
      %broadcast_in_dim3A_255 = vector.shape_cast %and3A_254 : vector<16xi32> to vector<16x1xi32>
      %gather3A_256 = vector.shape_cast %broadcast_in_dim3A_255 : vector<16x1xi32> to vector<16xi32>
      %gather3A_257 = tpu.dynamic_gather %add3A_248[%gather3A_256] in [0] : vector<16xf32>, vector<16xi32> -> vector<16xf32>
      %add3A_258 = arith.addf %add3A_248, %gather3A_257 : vector<16xf32>
      %add3A_259 = arith.constant 2 : i32
      %add3A_260 = vector.broadcast %add3A_259 : i32 to vector<16xi32>
      %add3A_261 = arith.addi %iota3A, %add3A_260 : vector<16xi32>
      %and3A_262 = arith.constant 15 : i32
      %and3A_263 = vector.broadcast %and3A_262 : i32 to vector<16xi32>
      %and3A_264 = arith.andi %add3A_261, %and3A_263 : vector<16xi32>
      %broadcast_in_dim3A_265 = vector.shape_cast %and3A_264 : vector<16xi32> to vector<16x1xi32>
      %gather3A_266 = vector.shape_cast %broadcast_in_dim3A_265 : vector<16x1xi32> to vector<16xi32>
      %gather3A_267 = tpu.dynamic_gather %add3A_258[%gather3A_266] in [0] : vector<16xf32>, vector<16xi32> -> vector<16xf32>
      %add3A_268 = arith.addf %add3A_258, %gather3A_267 : vector<16xf32>
      %add3A_269 = arith.constant 1 : i32
      %add3A_270 = vector.broadcast %add3A_269 : i32 to vector<16xi32>
      %add3A_271 = arith.addi %iota3A, %add3A_270 : vector<16xi32>
      %and3A_272 = arith.constant 15 : i32
      %and3A_273 = vector.broadcast %and3A_272 : i32 to vector<16xi32>
      %and3A_274 = arith.andi %add3A_271, %and3A_273 : vector<16xi32>
      %broadcast_in_dim3A_275 = vector.shape_cast %and3A_274 : vector<16xi32> to vector<16x1xi32>
      %gather3A_276 = vector.shape_cast %broadcast_in_dim3A_275 : vector<16x1xi32> to vector<16xi32>
      %gather3A_277 = tpu.dynamic_gather %add3A_268[%gather3A_276] in [0] : vector<16xf32>, vector<16xi32> -> vector<16xf32>
      %add3A_278 = arith.addf %add3A_268, %gather3A_277 : vector<16xf32>
      %mul3A_279 = vector.broadcast %scan3A_73 : f32 to vector<16xf32>
      %mul3A_280 = arith.mulf %add3A_278, %mul3A_279 : vector<16xf32>
      %add3A_281 = arith.constant 8 : i32
      %add3A_282 = vector.broadcast %add3A_281 : i32 to vector<16xi32>
      %add3A_283 = arith.addi %iota3A, %add3A_282 : vector<16xi32>
      %and3A_284 = arith.constant 15 : i32
      %and3A_285 = vector.broadcast %and3A_284 : i32 to vector<16xi32>
      %and3A_286 = arith.andi %add3A_283, %and3A_285 : vector<16xi32>
      %broadcast_in_dim3A_287 = vector.shape_cast %and3A_286 : vector<16xi32> to vector<16x1xi32>
      %gather3A_288 = vector.shape_cast %broadcast_in_dim3A_287 : vector<16x1xi32> to vector<16xi32>
      %gather3A_289 = tpu.dynamic_gather %add3A_238[%gather3A_288] in [0] : vector<16xf32>, vector<16xi32> -> vector<16xf32>
      %add3A_290 = arith.addf %add3A_238, %gather3A_289 : vector<16xf32>
      %add3A_291 = arith.constant 4 : i32
      %add3A_292 = vector.broadcast %add3A_291 : i32 to vector<16xi32>
      %add3A_293 = arith.addi %iota3A, %add3A_292 : vector<16xi32>
      %and3A_294 = arith.constant 15 : i32
      %and3A_295 = vector.broadcast %and3A_294 : i32 to vector<16xi32>
      %and3A_296 = arith.andi %add3A_293, %and3A_295 : vector<16xi32>
      %broadcast_in_dim3A_297 = vector.shape_cast %and3A_296 : vector<16xi32> to vector<16x1xi32>
      %gather3A_298 = vector.shape_cast %broadcast_in_dim3A_297 : vector<16x1xi32> to vector<16xi32>
      %gather3A_299 = tpu.dynamic_gather %add3A_290[%gather3A_298] in [0] : vector<16xf32>, vector<16xi32> -> vector<16xf32>
      %add3A_300 = arith.addf %add3A_290, %gather3A_299 : vector<16xf32>
      %add3A_301 = arith.constant 2 : i32
      %add3A_302 = vector.broadcast %add3A_301 : i32 to vector<16xi32>
      %add3A_303 = arith.addi %iota3A, %add3A_302 : vector<16xi32>
      %and3A_304 = arith.constant 15 : i32
      %and3A_305 = vector.broadcast %and3A_304 : i32 to vector<16xi32>
      %and3A_306 = arith.andi %add3A_303, %and3A_305 : vector<16xi32>
      %broadcast_in_dim3A_307 = vector.shape_cast %and3A_306 : vector<16xi32> to vector<16x1xi32>
      %gather3A_308 = vector.shape_cast %broadcast_in_dim3A_307 : vector<16x1xi32> to vector<16xi32>
      %gather3A_309 = tpu.dynamic_gather %add3A_300[%gather3A_308] in [0] : vector<16xf32>, vector<16xi32> -> vector<16xf32>
      %add3A_310 = arith.addf %add3A_300, %gather3A_309 : vector<16xf32>
      %add3A_311 = arith.constant 1 : i32
      %add3A_312 = vector.broadcast %add3A_311 : i32 to vector<16xi32>
      %add3A_313 = arith.addi %iota3A, %add3A_312 : vector<16xi32>
      %and3A_314 = arith.constant 15 : i32
      %and3A_315 = vector.broadcast %and3A_314 : i32 to vector<16xi32>
      %and3A_316 = arith.andi %add3A_313, %and3A_315 : vector<16xi32>
      %broadcast_in_dim3A_317 = vector.shape_cast %and3A_316 : vector<16xi32> to vector<16x1xi32>
      %gather3A_318 = vector.shape_cast %broadcast_in_dim3A_317 : vector<16x1xi32> to vector<16xi32>
      %gather3A_319 = tpu.dynamic_gather %add3A_310[%gather3A_318] in [0] : vector<16xf32>, vector<16xi32> -> vector<16xf32>
      %add3A_320 = arith.addf %add3A_310, %gather3A_319 : vector<16xf32>
      %mul3A_321 = vector.broadcast %scan3A_73 : f32 to vector<16xf32>
      %mul3A_322 = arith.mulf %add3A_320, %mul3A_321 : vector<16xf32>
      %mul3A_323 = arith.mulf %mul3A_280, %mul3A_280 : vector<16xf32>
      %sub3A = arith.subf %mul3A_322, %mul3A_323 : vector<16xf32>
      %add3A_324 = arith.addf %add3A_213, %parallel_loop3A_205#7 : vector<16xf32>
      %add3A_325 = arith.addf %add3A_215, %parallel_loop3A_205#8 : vector<16xf32>
      %add3A_326 = arith.constant 8 : i32
      %add3A_327 = vector.broadcast %add3A_326 : i32 to vector<16xi32>
      %add3A_328 = arith.addi %iota3A, %add3A_327 : vector<16xi32>
      %and3A_329 = arith.constant 15 : i32
      %and3A_330 = vector.broadcast %and3A_329 : i32 to vector<16xi32>
      %and3A_331 = arith.andi %add3A_328, %and3A_330 : vector<16xi32>
      %broadcast_in_dim3A_332 = vector.shape_cast %and3A_331 : vector<16xi32> to vector<16x1xi32>
      %gather3A_333 = vector.shape_cast %broadcast_in_dim3A_332 : vector<16x1xi32> to vector<16xi32>
      %gather3A_334 = tpu.dynamic_gather %add3A_324[%gather3A_333] in [0] : vector<16xf32>, vector<16xi32> -> vector<16xf32>
      %add3A_335 = arith.addf %add3A_324, %gather3A_334 : vector<16xf32>
      %add3A_336 = arith.constant 4 : i32
      %add3A_337 = vector.broadcast %add3A_336 : i32 to vector<16xi32>
      %add3A_338 = arith.addi %iota3A, %add3A_337 : vector<16xi32>
      %and3A_339 = arith.constant 15 : i32
      %and3A_340 = vector.broadcast %and3A_339 : i32 to vector<16xi32>
      %and3A_341 = arith.andi %add3A_338, %and3A_340 : vector<16xi32>
      %broadcast_in_dim3A_342 = vector.shape_cast %and3A_341 : vector<16xi32> to vector<16x1xi32>
      %gather3A_343 = vector.shape_cast %broadcast_in_dim3A_342 : vector<16x1xi32> to vector<16xi32>
      %gather3A_344 = tpu.dynamic_gather %add3A_335[%gather3A_343] in [0] : vector<16xf32>, vector<16xi32> -> vector<16xf32>
      %add3A_345 = arith.addf %add3A_335, %gather3A_344 : vector<16xf32>
      %add3A_346 = arith.constant 2 : i32
      %add3A_347 = vector.broadcast %add3A_346 : i32 to vector<16xi32>
      %add3A_348 = arith.addi %iota3A, %add3A_347 : vector<16xi32>
      %and3A_349 = arith.constant 15 : i32
      %and3A_350 = vector.broadcast %and3A_349 : i32 to vector<16xi32>
      %and3A_351 = arith.andi %add3A_348, %and3A_350 : vector<16xi32>
      %broadcast_in_dim3A_352 = vector.shape_cast %and3A_351 : vector<16xi32> to vector<16x1xi32>
      %gather3A_353 = vector.shape_cast %broadcast_in_dim3A_352 : vector<16x1xi32> to vector<16xi32>
      %gather3A_354 = tpu.dynamic_gather %add3A_345[%gather3A_353] in [0] : vector<16xf32>, vector<16xi32> -> vector<16xf32>
      %add3A_355 = arith.addf %add3A_345, %gather3A_354 : vector<16xf32>
      %add3A_356 = arith.constant 1 : i32
      %add3A_357 = vector.broadcast %add3A_356 : i32 to vector<16xi32>
      %add3A_358 = arith.addi %iota3A, %add3A_357 : vector<16xi32>
      %and3A_359 = arith.constant 15 : i32
      %and3A_360 = vector.broadcast %and3A_359 : i32 to vector<16xi32>
      %and3A_361 = arith.andi %add3A_358, %and3A_360 : vector<16xi32>
      %broadcast_in_dim3A_362 = vector.shape_cast %and3A_361 : vector<16xi32> to vector<16x1xi32>
      %gather3A_363 = vector.shape_cast %broadcast_in_dim3A_362 : vector<16x1xi32> to vector<16xi32>
      %gather3A_364 = tpu.dynamic_gather %add3A_355[%gather3A_363] in [0] : vector<16xf32>, vector<16xi32> -> vector<16xf32>
      %add3A_365 = arith.addf %add3A_355, %gather3A_364 : vector<16xf32>
      %mul3A_366 = vector.broadcast %scan3A_73 : f32 to vector<16xf32>
      %mul3A_367 = arith.mulf %add3A_365, %mul3A_366 : vector<16xf32>
      %add3A_368 = arith.constant 8 : i32
      %add3A_369 = vector.broadcast %add3A_368 : i32 to vector<16xi32>
      %add3A_370 = arith.addi %iota3A, %add3A_369 : vector<16xi32>
      %and3A_371 = arith.constant 15 : i32
      %and3A_372 = vector.broadcast %and3A_371 : i32 to vector<16xi32>
      %and3A_373 = arith.andi %add3A_370, %and3A_372 : vector<16xi32>
      %broadcast_in_dim3A_374 = vector.shape_cast %and3A_373 : vector<16xi32> to vector<16x1xi32>
      %gather3A_375 = vector.shape_cast %broadcast_in_dim3A_374 : vector<16x1xi32> to vector<16xi32>
      %gather3A_376 = tpu.dynamic_gather %add3A_325[%gather3A_375] in [0] : vector<16xf32>, vector<16xi32> -> vector<16xf32>
      %add3A_377 = arith.addf %add3A_325, %gather3A_376 : vector<16xf32>
      %add3A_378 = arith.constant 4 : i32
      %add3A_379 = vector.broadcast %add3A_378 : i32 to vector<16xi32>
      %add3A_380 = arith.addi %iota3A, %add3A_379 : vector<16xi32>
      %and3A_381 = arith.constant 15 : i32
      %and3A_382 = vector.broadcast %and3A_381 : i32 to vector<16xi32>
      %and3A_383 = arith.andi %add3A_380, %and3A_382 : vector<16xi32>
      %broadcast_in_dim3A_384 = vector.shape_cast %and3A_383 : vector<16xi32> to vector<16x1xi32>
      %gather3A_385 = vector.shape_cast %broadcast_in_dim3A_384 : vector<16x1xi32> to vector<16xi32>
      %gather3A_386 = tpu.dynamic_gather %add3A_377[%gather3A_385] in [0] : vector<16xf32>, vector<16xi32> -> vector<16xf32>
      %add3A_387 = arith.addf %add3A_377, %gather3A_386 : vector<16xf32>
      %add3A_388 = arith.constant 2 : i32
      %add3A_389 = vector.broadcast %add3A_388 : i32 to vector<16xi32>
      %add3A_390 = arith.addi %iota3A, %add3A_389 : vector<16xi32>
      %and3A_391 = arith.constant 15 : i32
      %and3A_392 = vector.broadcast %and3A_391 : i32 to vector<16xi32>
      %and3A_393 = arith.andi %add3A_390, %and3A_392 : vector<16xi32>
      %broadcast_in_dim3A_394 = vector.shape_cast %and3A_393 : vector<16xi32> to vector<16x1xi32>
      %gather3A_395 = vector.shape_cast %broadcast_in_dim3A_394 : vector<16x1xi32> to vector<16xi32>
      %gather3A_396 = tpu.dynamic_gather %add3A_387[%gather3A_395] in [0] : vector<16xf32>, vector<16xi32> -> vector<16xf32>
      %add3A_397 = arith.addf %add3A_387, %gather3A_396 : vector<16xf32>
      %add3A_398 = arith.constant 1 : i32
      %add3A_399 = vector.broadcast %add3A_398 : i32 to vector<16xi32>
      %add3A_400 = arith.addi %iota3A, %add3A_399 : vector<16xi32>
      %and3A_401 = arith.constant 15 : i32
      %and3A_402 = vector.broadcast %and3A_401 : i32 to vector<16xi32>
      %and3A_403 = arith.andi %add3A_400, %and3A_402 : vector<16xi32>
      %broadcast_in_dim3A_404 = vector.shape_cast %and3A_403 : vector<16xi32> to vector<16x1xi32>
      %gather3A_405 = vector.shape_cast %broadcast_in_dim3A_404 : vector<16x1xi32> to vector<16xi32>
      %gather3A_406 = tpu.dynamic_gather %add3A_397[%gather3A_405] in [0] : vector<16xf32>, vector<16xi32> -> vector<16xf32>
      %add3A_407 = arith.addf %add3A_397, %gather3A_406 : vector<16xf32>
      %mul3A_408 = vector.broadcast %scan3A_73 : f32 to vector<16xf32>
      %mul3A_409 = arith.mulf %add3A_407, %mul3A_408 : vector<16xf32>
      %mul3A_410 = arith.mulf %mul3A_367, %mul3A_367 : vector<16xf32>
      %sub3A_411 = arith.subf %mul3A_409, %mul3A_410 : vector<16xf32>
      %get3A_412 = arith.constant 0 : index
      %get3A_413 = tpu.vector_load %arg6[%get3A_412] {strides = array<i32>} : memref<8192xf32, #tpu.memory_space<vmem>>, vector<16xf32>,
      %get3A_414 = arith.constant 0 : index
      %get3A_415 = tpu.vector_load %arg8[%get3A_414] {strides = array<i32>} : memref<8192xf32, #tpu.memory_space<vmem>>, vector<16xf32>,
      %mul3A_416 = arith.mulf %get3A_413, %get3A_413 : vector<16xf32>
      %mul3A_417 = arith.mulf %get3A_415, %get3A_415 : vector<16xf32>
      %parallel_loop3A_418 = arith.constant 1 : i32
      %parallel_loop3A_419 = arith.constant 256 : i32
      %parallel_loop3A_420 = arith.constant 1 : i32
      %parallel_loop3A_421:9 = scf.for %parallel_loop3A_1265 = %parallel_loop3A_418 to %parallel_loop3A_419 step %parallel_loop3A_420 iter_args(%parallel_loop3A_1266 = %get3A_413, %parallel_loop3A_1267 = %mul3A_416, %parallel_loop3A_1268 = %broadcast_in_dim3A_6, %parallel_loop3A_1269 = %broadcast_in_dim3A_6, %parallel_loop3A_1270 = %get3A_413, %parallel_loop3A_1271 = %get3A_415, %parallel_loop3A_1272 = %mul3A_417, %parallel_loop3A_1273 = %broadcast_in_dim3A_6, %parallel_loop3A_1274 = %broadcast_in_dim3A_6) -> (vector<16xf32>, vector<16xf32>, vector<16xf32>, vector<16xf32>, vector<16xf32>, vector<16xf32>, vector<16xf32>, vector<16xf32>, vector<16xf32>)  : i32 {
        %parallel_loop3A_1275 = arith.constant 32 : i32
        %parallel_loop3A_1276 = arith.muli %parallel_loop3A_1265, %parallel_loop3A_1275 : i32
        %parallel_loop3A_1277 = arith.constant 16 : i32
        %parallel_loop3A_1278 = arith.subi %parallel_loop3A_1276, %parallel_loop3A_1277 : i32
        %parallel_loop3A_1279 = arith.index_cast %parallel_loop3A_1278 : i32 to index
        %parallel_loop3A_1280 = tpu.vector_load %arg6[%parallel_loop3A_1279] {strides = array<i32>} : memref<8192xf32, #tpu.memory_space<vmem>>, vector<16xf32>,
        %parallel_loop3A_1281 = arith.constant 32 : i32
        %parallel_loop3A_1282 = arith.muli %parallel_loop3A_1265, %parallel_loop3A_1281 : i32
        %parallel_loop3A_1283 = arith.index_cast %parallel_loop3A_1282 : i32 to index
        %parallel_loop3A_1284 = tpu.vector_load %arg6[%parallel_loop3A_1283] {strides = array<i32>} : memref<8192xf32, #tpu.memory_space<vmem>>, vector<16xf32>,
        %parallel_loop3A_1285 = vector.shape_cast %and3A_11 : vector<16xi32> to vector<16x1xi32>
        %parallel_loop3A_1286 = vector.shape_cast %parallel_loop3A_1285 : vector<16x1xi32> to vector<16xi32>
        %parallel_loop3A_1287 = tpu.dynamic_gather %parallel_loop3A_1270[%parallel_loop3A_1286] in [0] : vector<16xf32>, vector<16xi32> -> vector<16xf32>
        %parallel_loop3A_1288 = vector.shape_cast %broadcast_in_dim3A_13 : vector<16xi32> to vector<16x1xi32>
        %parallel_loop3A_1289 = vector.shape_cast %parallel_loop3A_1288 : vector<16x1xi32> to vector<16xi32>
        %parallel_loop3A_1290 = tpu.dynamic_gather %parallel_loop3A_1280[%parallel_loop3A_1289] in [0] : vector<16xf32>, vector<16xi32> -> vector<16xf32>
        %parallel_loop3A_1291 = arith.select %eq3A_15, %parallel_loop3A_1290, %parallel_loop3A_1287 : vector<16xi1>, vector<16xf32>
        %parallel_loop3A_1292 = arith.addf %parallel_loop3A_1270, %parallel_loop3A_1291 : vector<16xf32>
        %parallel_loop3A_1293 = arith.constant 5.000000e-01 : f32
        %parallel_loop3A_1294 = vector.broadcast %parallel_loop3A_1293 : f32 to vector<16xf32>
        %parallel_loop3A_1295 = arith.mulf %parallel_loop3A_1292, %parallel_loop3A_1294 : vector<16xf32>
        %parallel_loop3A_1296 = arith.constant 32 : i32
        %parallel_loop3A_1297 = arith.muli %parallel_loop3A_1265, %parallel_loop3A_1296 : i32
        %parallel_loop3A_1298 = arith.constant 32 : i32
        %parallel_loop3A_1299 = arith.subi %parallel_loop3A_1297, %parallel_loop3A_1298 : i32
        %parallel_loop3A_1300 = arith.index_cast %parallel_loop3A_1299 : i32 to index
        %parallel_loop3A_1301 = tpu.vector_load %arg10[%parallel_loop3A_1300] {strides = array<i32>} : memref<8192xf32, #tpu.memory_space<vmem>>, vector<16xf32>,
        tpu.vector_store %arg10[%parallel_loop3A_1300], %parallel_loop3A_1295 {strides = array<i32>} : memref<8192xf32, #tpu.memory_space<vmem>>, vector<16xf32>,
        %parallel_loop3A_1302 = vector.shape_cast %and3A_11 : vector<16xi32> to vector<16x1xi32>
        %parallel_loop3A_1303 = vector.shape_cast %parallel_loop3A_1302 : vector<16x1xi32> to vector<16xi32>
        %parallel_loop3A_1304 = tpu.dynamic_gather %parallel_loop3A_1280[%parallel_loop3A_1303] in [0] : vector<16xf32>, vector<16xi32> -> vector<16xf32>
        %parallel_loop3A_1305 = vector.shape_cast %broadcast_in_dim3A_13 : vector<16xi32> to vector<16x1xi32>
        %parallel_loop3A_1306 = vector.shape_cast %parallel_loop3A_1305 : vector<16x1xi32> to vector<16xi32>
        %parallel_loop3A_1307 = tpu.dynamic_gather %parallel_loop3A_1284[%parallel_loop3A_1306] in [0] : vector<16xf32>, vector<16xi32> -> vector<16xf32>
        %parallel_loop3A_1308 = arith.select %eq3A_15, %parallel_loop3A_1307, %parallel_loop3A_1304 : vector<16xi1>, vector<16xf32>
        %parallel_loop3A_1309 = arith.addf %parallel_loop3A_1280, %parallel_loop3A_1308 : vector<16xf32>
        %parallel_loop3A_1310 = arith.constant 5.000000e-01 : f32
        %parallel_loop3A_1311 = vector.broadcast %parallel_loop3A_1310 : f32 to vector<16xf32>
        %parallel_loop3A_1312 = arith.mulf %parallel_loop3A_1309, %parallel_loop3A_1311 : vector<16xf32>
        %parallel_loop3A_1313 = arith.constant 32 : i32
        %parallel_loop3A_1314 = arith.muli %parallel_loop3A_1265, %parallel_loop3A_1313 : i32
        %parallel_loop3A_1315 = arith.constant 16 : i32
        %parallel_loop3A_1316 = arith.subi %parallel_loop3A_1314, %parallel_loop3A_1315 : i32
        %parallel_loop3A_1317 = arith.index_cast %parallel_loop3A_1316 : i32 to index
        %parallel_loop3A_1318 = tpu.vector_load %arg10[%parallel_loop3A_1317] {strides = array<i32>} : memref<8192xf32, #tpu.memory_space<vmem>>, vector<16xf32>,
        tpu.vector_store %arg10[%parallel_loop3A_1317], %parallel_loop3A_1312 {strides = array<i32>} : memref<8192xf32, #tpu.memory_space<vmem>>, vector<16xf32>,
        %parallel_loop3A_1319 = arith.constant 32 : i32
        %parallel_loop3A_1320 = arith.muli %parallel_loop3A_1265, %parallel_loop3A_1319 : i32
        %parallel_loop3A_1321 = arith.constant 16 : i32
        %parallel_loop3A_1322 = arith.subi %parallel_loop3A_1320, %parallel_loop3A_1321 : i32
        %parallel_loop3A_1323 = arith.index_cast %parallel_loop3A_1322 : i32 to index
        %parallel_loop3A_1324 = tpu.vector_load %arg8[%parallel_loop3A_1323] {strides = array<i32>} : memref<8192xf32, #tpu.memory_space<vmem>>, vector<16xf32>,
        %parallel_loop3A_1325 = arith.constant 32 : i32
        %parallel_loop3A_1326 = arith.muli %parallel_loop3A_1265, %parallel_loop3A_1325 : i32
        %parallel_loop3A_1327 = arith.index_cast %parallel_loop3A_1326 : i32 to index
        %parallel_loop3A_1328 = tpu.vector_load %arg8[%parallel_loop3A_1327] {strides = array<i32>} : memref<8192xf32, #tpu.memory_space<vmem>>, vector<16xf32>,
        %parallel_loop3A_1329 = arith.addf %parallel_loop3A_1266, %parallel_loop3A_1280 : vector<16xf32>
        %parallel_loop3A_1330 = arith.mulf %parallel_loop3A_1280, %parallel_loop3A_1280 : vector<16xf32>
        %parallel_loop3A_1331 = arith.addf %parallel_loop3A_1267, %parallel_loop3A_1330 : vector<16xf32>
        %parallel_loop3A_1332 = arith.addf %parallel_loop3A_1268, %parallel_loop3A_1284 : vector<16xf32>
        %parallel_loop3A_1333 = arith.mulf %parallel_loop3A_1284, %parallel_loop3A_1284 : vector<16xf32>
        %parallel_loop3A_1334 = arith.addf %parallel_loop3A_1269, %parallel_loop3A_1333 : vector<16xf32>
        %parallel_loop3A_1335 = arith.addf %parallel_loop3A_1271, %parallel_loop3A_1324 : vector<16xf32>
        %parallel_loop3A_1336 = arith.mulf %parallel_loop3A_1324, %parallel_loop3A_1324 : vector<16xf32>
        %parallel_loop3A_1337 = arith.addf %parallel_loop3A_1272, %parallel_loop3A_1336 : vector<16xf32>
        %parallel_loop3A_1338 = arith.addf %parallel_loop3A_1273, %parallel_loop3A_1328 : vector<16xf32>
        %parallel_loop3A_1339 = arith.mulf %parallel_loop3A_1328, %parallel_loop3A_1328 : vector<16xf32>
        %parallel_loop3A_1340 = arith.addf %parallel_loop3A_1274, %parallel_loop3A_1339 : vector<16xf32>
        scf.yield %parallel_loop3A_1329, %parallel_loop3A_1331, %parallel_loop3A_1332, %parallel_loop3A_1334, %parallel_loop3A_1284, %parallel_loop3A_1335, %parallel_loop3A_1337, %parallel_loop3A_1338, %parallel_loop3A_1340 : vector<16xf32>, vector<16xf32>, vector<16xf32>, vector<16xf32>, vector<16xf32>, vector<16xf32>, vector<16xf32>, vector<16xf32>, vector<16xf32>
      } {sc.loop_unroll_factor = 2 : i64, sc.parallel_access}
      %get3A_422 = arith.constant 8176 : index
      %get3A_423 = tpu.vector_load %arg6[%get3A_422] {strides = array<i32>} : memref<8192xf32, #tpu.memory_space<vmem>>, vector<16xf32>,
      %get3A_424 = arith.constant 8176 : index
      %get3A_425 = tpu.vector_load %arg8[%get3A_424] {strides = array<i32>} : memref<8192xf32, #tpu.memory_space<vmem>>, vector<16xf32>,
      %add3A_426 = arith.addf %parallel_loop3A_421#0, %get3A_423 : vector<16xf32>
      %mul3A_427 = arith.mulf %get3A_423, %get3A_423 : vector<16xf32>
      %add3A_428 = arith.addf %parallel_loop3A_421#1, %mul3A_427 : vector<16xf32>
      %add3A_429 = arith.addf %parallel_loop3A_421#5, %get3A_425 : vector<16xf32>
      %mul3A_430 = arith.mulf %get3A_425, %get3A_425 : vector<16xf32>
      %add3A_431 = arith.addf %parallel_loop3A_421#6, %mul3A_430 : vector<16xf32>
      %broadcast_in_dim3A_432 = vector.shape_cast %and3A_11 : vector<16xi32> to vector<16x1xi32>
      %gather3A_433 = vector.shape_cast %broadcast_in_dim3A_432 : vector<16x1xi32> to vector<16xi32>
      %gather3A_434 = tpu.dynamic_gather %parallel_loop3A_421#4[%gather3A_433] in [0] : vector<16xf32>, vector<16xi32> -> vector<16xf32>
      %broadcast_in_dim3A_435 = vector.shape_cast %broadcast_in_dim3A_13 : vector<16xi32> to vector<16x1xi32>
      %gather3A_436 = vector.shape_cast %broadcast_in_dim3A_435 : vector<16x1xi32> to vector<16xi32>
      %gather3A_437 = tpu.dynamic_gather %get3A_423[%gather3A_436] in [0] : vector<16xf32>, vector<16xi32> -> vector<16xf32>
      %select_n3A_438 = arith.select %eq3A_15, %gather3A_437, %gather3A_434 : vector<16xi1>, vector<16xf32>
      %add3A_439 = arith.addf %parallel_loop3A_421#4, %select_n3A_438 : vector<16xf32>
      %mul3A_440 = arith.constant 5.000000e-01 : f32
      %mul3A_441 = vector.broadcast %mul3A_440 : f32 to vector<16xf32>
      %mul3A_442 = arith.mulf %add3A_439, %mul3A_441 : vector<16xf32>
      %swap3A_443 = arith.constant 8160 : index
      %swap3A_444 = tpu.vector_load %arg10[%swap3A_443] {strides = array<i32>} : memref<8192xf32, #tpu.memory_space<vmem>>, vector<16xf32>,
      tpu.vector_store %arg10[%swap3A_443], %mul3A_442 {strides = array<i32>} : memref<8192xf32, #tpu.memory_space<vmem>>, vector<16xf32>,
      %broadcast_in_dim3A_445 = vector.shape_cast %and3A_11 : vector<16xi32> to vector<16x1xi32>
      %gather3A_446 = vector.shape_cast %broadcast_in_dim3A_445 : vector<16x1xi32> to vector<16xi32>
      %gather3A_447 = tpu.dynamic_gather %get3A_423[%gather3A_446] in [0] : vector<16xf32>, vector<16xi32> -> vector<16xf32>
      %jit3A_448 = arith.constant 0.000000e+00 : f32
      %broadcast_in_dim3A_449 = vector.broadcast %jit3A_448 : f32 to vector<16xf32>
      %select_n3A_450 = arith.select %eq3A_15, %broadcast_in_dim3A_449, %gather3A_447 : vector<16xi1>, vector<16xf32>
      %add3A_451 = arith.addf %get3A_423, %select_n3A_450 : vector<16xf32>
      %mul3A_452 = arith.constant 5.000000e-01 : f32
      %mul3A_453 = vector.broadcast %mul3A_452 : f32 to vector<16xf32>
      %mul3A_454 = arith.mulf %add3A_451, %mul3A_453 : vector<16xf32>
      %swap3A_455 = arith.constant 8176 : index
      %swap3A_456 = tpu.vector_load %arg10[%swap3A_455] {strides = array<i32>} : memref<8192xf32, #tpu.memory_space<vmem>>, vector<16xf32>,
      tpu.vector_store %arg10[%swap3A_455], %mul3A_454 {strides = array<i32>} : memref<8192xf32, #tpu.memory_space<vmem>>, vector<16xf32>,
      %add3A_457 = arith.addf %add3A_426, %parallel_loop3A_421#2 : vector<16xf32>
      %add3A_458 = arith.addf %add3A_428, %parallel_loop3A_421#3 : vector<16xf32>
      %add3A_459 = arith.constant 8 : i32
      %add3A_460 = vector.broadcast %add3A_459 : i32 to vector<16xi32>
      %add3A_461 = arith.addi %iota3A, %add3A_460 : vector<16xi32>
      %and3A_462 = arith.constant 15 : i32
      %and3A_463 = vector.broadcast %and3A_462 : i32 to vector<16xi32>
      %and3A_464 = arith.andi %add3A_461, %and3A_463 : vector<16xi32>
      %broadcast_in_dim3A_465 = vector.shape_cast %and3A_464 : vector<16xi32> to vector<16x1xi32>
      %gather3A_466 = vector.shape_cast %broadcast_in_dim3A_465 : vector<16x1xi32> to vector<16xi32>
      %gather3A_467 = tpu.dynamic_gather %add3A_457[%gather3A_466] in [0] : vector<16xf32>, vector<16xi32> -> vector<16xf32>
      %add3A_468 = arith.addf %add3A_457, %gather3A_467 : vector<16xf32>
      %add3A_469 = arith.constant 4 : i32
      %add3A_470 = vector.broadcast %add3A_469 : i32 to vector<16xi32>
      %add3A_471 = arith.addi %iota3A, %add3A_470 : vector<16xi32>
      %and3A_472 = arith.constant 15 : i32
      %and3A_473 = vector.broadcast %and3A_472 : i32 to vector<16xi32>
      %and3A_474 = arith.andi %add3A_471, %and3A_473 : vector<16xi32>
      %broadcast_in_dim3A_475 = vector.shape_cast %and3A_474 : vector<16xi32> to vector<16x1xi32>
      %gather3A_476 = vector.shape_cast %broadcast_in_dim3A_475 : vector<16x1xi32> to vector<16xi32>
      %gather3A_477 = tpu.dynamic_gather %add3A_468[%gather3A_476] in [0] : vector<16xf32>, vector<16xi32> -> vector<16xf32>
      %add3A_478 = arith.addf %add3A_468, %gather3A_477 : vector<16xf32>
      %add3A_479 = arith.constant 2 : i32
      %add3A_480 = vector.broadcast %add3A_479 : i32 to vector<16xi32>
      %add3A_481 = arith.addi %iota3A, %add3A_480 : vector<16xi32>
      %and3A_482 = arith.constant 15 : i32
      %and3A_483 = vector.broadcast %and3A_482 : i32 to vector<16xi32>
      %and3A_484 = arith.andi %add3A_481, %and3A_483 : vector<16xi32>
      %broadcast_in_dim3A_485 = vector.shape_cast %and3A_484 : vector<16xi32> to vector<16x1xi32>
      %gather3A_486 = vector.shape_cast %broadcast_in_dim3A_485 : vector<16x1xi32> to vector<16xi32>
      %gather3A_487 = tpu.dynamic_gather %add3A_478[%gather3A_486] in [0] : vector<16xf32>, vector<16xi32> -> vector<16xf32>
      %add3A_488 = arith.addf %add3A_478, %gather3A_487 : vector<16xf32>
      %add3A_489 = arith.constant 1 : i32
      %add3A_490 = vector.broadcast %add3A_489 : i32 to vector<16xi32>
      %add3A_491 = arith.addi %iota3A, %add3A_490 : vector<16xi32>
      %and3A_492 = arith.constant 15 : i32
      %and3A_493 = vector.broadcast %and3A_492 : i32 to vector<16xi32>
      %and3A_494 = arith.andi %add3A_491, %and3A_493 : vector<16xi32>
      %broadcast_in_dim3A_495 = vector.shape_cast %and3A_494 : vector<16xi32> to vector<16x1xi32>
      %gather3A_496 = vector.shape_cast %broadcast_in_dim3A_495 : vector<16x1xi32> to vector<16xi32>
      %gather3A_497 = tpu.dynamic_gather %add3A_488[%gather3A_496] in [0] : vector<16xf32>, vector<16xi32> -> vector<16xf32>
      %add3A_498 = arith.addf %add3A_488, %gather3A_497 : vector<16xf32>
      %mul3A_499 = vector.broadcast %scan3A_73 : f32 to vector<16xf32>
      %mul3A_500 = arith.mulf %add3A_498, %mul3A_499 : vector<16xf32>
      %add3A_501 = arith.constant 8 : i32
      %add3A_502 = vector.broadcast %add3A_501 : i32 to vector<16xi32>
      %add3A_503 = arith.addi %iota3A, %add3A_502 : vector<16xi32>
      %and3A_504 = arith.constant 15 : i32
      %and3A_505 = vector.broadcast %and3A_504 : i32 to vector<16xi32>
      %and3A_506 = arith.andi %add3A_503, %and3A_505 : vector<16xi32>
      %broadcast_in_dim3A_507 = vector.shape_cast %and3A_506 : vector<16xi32> to vector<16x1xi32>
      %gather3A_508 = vector.shape_cast %broadcast_in_dim3A_507 : vector<16x1xi32> to vector<16xi32>
      %gather3A_509 = tpu.dynamic_gather %add3A_458[%gather3A_508] in [0] : vector<16xf32>, vector<16xi32> -> vector<16xf32>
      %add3A_510 = arith.addf %add3A_458, %gather3A_509 : vector<16xf32>
      %add3A_511 = arith.constant 4 : i32
      %add3A_512 = vector.broadcast %add3A_511 : i32 to vector<16xi32>
      %add3A_513 = arith.addi %iota3A, %add3A_512 : vector<16xi32>
      %and3A_514 = arith.constant 15 : i32
      %and3A_515 = vector.broadcast %and3A_514 : i32 to vector<16xi32>
      %and3A_516 = arith.andi %add3A_513, %and3A_515 : vector<16xi32>
      %broadcast_in_dim3A_517 = vector.shape_cast %and3A_516 : vector<16xi32> to vector<16x1xi32>
      %gather3A_518 = vector.shape_cast %broadcast_in_dim3A_517 : vector<16x1xi32> to vector<16xi32>
      %gather3A_519 = tpu.dynamic_gather %add3A_510[%gather3A_518] in [0] : vector<16xf32>, vector<16xi32> -> vector<16xf32>
      %add3A_520 = arith.addf %add3A_510, %gather3A_519 : vector<16xf32>
      %add3A_521 = arith.constant 2 : i32
      %add3A_522 = vector.broadcast %add3A_521 : i32 to vector<16xi32>
      %add3A_523 = arith.addi %iota3A, %add3A_522 : vector<16xi32>
      %and3A_524 = arith.constant 15 : i32
      %and3A_525 = vector.broadcast %and3A_524 : i32 to vector<16xi32>
      %and3A_526 = arith.andi %add3A_523, %and3A_525 : vector<16xi32>
      %broadcast_in_dim3A_527 = vector.shape_cast %and3A_526 : vector<16xi32> to vector<16x1xi32>
      %gather3A_528 = vector.shape_cast %broadcast_in_dim3A_527 : vector<16x1xi32> to vector<16xi32>
      %gather3A_529 = tpu.dynamic_gather %add3A_520[%gather3A_528] in [0] : vector<16xf32>, vector<16xi32> -> vector<16xf32>
      %add3A_530 = arith.addf %add3A_520, %gather3A_529 : vector<16xf32>
      %add3A_531 = arith.constant 1 : i32
      %add3A_532 = vector.broadcast %add3A_531 : i32 to vector<16xi32>
      %add3A_533 = arith.addi %iota3A, %add3A_532 : vector<16xi32>
      %and3A_534 = arith.constant 15 : i32
      %and3A_535 = vector.broadcast %and3A_534 : i32 to vector<16xi32>
      %and3A_536 = arith.andi %add3A_533, %and3A_535 : vector<16xi32>
      %broadcast_in_dim3A_537 = vector.shape_cast %and3A_536 : vector<16xi32> to vector<16x1xi32>
      %gather3A_538 = vector.shape_cast %broadcast_in_dim3A_537 : vector<16x1xi32> to vector<16xi32>
      %gather3A_539 = tpu.dynamic_gather %add3A_530[%gather3A_538] in [0] : vector<16xf32>, vector<16xi32> -> vector<16xf32>
      %add3A_540 = arith.addf %add3A_530, %gather3A_539 : vector<16xf32>
      %mul3A_541 = vector.broadcast %scan3A_73 : f32 to vector<16xf32>
      %mul3A_542 = arith.mulf %add3A_540, %mul3A_541 : vector<16xf32>
      %mul3A_543 = arith.mulf %mul3A_500, %mul3A_500 : vector<16xf32>
      %sub3A_544 = arith.subf %mul3A_542, %mul3A_543 : vector<16xf32>
      %add3A_545 = arith.addf %add3A_429, %parallel_loop3A_421#7 : vector<16xf32>
      %add3A_546 = arith.addf %add3A_431, %parallel_loop3A_421#8 : vector<16xf32>
      %add3A_547 = arith.constant 8 : i32
      %add3A_548 = vector.broadcast %add3A_547 : i32 to vector<16xi32>
      %add3A_549 = arith.addi %iota3A, %add3A_548 : vector<16xi32>
      %and3A_550 = arith.constant 15 : i32
      %and3A_551 = vector.broadcast %and3A_550 : i32 to vector<16xi32>
      %and3A_552 = arith.andi %add3A_549, %and3A_551 : vector<16xi32>
      %broadcast_in_dim3A_553 = vector.shape_cast %and3A_552 : vector<16xi32> to vector<16x1xi32>
      %gather3A_554 = vector.shape_cast %broadcast_in_dim3A_553 : vector<16x1xi32> to vector<16xi32>
      %gather3A_555 = tpu.dynamic_gather %add3A_545[%gather3A_554] in [0] : vector<16xf32>, vector<16xi32> -> vector<16xf32>
      %add3A_556 = arith.addf %add3A_545, %gather3A_555 : vector<16xf32>
      %add3A_557 = arith.constant 4 : i32
      %add3A_558 = vector.broadcast %add3A_557 : i32 to vector<16xi32>
      %add3A_559 = arith.addi %iota3A, %add3A_558 : vector<16xi32>
      %and3A_560 = arith.constant 15 : i32
      %and3A_561 = vector.broadcast %and3A_560 : i32 to vector<16xi32>
      %and3A_562 = arith.andi %add3A_559, %and3A_561 : vector<16xi32>
      %broadcast_in_dim3A_563 = vector.shape_cast %and3A_562 : vector<16xi32> to vector<16x1xi32>
      %gather3A_564 = vector.shape_cast %broadcast_in_dim3A_563 : vector<16x1xi32> to vector<16xi32>
      %gather3A_565 = tpu.dynamic_gather %add3A_556[%gather3A_564] in [0] : vector<16xf32>, vector<16xi32> -> vector<16xf32>
      %add3A_566 = arith.addf %add3A_556, %gather3A_565 : vector<16xf32>
      %add3A_567 = arith.constant 2 : i32
      %add3A_568 = vector.broadcast %add3A_567 : i32 to vector<16xi32>
      %add3A_569 = arith.addi %iota3A, %add3A_568 : vector<16xi32>
      %and3A_570 = arith.constant 15 : i32
      %and3A_571 = vector.broadcast %and3A_570 : i32 to vector<16xi32>
      %and3A_572 = arith.andi %add3A_569, %and3A_571 : vector<16xi32>
      %broadcast_in_dim3A_573 = vector.shape_cast %and3A_572 : vector<16xi32> to vector<16x1xi32>
      %gather3A_574 = vector.shape_cast %broadcast_in_dim3A_573 : vector<16x1xi32> to vector<16xi32>
      %gather3A_575 = tpu.dynamic_gather %add3A_566[%gather3A_574] in [0] : vector<16xf32>, vector<16xi32> -> vector<16xf32>
      %add3A_576 = arith.addf %add3A_566, %gather3A_575 : vector<16xf32>
      %add3A_577 = arith.constant 1 : i32
      %add3A_578 = vector.broadcast %add3A_577 : i32 to vector<16xi32>
      %add3A_579 = arith.addi %iota3A, %add3A_578 : vector<16xi32>
      %and3A_580 = arith.constant 15 : i32
      %and3A_581 = vector.broadcast %and3A_580 : i32 to vector<16xi32>
      %and3A_582 = arith.andi %add3A_579, %and3A_581 : vector<16xi32>
      %broadcast_in_dim3A_583 = vector.shape_cast %and3A_582 : vector<16xi32> to vector<16x1xi32>
      %gather3A_584 = vector.shape_cast %broadcast_in_dim3A_583 : vector<16x1xi32> to vector<16xi32>
      %gather3A_585 = tpu.dynamic_gather %add3A_576[%gather3A_584] in [0] : vector<16xf32>, vector<16xi32> -> vector<16xf32>
      %add3A_586 = arith.addf %add3A_576, %gather3A_585 : vector<16xf32>
      %mul3A_587 = vector.broadcast %scan3A_73 : f32 to vector<16xf32>
      %mul3A_588 = arith.mulf %add3A_586, %mul3A_587 : vector<16xf32>
      %add3A_589 = arith.constant 8 : i32
      %add3A_590 = vector.broadcast %add3A_589 : i32 to vector<16xi32>
      %add3A_591 = arith.addi %iota3A, %add3A_590 : vector<16xi32>
      %and3A_592 = arith.constant 15 : i32
      %and3A_593 = vector.broadcast %and3A_592 : i32 to vector<16xi32>
      %and3A_594 = arith.andi %add3A_591, %and3A_593 : vector<16xi32>
      %broadcast_in_dim3A_595 = vector.shape_cast %and3A_594 : vector<16xi32> to vector<16x1xi32>
      %gather3A_596 = vector.shape_cast %broadcast_in_dim3A_595 : vector<16x1xi32> to vector<16xi32>
      %gather3A_597 = tpu.dynamic_gather %add3A_546[%gather3A_596] in [0] : vector<16xf32>, vector<16xi32> -> vector<16xf32>
      %add3A_598 = arith.addf %add3A_546, %gather3A_597 : vector<16xf32>
      %add3A_599 = arith.constant 4 : i32
      %add3A_600 = vector.broadcast %add3A_599 : i32 to vector<16xi32>
      %add3A_601 = arith.addi %iota3A, %add3A_600 : vector<16xi32>
      %and3A_602 = arith.constant 15 : i32
      %and3A_603 = vector.broadcast %and3A_602 : i32 to vector<16xi32>
      %and3A_604 = arith.andi %add3A_601, %and3A_603 : vector<16xi32>
      %broadcast_in_dim3A_605 = vector.shape_cast %and3A_604 : vector<16xi32> to vector<16x1xi32>
      %gather3A_606 = vector.shape_cast %broadcast_in_dim3A_605 : vector<16x1xi32> to vector<16xi32>
      %gather3A_607 = tpu.dynamic_gather %add3A_598[%gather3A_606] in [0] : vector<16xf32>, vector<16xi32> -> vector<16xf32>
      %add3A_608 = arith.addf %add3A_598, %gather3A_607 : vector<16xf32>
      %add3A_609 = arith.constant 2 : i32
      %add3A_610 = vector.broadcast %add3A_609 : i32 to vector<16xi32>
      %add3A_611 = arith.addi %iota3A, %add3A_610 : vector<16xi32>
      %and3A_612 = arith.constant 15 : i32
      %and3A_613 = vector.broadcast %and3A_612 : i32 to vector<16xi32>
      %and3A_614 = arith.andi %add3A_611, %and3A_613 : vector<16xi32>
      %broadcast_in_dim3A_615 = vector.shape_cast %and3A_614 : vector<16xi32> to vector<16x1xi32>
      %gather3A_616 = vector.shape_cast %broadcast_in_dim3A_615 : vector<16x1xi32> to vector<16xi32>
      %gather3A_617 = tpu.dynamic_gather %add3A_608[%gather3A_616] in [0] : vector<16xf32>, vector<16xi32> -> vector<16xf32>
      %add3A_618 = arith.addf %add3A_608, %gather3A_617 : vector<16xf32>
      %add3A_619 = arith.constant 1 : i32
      %add3A_620 = vector.broadcast %add3A_619 : i32 to vector<16xi32>
      %add3A_621 = arith.addi %iota3A, %add3A_620 : vector<16xi32>
      %and3A_622 = arith.constant 15 : i32
      %and3A_623 = vector.broadcast %and3A_622 : i32 to vector<16xi32>
      %and3A_624 = arith.andi %add3A_621, %and3A_623 : vector<16xi32>
      %broadcast_in_dim3A_625 = vector.shape_cast %and3A_624 : vector<16xi32> to vector<16x1xi32>
      %gather3A_626 = vector.shape_cast %broadcast_in_dim3A_625 : vector<16x1xi32> to vector<16xi32>
      %gather3A_627 = tpu.dynamic_gather %add3A_618[%gather3A_626] in [0] : vector<16xf32>, vector<16xi32> -> vector<16xf32>
      %add3A_628 = arith.addf %add3A_618, %gather3A_627 : vector<16xf32>
      %mul3A_629 = vector.broadcast %scan3A_73 : f32 to vector<16xf32>
      %mul3A_630 = arith.mulf %add3A_628, %mul3A_629 : vector<16xf32>
      %mul3A_631 = arith.mulf %mul3A_588, %mul3A_588 : vector<16xf32>
      %sub3A_632 = arith.subf %mul3A_630, %mul3A_631 : vector<16xf32>
      %ge3A = arith.cmpf oge, %sub3A, %sub3A_544 : vector<16xf32>
      %jit3A_633 = arith.constant 1 : i32
      %jit3A_634 = arith.constant 0 : i32
      %broadcast_in_dim3A_635 = vector.broadcast %jit3A_633 : i32 to vector<16xi32>
      %broadcast_in_dim3A_636 = vector.broadcast %jit3A_634 : i32 to vector<16xi32>
      %select_n3A_637 = arith.select %ge3A, %broadcast_in_dim3A_635, %broadcast_in_dim3A_636 : vector<16xi1>, vector<16xi32>
      %ge3A_638 = arith.cmpf oge, %sub3A_411, %sub3A_632 : vector<16xf32>
      %jit3A_639 = arith.constant 1 : i32
      %jit3A_640 = arith.constant 0 : i32
      %broadcast_in_dim3A_641 = vector.broadcast %jit3A_639 : i32 to vector<16xi32>
      %broadcast_in_dim3A_642 = vector.broadcast %jit3A_640 : i32 to vector<16xi32>
      %select_n3A_643 = arith.select %ge3A_638, %broadcast_in_dim3A_641, %broadcast_in_dim3A_642 : vector<16xi1>, vector<16xi32>
      %reduce_sum3A = arith.constant true
      %reduce_sum3A_644 = vector.broadcast %reduce_sum3A : i1 to vector<16xi1>
      %reduce_sum3A_645 = tpu.scan <sum>, %select_n3A_637 masked %reduce_sum3A_644 : vector<16xi32>, vector<16xi1> -> vector<16xi32>
      %reduce_sum3A_646 = vector.extract %reduce_sum3A_645[15] : i32 from vector<16xi32>
      %gt3A_647 = arith.constant 0 : i32
      %gt3A_648 = arith.cmpi sgt, %reduce_sum3A_646, %gt3A_647 : i32
      %reduce_sum3A_649 = arith.constant true
      %reduce_sum3A_650 = vector.broadcast %reduce_sum3A_649 : i1 to vector<16xi1>
      %reduce_sum3A_651 = tpu.scan <sum>, %select_n3A_643 masked %reduce_sum3A_650 : vector<16xi32>, vector<16xi1> -> vector<16xi32>
      %reduce_sum3A_652 = vector.extract %reduce_sum3A_651[15] : i32 from vector<16xi32>
      %gt3A_653 = arith.constant 0 : i32
      %gt3A_654 = arith.cmpi sgt, %reduce_sum3A_652, %gt3A_653 : i32
      %convert_element_type3A_655 = arith.extui %gt3A_654 : i1 to i32
      %cond3A_656 = arith.constant 0 : i32
      %cond3A_657 = arith.cmpi ne, %convert_element_type3A_655, %cond3A_656 : i32
      scf.if %cond3A_657 {
        %parallel_loop3A_1265 = arith.constant 0 : i32
        %parallel_loop3A_1266 = arith.constant 128 : i32
        %parallel_loop3A_1267 = arith.constant 1 : i32
        %parallel_loop3A_1268 = scf.for %parallel_loop3A_1269 = %parallel_loop3A_1265 to %parallel_loop3A_1266 step %parallel_loop3A_1267 iter_args(%parallel_loop3A_1270 = %mul3A_5) -> (vector<16xi32>)  : i32 {
          %parallel_loop3A_1271 = tpu.vector_load_idx %arg7[%parallel_loop3A_1270] : memref<8192xf32, #tpu.memory_space<vmem>>[vector<16xi32>], vector<16xf32>,
          %parallel_loop3A_1272 = arith.constant 32 : i32
          %parallel_loop3A_1273 = arith.muli %parallel_loop3A_1269, %parallel_loop3A_1272 : i32
          %parallel_loop3A_1274 = arith.index_cast %parallel_loop3A_1273 : i32 to index
          %parallel_loop3A_1275 = tpu.vector_load %arg11[%parallel_loop3A_1274] {strides = array<i32>} : memref<4096xf32, #tpu.memory_space<vmem>>, vector<16xf32>,
          tpu.vector_store %arg11[%parallel_loop3A_1274], %parallel_loop3A_1271 {strides = array<i32>} : memref<4096xf32, #tpu.memory_space<vmem>>, vector<16xf32>,
          %parallel_loop3A_1276 = arith.constant 32 : i32
          %parallel_loop3A_1277 = vector.broadcast %parallel_loop3A_1276 : i32 to vector<16xi32>
          %parallel_loop3A_1278 = arith.addi %parallel_loop3A_1270, %parallel_loop3A_1277 : vector<16xi32>
          %parallel_loop3A_1279 = tpu.vector_load_idx %arg7[%parallel_loop3A_1278] : memref<8192xf32, #tpu.memory_space<vmem>>[vector<16xi32>], vector<16xf32>,
          %parallel_loop3A_1280 = arith.constant 32 : i32
          %parallel_loop3A_1281 = arith.muli %parallel_loop3A_1269, %parallel_loop3A_1280 : i32
          %parallel_loop3A_1282 = arith.constant 16 : i32
          %parallel_loop3A_1283 = arith.addi %parallel_loop3A_1281, %parallel_loop3A_1282 : i32
          %parallel_loop3A_1284 = arith.index_cast %parallel_loop3A_1283 : i32 to index
          %parallel_loop3A_1285 = tpu.vector_load %arg11[%parallel_loop3A_1284] {strides = array<i32>} : memref<4096xf32, #tpu.memory_space<vmem>>, vector<16xf32>,
          tpu.vector_store %arg11[%parallel_loop3A_1284], %parallel_loop3A_1279 {strides = array<i32>} : memref<4096xf32, #tpu.memory_space<vmem>>, vector<16xf32>,
          %parallel_loop3A_1286 = arith.constant 64 : i32
          %parallel_loop3A_1287 = vector.broadcast %parallel_loop3A_1286 : i32 to vector<16xi32>
          %parallel_loop3A_1288 = arith.addi %parallel_loop3A_1270, %parallel_loop3A_1287 : vector<16xi32>
          scf.yield %parallel_loop3A_1288 : vector<16xi32>
        } {sc.loop_unroll_factor = 4 : i64, sc.parallel_access}
      } else {
      }
      %not3A = arith.constant true
      %not3A_658 = arith.xori %gt3A_654, %not3A : i1
      %convert_element_type3A_659 = arith.extui %not3A_658 : i1 to i32
      %cond3A_660 = arith.constant 0 : i32
      %cond3A_661 = arith.cmpi ne, %convert_element_type3A_659, %cond3A_660 : i32
      scf.if %cond3A_661 {
        %parallel_loop3A_1265 = arith.constant 0 : i32
        %parallel_loop3A_1266 = arith.constant 128 : i32
        %parallel_loop3A_1267 = arith.constant 1 : i32
        %parallel_loop3A_1268 = scf.for %parallel_loop3A_1269 = %parallel_loop3A_1265 to %parallel_loop3A_1266 step %parallel_loop3A_1267 iter_args(%parallel_loop3A_1270 = %mul3A_5) -> (vector<16xi32>)  : i32 {
          %parallel_loop3A_1271 = tpu.vector_load_idx %arg8[%parallel_loop3A_1270] : memref<8192xf32, #tpu.memory_space<vmem>>[vector<16xi32>], vector<16xf32>,
          %parallel_loop3A_1272 = arith.constant 32 : i32
          %parallel_loop3A_1273 = arith.muli %parallel_loop3A_1269, %parallel_loop3A_1272 : i32
          %parallel_loop3A_1274 = arith.index_cast %parallel_loop3A_1273 : i32 to index
          %parallel_loop3A_1275 = tpu.vector_load %arg11[%parallel_loop3A_1274] {strides = array<i32>} : memref<4096xf32, #tpu.memory_space<vmem>>, vector<16xf32>,
          tpu.vector_store %arg11[%parallel_loop3A_1274], %parallel_loop3A_1271 {strides = array<i32>} : memref<4096xf32, #tpu.memory_space<vmem>>, vector<16xf32>,
          %parallel_loop3A_1276 = arith.constant 32 : i32
          %parallel_loop3A_1277 = vector.broadcast %parallel_loop3A_1276 : i32 to vector<16xi32>
          %parallel_loop3A_1278 = arith.addi %parallel_loop3A_1270, %parallel_loop3A_1277 : vector<16xi32>
          %parallel_loop3A_1279 = tpu.vector_load_idx %arg8[%parallel_loop3A_1278] : memref<8192xf32, #tpu.memory_space<vmem>>[vector<16xi32>], vector<16xf32>,
          %parallel_loop3A_1280 = arith.constant 32 : i32
          %parallel_loop3A_1281 = arith.muli %parallel_loop3A_1269, %parallel_loop3A_1280 : i32
          %parallel_loop3A_1282 = arith.constant 16 : i32
          %parallel_loop3A_1283 = arith.addi %parallel_loop3A_1281, %parallel_loop3A_1282 : i32
          %parallel_loop3A_1284 = arith.index_cast %parallel_loop3A_1283 : i32 to index
          %parallel_loop3A_1285 = tpu.vector_load %arg11[%parallel_loop3A_1284] {strides = array<i32>} : memref<4096xf32, #tpu.memory_space<vmem>>, vector<16xf32>,
          tpu.vector_store %arg11[%parallel_loop3A_1284], %parallel_loop3A_1279 {strides = array<i32>} : memref<4096xf32, #tpu.memory_space<vmem>>, vector<16xf32>,
          %parallel_loop3A_1286 = arith.constant 64 : i32
          %parallel_loop3A_1287 = vector.broadcast %parallel_loop3A_1286 : i32 to vector<16xi32>
          %parallel_loop3A_1288 = arith.addi %parallel_loop3A_1270, %parallel_loop3A_1287 : vector<16xi32>
          scf.yield %parallel_loop3A_1288 : vector<16xi32>
        } {sc.loop_unroll_factor = 4 : i64, sc.parallel_access}
      } else {
      }
      %convert_element_type3A_662 = arith.extui %gt3A_648 : i1 to i32
      %cond3A_663 = arith.constant 0 : i32
      %cond3A_664 = arith.cmpi ne, %convert_element_type3A_662, %cond3A_663 : i32
      scf.if %cond3A_664 {
        %mul3A_1265 = arith.constant 8192 : i32
        %mul3A_1266 = arith.muli %add3A_163, %mul3A_1265 : i32
        %dma_start3A_1267 = tpu.memref_slice %arg3[%mul3A_1266] : memref<8388608xf32, #tpu.memory_space<hbm>> -> memref<8192xf32, #tpu.memory_space<hbm>>
        %dma_start3A_1268 = tpu.memref_slice %arg3[%mul3A_1266] : memref<8388608xf32, #tpu.memory_space<hbm>> -> memref<8192xf32, #tpu.memory_space<hbm>>
        tpu.enqueue_dma source(%arg9 : memref<8192xf32, #tpu.memory_space<vmem>>) target(%dma_start3A_1268 : memref<8192xf32, #tpu.memory_space<hbm>>) target_semaphore(%arg21 : memref<!tpu.dma_semaphore, #tpu.memory_space<semaphore_mem>>)
      } else {
      }
      %not3A_665 = arith.constant true
      %not3A_666 = arith.xori %gt3A_648, %not3A_665 : i1
      %convert_element_type3A_667 = arith.extui %not3A_666 : i1 to i32
      %cond3A_668 = arith.constant 0 : i32
      %cond3A_669 = arith.cmpi ne, %convert_element_type3A_667, %cond3A_668 : i32
      scf.if %cond3A_669 {
        %mul3A_1265 = arith.constant 8192 : i32
        %mul3A_1266 = arith.muli %add3A_163, %mul3A_1265 : i32
        %dma_start3A_1267 = tpu.memref_slice %arg3[%mul3A_1266] : memref<8388608xf32, #tpu.memory_space<hbm>> -> memref<8192xf32, #tpu.memory_space<hbm>>
        %dma_start3A_1268 = tpu.memref_slice %arg3[%mul3A_1266] : memref<8388608xf32, #tpu.memory_space<hbm>> -> memref<8192xf32, #tpu.memory_space<hbm>>
        tpu.enqueue_dma source(%arg10 : memref<8192xf32, #tpu.memory_space<vmem>>) target(%dma_start3A_1268 : memref<8192xf32, #tpu.memory_space<hbm>>) target_semaphore(%arg21 : memref<!tpu.dma_semaphore, #tpu.memory_space<semaphore_mem>>)
      } else {
      }
      %mul3A_670 = arith.constant 4096 : i32
      %mul3A_671 = arith.muli %add3A_163, %mul3A_670 : i32
      %dma_start3A_672 = tpu.memref_slice %arg4[%mul3A_671] : memref<4194304xf32, #tpu.memory_space<hbm>> -> memref<4096xf32, #tpu.memory_space<hbm>>
      %dma_start3A_673 = tpu.memref_slice %arg4[%mul3A_671] : memref<4194304xf32, #tpu.memory_space<hbm>> -> memref<4096xf32, #tpu.memory_space<hbm>>
      tpu.enqueue_dma source(%arg11 : memref<4096xf32, #tpu.memory_space<vmem>>) target(%dma_start3A_673 : memref<4096xf32, #tpu.memory_space<hbm>>) target_semaphore(%arg21 : memref<!tpu.dma_semaphore, #tpu.memory_space<semaphore_mem>>)
      %add3A_674 = arith.constant 2 : i32
      %add3A_675 = arith.addi %add3A_163, %add3A_674 : i32
      %min3A = arith.constant 1023 : i32
      %min3A_676 = arith.minsi %add3A_675, %min3A : i32
      %dma_start3A_677 = arith.constant 1 : i32
      %dma_start3A_678 = arith.constant 0 : i32
      %dma_start3A_679 = tpu.memref_slice %arg2[%dma_start3A_677, %min3A_676, %dma_start3A_678] : memref<5x1024x8192xf32, #tpu.memory_space<hbm>> -> memref<1x1x8192xf32, #tpu.memory_space<hbm>>
      %dma_start3A_680 = tpu.memref_squeeze %dma_start3A_679 : memref<1x1x8192xf32, #tpu.memory_space<hbm>> -> memref<8192xf32, #tpu.memory_space<hbm>>
      %dma_start3A_681 = arith.constant 0 : i32
      %dma_start3A_682 = tpu.memref_slice %arg2[%dma_start3A_677, %min3A_676, %dma_start3A_681] : memref<5x1024x8192xf32, #tpu.memory_space<hbm>> -> memref<1x1x8192xf32, #tpu.memory_space<hbm>>
      %dma_start3A_683 = tpu.memref_squeeze %dma_start3A_682 : memref<1x1x8192xf32, #tpu.memory_space<hbm>> -> memref<8192xf32, #tpu.memory_space<hbm>>
      tpu.enqueue_dma source(%dma_start3A_683 : memref<8192xf32, #tpu.memory_space<hbm>>) target(%arg5 : memref<8192xf32, #tpu.memory_space<vmem>>) target_semaphore(%arg19 : memref<!tpu.dma_semaphore, #tpu.memory_space<semaphore_mem>>)
      %dma_start3A_684 = arith.constant 2 : i32
      %dma_start3A_685 = arith.constant 0 : i32
      %dma_start3A_686 = tpu.memref_slice %arg2[%dma_start3A_684, %min3A_676, %dma_start3A_685] : memref<5x1024x8192xf32, #tpu.memory_space<hbm>> -> memref<1x1x8192xf32, #tpu.memory_space<hbm>>
      %dma_start3A_687 = tpu.memref_squeeze %dma_start3A_686 : memref<1x1x8192xf32, #tpu.memory_space<hbm>> -> memref<8192xf32, #tpu.memory_space<hbm>>
      %dma_start3A_688 = arith.constant 0 : i32
      %dma_start3A_689 = tpu.memref_slice %arg2[%dma_start3A_684, %min3A_676, %dma_start3A_688] : memref<5x1024x8192xf32, #tpu.memory_space<hbm>> -> memref<1x1x8192xf32, #tpu.memory_space<hbm>>
      %dma_start3A_690 = tpu.memref_squeeze %dma_start3A_689 : memref<1x1x8192xf32, #tpu.memory_space<hbm>> -> memref<8192xf32, #tpu.memory_space<hbm>>
      tpu.enqueue_dma source(%dma_start3A_690 : memref<8192xf32, #tpu.memory_space<hbm>>) target(%arg6 : memref<8192xf32, #tpu.memory_space<vmem>>) target_semaphore(%arg19 : memref<!tpu.dma_semaphore, #tpu.memory_space<semaphore_mem>>)
      %dma_start3A_691 = arith.constant 3 : i32
      %dma_start3A_692 = arith.constant 0 : i32
      %dma_start3A_693 = tpu.memref_slice %arg2[%dma_start3A_691, %min3A_676, %dma_start3A_692] : memref<5x1024x8192xf32, #tpu.memory_space<hbm>> -> memref<1x1x8192xf32, #tpu.memory_space<hbm>>
      %dma_start3A_694 = tpu.memref_squeeze %dma_start3A_693 : memref<1x1x8192xf32, #tpu.memory_space<hbm>> -> memref<8192xf32, #tpu.memory_space<hbm>>
      %dma_start3A_695 = arith.constant 0 : i32
      %dma_start3A_696 = tpu.memref_slice %arg2[%dma_start3A_691, %min3A_676, %dma_start3A_695] : memref<5x1024x8192xf32, #tpu.memory_space<hbm>> -> memref<1x1x8192xf32, #tpu.memory_space<hbm>>
      %dma_start3A_697 = tpu.memref_squeeze %dma_start3A_696 : memref<1x1x8192xf32, #tpu.memory_space<hbm>> -> memref<8192xf32, #tpu.memory_space<hbm>>
      tpu.enqueue_dma source(%dma_start3A_697 : memref<8192xf32, #tpu.memory_space<hbm>>) target(%arg7 : memref<8192xf32, #tpu.memory_space<vmem>>) target_semaphore(%arg19 : memref<!tpu.dma_semaphore, #tpu.memory_space<semaphore_mem>>)
      %dma_start3A_698 = arith.constant 4 : i32
      %dma_start3A_699 = arith.constant 0 : i32
      %dma_start3A_700 = tpu.memref_slice %arg2[%dma_start3A_698, %min3A_676, %dma_start3A_699] : memref<5x1024x8192xf32, #tpu.memory_space<hbm>> -> memref<1x1x8192xf32, #tpu.memory_space<hbm>>
      %dma_start3A_701 = tpu.memref_squeeze %dma_start3A_700 : memref<1x1x8192xf32, #tpu.memory_space<hbm>> -> memref<8192xf32, #tpu.memory_space<hbm>>
      %dma_start3A_702 = arith.constant 0 : i32
      %dma_start3A_703 = tpu.memref_slice %arg2[%dma_start3A_698, %min3A_676, %dma_start3A_702] : memref<5x1024x8192xf32, #tpu.memory_space<hbm>> -> memref<1x1x8192xf32, #tpu.memory_space<hbm>>
      %dma_start3A_704 = tpu.memref_squeeze %dma_start3A_703 : memref<1x1x8192xf32, #tpu.memory_space<hbm>> -> memref<8192xf32, #tpu.memory_space<hbm>>
      tpu.enqueue_dma source(%dma_start3A_704 : memref<8192xf32, #tpu.memory_space<hbm>>) target(%arg8 : memref<8192xf32, #tpu.memory_space<vmem>>) target_semaphore(%arg19 : memref<!tpu.dma_semaphore, #tpu.memory_space<semaphore_mem>>)
      %mul3A_705 = arith.constant 2 : i32
      %mul3A_706 = arith.muli %scan3A_158, %mul3A_705 : i32
      %add3A_707 = arith.addi %mul3A_2, %mul3A_706 : i32
      %add3A_708 = arith.constant 1 : i32
      %add3A_709 = arith.addi %add3A_707, %add3A_708 : i32
      %dma_wait3A_710 = arith.constant 0 : i32
      %dma_wait3A_711 = arith.constant 0 : i32
      %dma_wait3A_712 = arith.constant 0 : i32
      %dma_wait3A_713 = tpu.memref_slice %arg2[%dma_wait3A_710, %dma_wait3A_711, %dma_wait3A_712] : memref<5x1024x8192xf32, #tpu.memory_space<hbm>> -> memref<1x1x8192xf32, #tpu.memory_space<hbm>>
      %dma_wait3A_714 = tpu.memref_squeeze %dma_wait3A_713 : memref<1x1x8192xf32, #tpu.memory_space<hbm>> -> memref<8192xf32, #tpu.memory_space<hbm>>
      %dma_wait3A_715 = arith.constant 0 : i32
      %dma_wait3A_716 = tpu.memref_slice %arg2[%dma_wait3A_710, %dma_wait3A_711, %dma_wait3A_715] : memref<5x1024x8192xf32, #tpu.memory_space<hbm>> -> memref<1x1x8192xf32, #tpu.memory_space<hbm>>
      %dma_wait3A_717 = tpu.memref_squeeze %dma_wait3A_716 : memref<1x1x8192xf32, #tpu.memory_space<hbm>> -> memref<8192xf32, #tpu.memory_space<hbm>>
      tpu.wait_dma2 semaphore(%arg20 : memref<!tpu.dma_semaphore, #tpu.memory_space<semaphore_mem>>) src(%dma_wait3A_717 : memref<8192xf32, #tpu.memory_space<hbm>>) dst(%arg12 : memref<8192xf32, #tpu.memory_space<vmem>>)
      %dma_wait3A_718 = arith.constant 0 : i32
      %dma_wait3A_719 = arith.constant 0 : i32
      %dma_wait3A_720 = arith.constant 0 : i32
      %dma_wait3A_721 = tpu.memref_slice %arg2[%dma_wait3A_718, %dma_wait3A_719, %dma_wait3A_720] : memref<5x1024x8192xf32, #tpu.memory_space<hbm>> -> memref<1x1x8192xf32, #tpu.memory_space<hbm>>
      %dma_wait3A_722 = tpu.memref_squeeze %dma_wait3A_721 : memref<1x1x8192xf32, #tpu.memory_space<hbm>> -> memref<8192xf32, #tpu.memory_space<hbm>>
      %dma_wait3A_723 = arith.constant 0 : i32
      %dma_wait3A_724 = tpu.memref_slice %arg2[%dma_wait3A_718, %dma_wait3A_719, %dma_wait3A_723] : memref<5x1024x8192xf32, #tpu.memory_space<hbm>> -> memref<1x1x8192xf32, #tpu.memory_space<hbm>>
      %dma_wait3A_725 = tpu.memref_squeeze %dma_wait3A_724 : memref<1x1x8192xf32, #tpu.memory_space<hbm>> -> memref<8192xf32, #tpu.memory_space<hbm>>
      tpu.wait_dma2 semaphore(%arg20 : memref<!tpu.dma_semaphore, #tpu.memory_space<semaphore_mem>>) src(%dma_wait3A_725 : memref<8192xf32, #tpu.memory_space<hbm>>) dst(%arg13 : memref<8192xf32, #tpu.memory_space<vmem>>)
      %dma_wait3A_726 = arith.constant 0 : i32
      %dma_wait3A_727 = arith.constant 0 : i32
      %dma_wait3A_728 = arith.constant 0 : i32
      %dma_wait3A_729 = tpu.memref_slice %arg2[%dma_wait3A_726, %dma_wait3A_727, %dma_wait3A_728] : memref<5x1024x8192xf32, #tpu.memory_space<hbm>> -> memref<1x1x8192xf32, #tpu.memory_space<hbm>>
      %dma_wait3A_730 = tpu.memref_squeeze %dma_wait3A_729 : memref<1x1x8192xf32, #tpu.memory_space<hbm>> -> memref<8192xf32, #tpu.memory_space<hbm>>
      %dma_wait3A_731 = arith.constant 0 : i32
      %dma_wait3A_732 = tpu.memref_slice %arg2[%dma_wait3A_726, %dma_wait3A_727, %dma_wait3A_731] : memref<5x1024x8192xf32, #tpu.memory_space<hbm>> -> memref<1x1x8192xf32, #tpu.memory_space<hbm>>
      %dma_wait3A_733 = tpu.memref_squeeze %dma_wait3A_732 : memref<1x1x8192xf32, #tpu.memory_space<hbm>> -> memref<8192xf32, #tpu.memory_space<hbm>>
      tpu.wait_dma2 semaphore(%arg20 : memref<!tpu.dma_semaphore, #tpu.memory_space<semaphore_mem>>) src(%dma_wait3A_733 : memref<8192xf32, #tpu.memory_space<hbm>>) dst(%arg14 : memref<8192xf32, #tpu.memory_space<vmem>>)
      %dma_wait3A_734 = arith.constant 0 : i32
      %dma_wait3A_735 = arith.constant 0 : i32
      %dma_wait3A_736 = arith.constant 0 : i32
      %dma_wait3A_737 = tpu.memref_slice %arg2[%dma_wait3A_734, %dma_wait3A_735, %dma_wait3A_736] : memref<5x1024x8192xf32, #tpu.memory_space<hbm>> -> memref<1x1x8192xf32, #tpu.memory_space<hbm>>
      %dma_wait3A_738 = tpu.memref_squeeze %dma_wait3A_737 : memref<1x1x8192xf32, #tpu.memory_space<hbm>> -> memref<8192xf32, #tpu.memory_space<hbm>>
      %dma_wait3A_739 = arith.constant 0 : i32
      %dma_wait3A_740 = tpu.memref_slice %arg2[%dma_wait3A_734, %dma_wait3A_735, %dma_wait3A_739] : memref<5x1024x8192xf32, #tpu.memory_space<hbm>> -> memref<1x1x8192xf32, #tpu.memory_space<hbm>>
      %dma_wait3A_741 = tpu.memref_squeeze %dma_wait3A_740 : memref<1x1x8192xf32, #tpu.memory_space<hbm>> -> memref<8192xf32, #tpu.memory_space<hbm>>
      tpu.wait_dma2 semaphore(%arg20 : memref<!tpu.dma_semaphore, #tpu.memory_space<semaphore_mem>>) src(%dma_wait3A_741 : memref<8192xf32, #tpu.memory_space<hbm>>) dst(%arg15 : memref<8192xf32, #tpu.memory_space<vmem>>)
      %gt3A_742 = arith.constant 0 : i32
      %gt3A_743 = arith.cmpi sgt, %scan3A_158, %gt3A_742 : i32
      %convert_element_type3A_744 = arith.extui %gt3A_743 : i1 to i32
      %cond3A_745 = arith.constant 0 : i32
      %cond3A_746 = arith.cmpi ne, %convert_element_type3A_744, %cond3A_745 : i32
      scf.if %cond3A_746 {
        %dma_wait3A_1265 = arith.constant 0 : i32
        %dma_wait3A_1266 = tpu.memref_slice %arg3[%dma_wait3A_1265] : memref<8388608xf32, #tpu.memory_space<hbm>> -> memref<8192xf32, #tpu.memory_space<hbm>>
        %dma_wait3A_1267 = arith.constant 0 : i32
        %dma_wait3A_1268 = tpu.memref_slice %arg3[%dma_wait3A_1267] : memref<8388608xf32, #tpu.memory_space<hbm>> -> memref<8192xf32, #tpu.memory_space<hbm>>
        tpu.wait_dma2 semaphore(%arg22 : memref<!tpu.dma_semaphore, #tpu.memory_space<semaphore_mem>>) src(%arg16 : memref<8192xf32, #tpu.memory_space<vmem>>) dst(%dma_wait3A_1268 : memref<8192xf32, #tpu.memory_space<hbm>>)
        %dma_wait3A_1269 = arith.constant 0 : i32
        %dma_wait3A_1270 = tpu.memref_slice %arg4[%dma_wait3A_1269] : memref<4194304xf32, #tpu.memory_space<hbm>> -> memref<4096xf32, #tpu.memory_space<hbm>>
        %dma_wait3A_1271 = arith.constant 0 : i32
        %dma_wait3A_1272 = tpu.memref_slice %arg4[%dma_wait3A_1271] : memref<4194304xf32, #tpu.memory_space<hbm>> -> memref<4096xf32, #tpu.memory_space<hbm>>
        tpu.wait_dma2 semaphore(%arg22 : memref<!tpu.dma_semaphore, #tpu.memory_space<semaphore_mem>>) src(%arg18 : memref<4096xf32, #tpu.memory_space<vmem>>) dst(%dma_wait3A_1272 : memref<4096xf32, #tpu.memory_space<hbm>>)
      } else {
      }
      %get3A_747 = arith.constant 0 : index
      %get3A_748 = tpu.vector_load %arg12[%get3A_747] {strides = array<i32>} : memref<8192xf32, #tpu.memory_space<vmem>>, vector<16xf32>,
      %get3A_749 = arith.constant 0 : index
      %get3A_750 = tpu.vector_load %arg14[%get3A_749] {strides = array<i32>} : memref<8192xf32, #tpu.memory_space<vmem>>, vector<16xf32>,
      %mul3A_751 = arith.mulf %get3A_748, %get3A_748 : vector<16xf32>
      %mul3A_752 = arith.mulf %get3A_750, %get3A_750 : vector<16xf32>
      %parallel_loop3A_753 = arith.constant 1 : i32
      %parallel_loop3A_754 = arith.constant 256 : i32
      %parallel_loop3A_755 = arith.constant 1 : i32
      %parallel_loop3A_756:9 = scf.for %parallel_loop3A_1265 = %parallel_loop3A_753 to %parallel_loop3A_754 step %parallel_loop3A_755 iter_args(%parallel_loop3A_1266 = %get3A_748, %parallel_loop3A_1267 = %mul3A_751, %parallel_loop3A_1268 = %broadcast_in_dim3A_6, %parallel_loop3A_1269 = %broadcast_in_dim3A_6, %parallel_loop3A_1270 = %get3A_748, %parallel_loop3A_1271 = %get3A_750, %parallel_loop3A_1272 = %mul3A_752, %parallel_loop3A_1273 = %broadcast_in_dim3A_6, %parallel_loop3A_1274 = %broadcast_in_dim3A_6) -> (vector<16xf32>, vector<16xf32>, vector<16xf32>, vector<16xf32>, vector<16xf32>, vector<16xf32>, vector<16xf32>, vector<16xf32>, vector<16xf32>)  : i32 {
        %parallel_loop3A_1275 = arith.constant 32 : i32
        %parallel_loop3A_1276 = arith.muli %parallel_loop3A_1265, %parallel_loop3A_1275 : i32
        %parallel_loop3A_1277 = arith.constant 16 : i32
        %parallel_loop3A_1278 = arith.subi %parallel_loop3A_1276, %parallel_loop3A_1277 : i32
        %parallel_loop3A_1279 = arith.index_cast %parallel_loop3A_1278 : i32 to index
        %parallel_loop3A_1280 = tpu.vector_load %arg12[%parallel_loop3A_1279] {strides = array<i32>} : memref<8192xf32, #tpu.memory_space<vmem>>, vector<16xf32>,
        %parallel_loop3A_1281 = arith.constant 32 : i32
        %parallel_loop3A_1282 = arith.muli %parallel_loop3A_1265, %parallel_loop3A_1281 : i32
        %parallel_loop3A_1283 = arith.index_cast %parallel_loop3A_1282 : i32 to index
        %parallel_loop3A_1284 = tpu.vector_load %arg12[%parallel_loop3A_1283] {strides = array<i32>} : memref<8192xf32, #tpu.memory_space<vmem>>, vector<16xf32>,
        %parallel_loop3A_1285 = vector.shape_cast %and3A_11 : vector<16xi32> to vector<16x1xi32>
        %parallel_loop3A_1286 = vector.shape_cast %parallel_loop3A_1285 : vector<16x1xi32> to vector<16xi32>
        %parallel_loop3A_1287 = tpu.dynamic_gather %parallel_loop3A_1270[%parallel_loop3A_1286] in [0] : vector<16xf32>, vector<16xi32> -> vector<16xf32>
        %parallel_loop3A_1288 = vector.shape_cast %broadcast_in_dim3A_13 : vector<16xi32> to vector<16x1xi32>
        %parallel_loop3A_1289 = vector.shape_cast %parallel_loop3A_1288 : vector<16x1xi32> to vector<16xi32>
        %parallel_loop3A_1290 = tpu.dynamic_gather %parallel_loop3A_1280[%parallel_loop3A_1289] in [0] : vector<16xf32>, vector<16xi32> -> vector<16xf32>
        %parallel_loop3A_1291 = arith.select %eq3A_15, %parallel_loop3A_1290, %parallel_loop3A_1287 : vector<16xi1>, vector<16xf32>
        %parallel_loop3A_1292 = arith.addf %parallel_loop3A_1270, %parallel_loop3A_1291 : vector<16xf32>
        %parallel_loop3A_1293 = arith.constant 5.000000e-01 : f32
        %parallel_loop3A_1294 = vector.broadcast %parallel_loop3A_1293 : f32 to vector<16xf32>
        %parallel_loop3A_1295 = arith.mulf %parallel_loop3A_1292, %parallel_loop3A_1294 : vector<16xf32>
        %parallel_loop3A_1296 = arith.constant 32 : i32
        %parallel_loop3A_1297 = arith.muli %parallel_loop3A_1265, %parallel_loop3A_1296 : i32
        %parallel_loop3A_1298 = arith.constant 32 : i32
        %parallel_loop3A_1299 = arith.subi %parallel_loop3A_1297, %parallel_loop3A_1298 : i32
        %parallel_loop3A_1300 = arith.index_cast %parallel_loop3A_1299 : i32 to index
        %parallel_loop3A_1301 = tpu.vector_load %arg16[%parallel_loop3A_1300] {strides = array<i32>} : memref<8192xf32, #tpu.memory_space<vmem>>, vector<16xf32>,
        tpu.vector_store %arg16[%parallel_loop3A_1300], %parallel_loop3A_1295 {strides = array<i32>} : memref<8192xf32, #tpu.memory_space<vmem>>, vector<16xf32>,
        %parallel_loop3A_1302 = vector.shape_cast %and3A_11 : vector<16xi32> to vector<16x1xi32>
        %parallel_loop3A_1303 = vector.shape_cast %parallel_loop3A_1302 : vector<16x1xi32> to vector<16xi32>
        %parallel_loop3A_1304 = tpu.dynamic_gather %parallel_loop3A_1280[%parallel_loop3A_1303] in [0] : vector<16xf32>, vector<16xi32> -> vector<16xf32>
        %parallel_loop3A_1305 = vector.shape_cast %broadcast_in_dim3A_13 : vector<16xi32> to vector<16x1xi32>
        %parallel_loop3A_1306 = vector.shape_cast %parallel_loop3A_1305 : vector<16x1xi32> to vector<16xi32>
        %parallel_loop3A_1307 = tpu.dynamic_gather %parallel_loop3A_1284[%parallel_loop3A_1306] in [0] : vector<16xf32>, vector<16xi32> -> vector<16xf32>
        %parallel_loop3A_1308 = arith.select %eq3A_15, %parallel_loop3A_1307, %parallel_loop3A_1304 : vector<16xi1>, vector<16xf32>
        %parallel_loop3A_1309 = arith.addf %parallel_loop3A_1280, %parallel_loop3A_1308 : vector<16xf32>
        %parallel_loop3A_1310 = arith.constant 5.000000e-01 : f32
        %parallel_loop3A_1311 = vector.broadcast %parallel_loop3A_1310 : f32 to vector<16xf32>
        %parallel_loop3A_1312 = arith.mulf %parallel_loop3A_1309, %parallel_loop3A_1311 : vector<16xf32>
        %parallel_loop3A_1313 = arith.constant 32 : i32
        %parallel_loop3A_1314 = arith.muli %parallel_loop3A_1265, %parallel_loop3A_1313 : i32
        %parallel_loop3A_1315 = arith.constant 16 : i32
        %parallel_loop3A_1316 = arith.subi %parallel_loop3A_1314, %parallel_loop3A_1315 : i32
        %parallel_loop3A_1317 = arith.index_cast %parallel_loop3A_1316 : i32 to index
        %parallel_loop3A_1318 = tpu.vector_load %arg16[%parallel_loop3A_1317] {strides = array<i32>} : memref<8192xf32, #tpu.memory_space<vmem>>, vector<16xf32>,
        tpu.vector_store %arg16[%parallel_loop3A_1317], %parallel_loop3A_1312 {strides = array<i32>} : memref<8192xf32, #tpu.memory_space<vmem>>, vector<16xf32>,
        %parallel_loop3A_1319 = arith.constant 32 : i32
        %parallel_loop3A_1320 = arith.muli %parallel_loop3A_1265, %parallel_loop3A_1319 : i32
        %parallel_loop3A_1321 = arith.constant 16 : i32
        %parallel_loop3A_1322 = arith.subi %parallel_loop3A_1320, %parallel_loop3A_1321 : i32
        %parallel_loop3A_1323 = arith.index_cast %parallel_loop3A_1322 : i32 to index
        %parallel_loop3A_1324 = tpu.vector_load %arg14[%parallel_loop3A_1323] {strides = array<i32>} : memref<8192xf32, #tpu.memory_space<vmem>>, vector<16xf32>,
        %parallel_loop3A_1325 = arith.constant 32 : i32
        %parallel_loop3A_1326 = arith.muli %parallel_loop3A_1265, %parallel_loop3A_1325 : i32
        %parallel_loop3A_1327 = arith.index_cast %parallel_loop3A_1326 : i32 to index
        %parallel_loop3A_1328 = tpu.vector_load %arg14[%parallel_loop3A_1327] {strides = array<i32>} : memref<8192xf32, #tpu.memory_space<vmem>>, vector<16xf32>,
        %parallel_loop3A_1329 = arith.addf %parallel_loop3A_1266, %parallel_loop3A_1280 : vector<16xf32>
        %parallel_loop3A_1330 = arith.mulf %parallel_loop3A_1280, %parallel_loop3A_1280 : vector<16xf32>
        %parallel_loop3A_1331 = arith.addf %parallel_loop3A_1267, %parallel_loop3A_1330 : vector<16xf32>
        %parallel_loop3A_1332 = arith.addf %parallel_loop3A_1268, %parallel_loop3A_1284 : vector<16xf32>
        %parallel_loop3A_1333 = arith.mulf %parallel_loop3A_1284, %parallel_loop3A_1284 : vector<16xf32>
        %parallel_loop3A_1334 = arith.addf %parallel_loop3A_1269, %parallel_loop3A_1333 : vector<16xf32>
        %parallel_loop3A_1335 = arith.addf %parallel_loop3A_1271, %parallel_loop3A_1324 : vector<16xf32>
        %parallel_loop3A_1336 = arith.mulf %parallel_loop3A_1324, %parallel_loop3A_1324 : vector<16xf32>
        %parallel_loop3A_1337 = arith.addf %parallel_loop3A_1272, %parallel_loop3A_1336 : vector<16xf32>
        %parallel_loop3A_1338 = arith.addf %parallel_loop3A_1273, %parallel_loop3A_1328 : vector<16xf32>
        %parallel_loop3A_1339 = arith.mulf %parallel_loop3A_1328, %parallel_loop3A_1328 : vector<16xf32>
        %parallel_loop3A_1340 = arith.addf %parallel_loop3A_1274, %parallel_loop3A_1339 : vector<16xf32>
        scf.yield %parallel_loop3A_1329, %parallel_loop3A_1331, %parallel_loop3A_1332, %parallel_loop3A_1334, %parallel_loop3A_1284, %parallel_loop3A_1335, %parallel_loop3A_1337, %parallel_loop3A_1338, %parallel_loop3A_1340 : vector<16xf32>, vector<16xf32>, vector<16xf32>, vector<16xf32>, vector<16xf32>, vector<16xf32>, vector<16xf32>, vector<16xf32>, vector<16xf32>
      } {sc.loop_unroll_factor = 2 : i64, sc.parallel_access}
      %get3A_757 = arith.constant 8176 : index
      %get3A_758 = tpu.vector_load %arg12[%get3A_757] {strides = array<i32>} : memref<8192xf32, #tpu.memory_space<vmem>>, vector<16xf32>,
      %get3A_759 = arith.constant 8176 : index
      %get3A_760 = tpu.vector_load %arg14[%get3A_759] {strides = array<i32>} : memref<8192xf32, #tpu.memory_space<vmem>>, vector<16xf32>,
      %add3A_761 = arith.addf %parallel_loop3A_756#0, %get3A_758 : vector<16xf32>
      %mul3A_762 = arith.mulf %get3A_758, %get3A_758 : vector<16xf32>
      %add3A_763 = arith.addf %parallel_loop3A_756#1, %mul3A_762 : vector<16xf32>
      %add3A_764 = arith.addf %parallel_loop3A_756#5, %get3A_760 : vector<16xf32>
      %mul3A_765 = arith.mulf %get3A_760, %get3A_760 : vector<16xf32>
      %add3A_766 = arith.addf %parallel_loop3A_756#6, %mul3A_765 : vector<16xf32>
      %broadcast_in_dim3A_767 = vector.shape_cast %and3A_11 : vector<16xi32> to vector<16x1xi32>
      %gather3A_768 = vector.shape_cast %broadcast_in_dim3A_767 : vector<16x1xi32> to vector<16xi32>
      %gather3A_769 = tpu.dynamic_gather %parallel_loop3A_756#4[%gather3A_768] in [0] : vector<16xf32>, vector<16xi32> -> vector<16xf32>
      %broadcast_in_dim3A_770 = vector.shape_cast %broadcast_in_dim3A_13 : vector<16xi32> to vector<16x1xi32>
      %gather3A_771 = vector.shape_cast %broadcast_in_dim3A_770 : vector<16x1xi32> to vector<16xi32>
      %gather3A_772 = tpu.dynamic_gather %get3A_758[%gather3A_771] in [0] : vector<16xf32>, vector<16xi32> -> vector<16xf32>
      %select_n3A_773 = arith.select %eq3A_15, %gather3A_772, %gather3A_769 : vector<16xi1>, vector<16xf32>
      %add3A_774 = arith.addf %parallel_loop3A_756#4, %select_n3A_773 : vector<16xf32>
      %mul3A_775 = arith.constant 5.000000e-01 : f32
      %mul3A_776 = vector.broadcast %mul3A_775 : f32 to vector<16xf32>
      %mul3A_777 = arith.mulf %add3A_774, %mul3A_776 : vector<16xf32>
      %swap3A_778 = arith.constant 8160 : index
      %swap3A_779 = tpu.vector_load %arg16[%swap3A_778] {strides = array<i32>} : memref<8192xf32, #tpu.memory_space<vmem>>, vector<16xf32>,
      tpu.vector_store %arg16[%swap3A_778], %mul3A_777 {strides = array<i32>} : memref<8192xf32, #tpu.memory_space<vmem>>, vector<16xf32>,
      %broadcast_in_dim3A_780 = vector.shape_cast %and3A_11 : vector<16xi32> to vector<16x1xi32>
      %gather3A_781 = vector.shape_cast %broadcast_in_dim3A_780 : vector<16x1xi32> to vector<16xi32>
      %gather3A_782 = tpu.dynamic_gather %get3A_758[%gather3A_781] in [0] : vector<16xf32>, vector<16xi32> -> vector<16xf32>
      %jit3A_783 = arith.constant 0.000000e+00 : f32
      %broadcast_in_dim3A_784 = vector.broadcast %jit3A_783 : f32 to vector<16xf32>
      %select_n3A_785 = arith.select %eq3A_15, %broadcast_in_dim3A_784, %gather3A_782 : vector<16xi1>, vector<16xf32>
      %add3A_786 = arith.addf %get3A_758, %select_n3A_785 : vector<16xf32>
      %mul3A_787 = arith.constant 5.000000e-01 : f32
      %mul3A_788 = vector.broadcast %mul3A_787 : f32 to vector<16xf32>
      %mul3A_789 = arith.mulf %add3A_786, %mul3A_788 : vector<16xf32>
      %swap3A_790 = arith.constant 8176 : index
      %swap3A_791 = tpu.vector_load %arg16[%swap3A_790] {strides = array<i32>} : memref<8192xf32, #tpu.memory_space<vmem>>, vector<16xf32>,
      tpu.vector_store %arg16[%swap3A_790], %mul3A_789 {strides = array<i32>} : memref<8192xf32, #tpu.memory_space<vmem>>, vector<16xf32>,
      %add3A_792 = arith.addf %add3A_761, %parallel_loop3A_756#2 : vector<16xf32>
      %add3A_793 = arith.addf %add3A_763, %parallel_loop3A_756#3 : vector<16xf32>
      %add3A_794 = arith.constant 8 : i32
      %add3A_795 = vector.broadcast %add3A_794 : i32 to vector<16xi32>
      %add3A_796 = arith.addi %iota3A, %add3A_795 : vector<16xi32>
      %and3A_797 = arith.constant 15 : i32
      %and3A_798 = vector.broadcast %and3A_797 : i32 to vector<16xi32>
      %and3A_799 = arith.andi %add3A_796, %and3A_798 : vector<16xi32>
      %broadcast_in_dim3A_800 = vector.shape_cast %and3A_799 : vector<16xi32> to vector<16x1xi32>
      %gather3A_801 = vector.shape_cast %broadcast_in_dim3A_800 : vector<16x1xi32> to vector<16xi32>
      %gather3A_802 = tpu.dynamic_gather %add3A_792[%gather3A_801] in [0] : vector<16xf32>, vector<16xi32> -> vector<16xf32>
      %add3A_803 = arith.addf %add3A_792, %gather3A_802 : vector<16xf32>
      %add3A_804 = arith.constant 4 : i32
      %add3A_805 = vector.broadcast %add3A_804 : i32 to vector<16xi32>
      %add3A_806 = arith.addi %iota3A, %add3A_805 : vector<16xi32>
      %and3A_807 = arith.constant 15 : i32
      %and3A_808 = vector.broadcast %and3A_807 : i32 to vector<16xi32>
      %and3A_809 = arith.andi %add3A_806, %and3A_808 : vector<16xi32>
      %broadcast_in_dim3A_810 = vector.shape_cast %and3A_809 : vector<16xi32> to vector<16x1xi32>
      %gather3A_811 = vector.shape_cast %broadcast_in_dim3A_810 : vector<16x1xi32> to vector<16xi32>
      %gather3A_812 = tpu.dynamic_gather %add3A_803[%gather3A_811] in [0] : vector<16xf32>, vector<16xi32> -> vector<16xf32>
      %add3A_813 = arith.addf %add3A_803, %gather3A_812 : vector<16xf32>
      %add3A_814 = arith.constant 2 : i32
      %add3A_815 = vector.broadcast %add3A_814 : i32 to vector<16xi32>
      %add3A_816 = arith.addi %iota3A, %add3A_815 : vector<16xi32>
      %and3A_817 = arith.constant 15 : i32
      %and3A_818 = vector.broadcast %and3A_817 : i32 to vector<16xi32>
      %and3A_819 = arith.andi %add3A_816, %and3A_818 : vector<16xi32>
      %broadcast_in_dim3A_820 = vector.shape_cast %and3A_819 : vector<16xi32> to vector<16x1xi32>
      %gather3A_821 = vector.shape_cast %broadcast_in_dim3A_820 : vector<16x1xi32> to vector<16xi32>
      %gather3A_822 = tpu.dynamic_gather %add3A_813[%gather3A_821] in [0] : vector<16xf32>, vector<16xi32> -> vector<16xf32>
      %add3A_823 = arith.addf %add3A_813, %gather3A_822 : vector<16xf32>
      %add3A_824 = arith.constant 1 : i32
      %add3A_825 = vector.broadcast %add3A_824 : i32 to vector<16xi32>
      %add3A_826 = arith.addi %iota3A, %add3A_825 : vector<16xi32>
      %and3A_827 = arith.constant 15 : i32
      %and3A_828 = vector.broadcast %and3A_827 : i32 to vector<16xi32>
      %and3A_829 = arith.andi %add3A_826, %and3A_828 : vector<16xi32>
      %broadcast_in_dim3A_830 = vector.shape_cast %and3A_829 : vector<16xi32> to vector<16x1xi32>
      %gather3A_831 = vector.shape_cast %broadcast_in_dim3A_830 : vector<16x1xi32> to vector<16xi32>
      %gather3A_832 = tpu.dynamic_gather %add3A_823[%gather3A_831] in [0] : vector<16xf32>, vector<16xi32> -> vector<16xf32>
      %add3A_833 = arith.addf %add3A_823, %gather3A_832 : vector<16xf32>
      %mul3A_834 = vector.broadcast %scan3A_73 : f32 to vector<16xf32>
      %mul3A_835 = arith.mulf %add3A_833, %mul3A_834 : vector<16xf32>
      %add3A_836 = arith.constant 8 : i32
      %add3A_837 = vector.broadcast %add3A_836 : i32 to vector<16xi32>
      %add3A_838 = arith.addi %iota3A, %add3A_837 : vector<16xi32>
      %and3A_839 = arith.constant 15 : i32
      %and3A_840 = vector.broadcast %and3A_839 : i32 to vector<16xi32>
      %and3A_841 = arith.andi %add3A_838, %and3A_840 : vector<16xi32>
      %broadcast_in_dim3A_842 = vector.shape_cast %and3A_841 : vector<16xi32> to vector<16x1xi32>
      %gather3A_843 = vector.shape_cast %broadcast_in_dim3A_842 : vector<16x1xi32> to vector<16xi32>
      %gather3A_844 = tpu.dynamic_gather %add3A_793[%gather3A_843] in [0] : vector<16xf32>, vector<16xi32> -> vector<16xf32>
      %add3A_845 = arith.addf %add3A_793, %gather3A_844 : vector<16xf32>
      %add3A_846 = arith.constant 4 : i32
      %add3A_847 = vector.broadcast %add3A_846 : i32 to vector<16xi32>
      %add3A_848 = arith.addi %iota3A, %add3A_847 : vector<16xi32>
      %and3A_849 = arith.constant 15 : i32
      %and3A_850 = vector.broadcast %and3A_849 : i32 to vector<16xi32>
      %and3A_851 = arith.andi %add3A_848, %and3A_850 : vector<16xi32>
      %broadcast_in_dim3A_852 = vector.shape_cast %and3A_851 : vector<16xi32> to vector<16x1xi32>
      %gather3A_853 = vector.shape_cast %broadcast_in_dim3A_852 : vector<16x1xi32> to vector<16xi32>
      %gather3A_854 = tpu.dynamic_gather %add3A_845[%gather3A_853] in [0] : vector<16xf32>, vector<16xi32> -> vector<16xf32>
      %add3A_855 = arith.addf %add3A_845, %gather3A_854 : vector<16xf32>
      %add3A_856 = arith.constant 2 : i32
      %add3A_857 = vector.broadcast %add3A_856 : i32 to vector<16xi32>
      %add3A_858 = arith.addi %iota3A, %add3A_857 : vector<16xi32>
      %and3A_859 = arith.constant 15 : i32
      %and3A_860 = vector.broadcast %and3A_859 : i32 to vector<16xi32>
      %and3A_861 = arith.andi %add3A_858, %and3A_860 : vector<16xi32>
      %broadcast_in_dim3A_862 = vector.shape_cast %and3A_861 : vector<16xi32> to vector<16x1xi32>
      %gather3A_863 = vector.shape_cast %broadcast_in_dim3A_862 : vector<16x1xi32> to vector<16xi32>
      %gather3A_864 = tpu.dynamic_gather %add3A_855[%gather3A_863] in [0] : vector<16xf32>, vector<16xi32> -> vector<16xf32>
      %add3A_865 = arith.addf %add3A_855, %gather3A_864 : vector<16xf32>
      %add3A_866 = arith.constant 1 : i32
      %add3A_867 = vector.broadcast %add3A_866 : i32 to vector<16xi32>
      %add3A_868 = arith.addi %iota3A, %add3A_867 : vector<16xi32>
      %and3A_869 = arith.constant 15 : i32
      %and3A_870 = vector.broadcast %and3A_869 : i32 to vector<16xi32>
      %and3A_871 = arith.andi %add3A_868, %and3A_870 : vector<16xi32>
      %broadcast_in_dim3A_872 = vector.shape_cast %and3A_871 : vector<16xi32> to vector<16x1xi32>
      %gather3A_873 = vector.shape_cast %broadcast_in_dim3A_872 : vector<16x1xi32> to vector<16xi32>
      %gather3A_874 = tpu.dynamic_gather %add3A_865[%gather3A_873] in [0] : vector<16xf32>, vector<16xi32> -> vector<16xf32>
      %add3A_875 = arith.addf %add3A_865, %gather3A_874 : vector<16xf32>
      %mul3A_876 = vector.broadcast %scan3A_73 : f32 to vector<16xf32>
      %mul3A_877 = arith.mulf %add3A_875, %mul3A_876 : vector<16xf32>
      %mul3A_878 = arith.mulf %mul3A_835, %mul3A_835 : vector<16xf32>
      %sub3A_879 = arith.subf %mul3A_877, %mul3A_878 : vector<16xf32>
      %add3A_880 = arith.addf %add3A_764, %parallel_loop3A_756#7 : vector<16xf32>
      %add3A_881 = arith.addf %add3A_766, %parallel_loop3A_756#8 : vector<16xf32>
      %add3A_882 = arith.constant 8 : i32
      %add3A_883 = vector.broadcast %add3A_882 : i32 to vector<16xi32>
      %add3A_884 = arith.addi %iota3A, %add3A_883 : vector<16xi32>
      %and3A_885 = arith.constant 15 : i32
      %and3A_886 = vector.broadcast %and3A_885 : i32 to vector<16xi32>
      %and3A_887 = arith.andi %add3A_884, %and3A_886 : vector<16xi32>
      %broadcast_in_dim3A_888 = vector.shape_cast %and3A_887 : vector<16xi32> to vector<16x1xi32>
      %gather3A_889 = vector.shape_cast %broadcast_in_dim3A_888 : vector<16x1xi32> to vector<16xi32>
      %gather3A_890 = tpu.dynamic_gather %add3A_880[%gather3A_889] in [0] : vector<16xf32>, vector<16xi32> -> vector<16xf32>
      %add3A_891 = arith.addf %add3A_880, %gather3A_890 : vector<16xf32>
      %add3A_892 = arith.constant 4 : i32
      %add3A_893 = vector.broadcast %add3A_892 : i32 to vector<16xi32>
      %add3A_894 = arith.addi %iota3A, %add3A_893 : vector<16xi32>
      %and3A_895 = arith.constant 15 : i32
      %and3A_896 = vector.broadcast %and3A_895 : i32 to vector<16xi32>
      %and3A_897 = arith.andi %add3A_894, %and3A_896 : vector<16xi32>
      %broadcast_in_dim3A_898 = vector.shape_cast %and3A_897 : vector<16xi32> to vector<16x1xi32>
      %gather3A_899 = vector.shape_cast %broadcast_in_dim3A_898 : vector<16x1xi32> to vector<16xi32>
      %gather3A_900 = tpu.dynamic_gather %add3A_891[%gather3A_899] in [0] : vector<16xf32>, vector<16xi32> -> vector<16xf32>
      %add3A_901 = arith.addf %add3A_891, %gather3A_900 : vector<16xf32>
      %add3A_902 = arith.constant 2 : i32
      %add3A_903 = vector.broadcast %add3A_902 : i32 to vector<16xi32>
      %add3A_904 = arith.addi %iota3A, %add3A_903 : vector<16xi32>
      %and3A_905 = arith.constant 15 : i32
      %and3A_906 = vector.broadcast %and3A_905 : i32 to vector<16xi32>
      %and3A_907 = arith.andi %add3A_904, %and3A_906 : vector<16xi32>
      %broadcast_in_dim3A_908 = vector.shape_cast %and3A_907 : vector<16xi32> to vector<16x1xi32>
      %gather3A_909 = vector.shape_cast %broadcast_in_dim3A_908 : vector<16x1xi32> to vector<16xi32>
      %gather3A_910 = tpu.dynamic_gather %add3A_901[%gather3A_909] in [0] : vector<16xf32>, vector<16xi32> -> vector<16xf32>
      %add3A_911 = arith.addf %add3A_901, %gather3A_910 : vector<16xf32>
      %add3A_912 = arith.constant 1 : i32
      %add3A_913 = vector.broadcast %add3A_912 : i32 to vector<16xi32>
      %add3A_914 = arith.addi %iota3A, %add3A_913 : vector<16xi32>
      %and3A_915 = arith.constant 15 : i32
      %and3A_916 = vector.broadcast %and3A_915 : i32 to vector<16xi32>
      %and3A_917 = arith.andi %add3A_914, %and3A_916 : vector<16xi32>
      %broadcast_in_dim3A_918 = vector.shape_cast %and3A_917 : vector<16xi32> to vector<16x1xi32>
      %gather3A_919 = vector.shape_cast %broadcast_in_dim3A_918 : vector<16x1xi32> to vector<16xi32>
      %gather3A_920 = tpu.dynamic_gather %add3A_911[%gather3A_919] in [0] : vector<16xf32>, vector<16xi32> -> vector<16xf32>
      %add3A_921 = arith.addf %add3A_911, %gather3A_920 : vector<16xf32>
      %mul3A_922 = vector.broadcast %scan3A_73 : f32 to vector<16xf32>
      %mul3A_923 = arith.mulf %add3A_921, %mul3A_922 : vector<16xf32>
      %add3A_924 = arith.constant 8 : i32
      %add3A_925 = vector.broadcast %add3A_924 : i32 to vector<16xi32>
      %add3A_926 = arith.addi %iota3A, %add3A_925 : vector<16xi32>
      %and3A_927 = arith.constant 15 : i32
      %and3A_928 = vector.broadcast %and3A_927 : i32 to vector<16xi32>
      %and3A_929 = arith.andi %add3A_926, %and3A_928 : vector<16xi32>
      %broadcast_in_dim3A_930 = vector.shape_cast %and3A_929 : vector<16xi32> to vector<16x1xi32>
      %gather3A_931 = vector.shape_cast %broadcast_in_dim3A_930 : vector<16x1xi32> to vector<16xi32>
      %gather3A_932 = tpu.dynamic_gather %add3A_881[%gather3A_931] in [0] : vector<16xf32>, vector<16xi32> -> vector<16xf32>
      %add3A_933 = arith.addf %add3A_881, %gather3A_932 : vector<16xf32>
      %add3A_934 = arith.constant 4 : i32
      %add3A_935 = vector.broadcast %add3A_934 : i32 to vector<16xi32>
      %add3A_936 = arith.addi %iota3A, %add3A_935 : vector<16xi32>
      %and3A_937 = arith.constant 15 : i32
      %and3A_938 = vector.broadcast %and3A_937 : i32 to vector<16xi32>
      %and3A_939 = arith.andi %add3A_936, %and3A_938 : vector<16xi32>
      %broadcast_in_dim3A_940 = vector.shape_cast %and3A_939 : vector<16xi32> to vector<16x1xi32>
      %gather3A_941 = vector.shape_cast %broadcast_in_dim3A_940 : vector<16x1xi32> to vector<16xi32>
      %gather3A_942 = tpu.dynamic_gather %add3A_933[%gather3A_941] in [0] : vector<16xf32>, vector<16xi32> -> vector<16xf32>
      %add3A_943 = arith.addf %add3A_933, %gather3A_942 : vector<16xf32>
      %add3A_944 = arith.constant 2 : i32
      %add3A_945 = vector.broadcast %add3A_944 : i32 to vector<16xi32>
      %add3A_946 = arith.addi %iota3A, %add3A_945 : vector<16xi32>
      %and3A_947 = arith.constant 15 : i32
      %and3A_948 = vector.broadcast %and3A_947 : i32 to vector<16xi32>
      %and3A_949 = arith.andi %add3A_946, %and3A_948 : vector<16xi32>
      %broadcast_in_dim3A_950 = vector.shape_cast %and3A_949 : vector<16xi32> to vector<16x1xi32>
      %gather3A_951 = vector.shape_cast %broadcast_in_dim3A_950 : vector<16x1xi32> to vector<16xi32>
      %gather3A_952 = tpu.dynamic_gather %add3A_943[%gather3A_951] in [0] : vector<16xf32>, vector<16xi32> -> vector<16xf32>
      %add3A_953 = arith.addf %add3A_943, %gather3A_952 : vector<16xf32>
      %add3A_954 = arith.constant 1 : i32
      %add3A_955 = vector.broadcast %add3A_954 : i32 to vector<16xi32>
      %add3A_956 = arith.addi %iota3A, %add3A_955 : vector<16xi32>
      %and3A_957 = arith.constant 15 : i32
      %and3A_958 = vector.broadcast %and3A_957 : i32 to vector<16xi32>
      %and3A_959 = arith.andi %add3A_956, %and3A_958 : vector<16xi32>
      %broadcast_in_dim3A_960 = vector.shape_cast %and3A_959 : vector<16xi32> to vector<16x1xi32>
      %gather3A_961 = vector.shape_cast %broadcast_in_dim3A_960 : vector<16x1xi32> to vector<16xi32>
      %gather3A_962 = tpu.dynamic_gather %add3A_953[%gather3A_961] in [0] : vector<16xf32>, vector<16xi32> -> vector<16xf32>
      %add3A_963 = arith.addf %add3A_953, %gather3A_962 : vector<16xf32>
      %mul3A_964 = vector.broadcast %scan3A_73 : f32 to vector<16xf32>
      %mul3A_965 = arith.mulf %add3A_963, %mul3A_964 : vector<16xf32>
      %mul3A_966 = arith.mulf %mul3A_923, %mul3A_923 : vector<16xf32>
      %sub3A_967 = arith.subf %mul3A_965, %mul3A_966 : vector<16xf32>
      %get3A_968 = arith.constant 0 : index
      %get3A_969 = tpu.vector_load %arg13[%get3A_968] {strides = array<i32>} : memref<8192xf32, #tpu.memory_space<vmem>>, vector<16xf32>,
      %get3A_970 = arith.constant 0 : index
      %get3A_971 = tpu.vector_load %arg15[%get3A_970] {strides = array<i32>} : memref<8192xf32, #tpu.memory_space<vmem>>, vector<16xf32>,
      %mul3A_972 = arith.mulf %get3A_969, %get3A_969 : vector<16xf32>
      %mul3A_973 = arith.mulf %get3A_971, %get3A_971 : vector<16xf32>
      %parallel_loop3A_974 = arith.constant 1 : i32
      %parallel_loop3A_975 = arith.constant 256 : i32
      %parallel_loop3A_976 = arith.constant 1 : i32
      %parallel_loop3A_977:9 = scf.for %parallel_loop3A_1265 = %parallel_loop3A_974 to %parallel_loop3A_975 step %parallel_loop3A_976 iter_args(%parallel_loop3A_1266 = %get3A_969, %parallel_loop3A_1267 = %mul3A_972, %parallel_loop3A_1268 = %broadcast_in_dim3A_6, %parallel_loop3A_1269 = %broadcast_in_dim3A_6, %parallel_loop3A_1270 = %get3A_969, %parallel_loop3A_1271 = %get3A_971, %parallel_loop3A_1272 = %mul3A_973, %parallel_loop3A_1273 = %broadcast_in_dim3A_6, %parallel_loop3A_1274 = %broadcast_in_dim3A_6) -> (vector<16xf32>, vector<16xf32>, vector<16xf32>, vector<16xf32>, vector<16xf32>, vector<16xf32>, vector<16xf32>, vector<16xf32>, vector<16xf32>)  : i32 {
        %parallel_loop3A_1275 = arith.constant 32 : i32
        %parallel_loop3A_1276 = arith.muli %parallel_loop3A_1265, %parallel_loop3A_1275 : i32
        %parallel_loop3A_1277 = arith.constant 16 : i32
        %parallel_loop3A_1278 = arith.subi %parallel_loop3A_1276, %parallel_loop3A_1277 : i32
        %parallel_loop3A_1279 = arith.index_cast %parallel_loop3A_1278 : i32 to index
        %parallel_loop3A_1280 = tpu.vector_load %arg13[%parallel_loop3A_1279] {strides = array<i32>} : memref<8192xf32, #tpu.memory_space<vmem>>, vector<16xf32>,
        %parallel_loop3A_1281 = arith.constant 32 : i32
        %parallel_loop3A_1282 = arith.muli %parallel_loop3A_1265, %parallel_loop3A_1281 : i32
        %parallel_loop3A_1283 = arith.index_cast %parallel_loop3A_1282 : i32 to index
        %parallel_loop3A_1284 = tpu.vector_load %arg13[%parallel_loop3A_1283] {strides = array<i32>} : memref<8192xf32, #tpu.memory_space<vmem>>, vector<16xf32>,
        %parallel_loop3A_1285 = vector.shape_cast %and3A_11 : vector<16xi32> to vector<16x1xi32>
        %parallel_loop3A_1286 = vector.shape_cast %parallel_loop3A_1285 : vector<16x1xi32> to vector<16xi32>
        %parallel_loop3A_1287 = tpu.dynamic_gather %parallel_loop3A_1270[%parallel_loop3A_1286] in [0] : vector<16xf32>, vector<16xi32> -> vector<16xf32>
        %parallel_loop3A_1288 = vector.shape_cast %broadcast_in_dim3A_13 : vector<16xi32> to vector<16x1xi32>
        %parallel_loop3A_1289 = vector.shape_cast %parallel_loop3A_1288 : vector<16x1xi32> to vector<16xi32>
        %parallel_loop3A_1290 = tpu.dynamic_gather %parallel_loop3A_1280[%parallel_loop3A_1289] in [0] : vector<16xf32>, vector<16xi32> -> vector<16xf32>
        %parallel_loop3A_1291 = arith.select %eq3A_15, %parallel_loop3A_1290, %parallel_loop3A_1287 : vector<16xi1>, vector<16xf32>
        %parallel_loop3A_1292 = arith.addf %parallel_loop3A_1270, %parallel_loop3A_1291 : vector<16xf32>
        %parallel_loop3A_1293 = arith.constant 5.000000e-01 : f32
        %parallel_loop3A_1294 = vector.broadcast %parallel_loop3A_1293 : f32 to vector<16xf32>
        %parallel_loop3A_1295 = arith.mulf %parallel_loop3A_1292, %parallel_loop3A_1294 : vector<16xf32>
        %parallel_loop3A_1296 = arith.constant 32 : i32
        %parallel_loop3A_1297 = arith.muli %parallel_loop3A_1265, %parallel_loop3A_1296 : i32
        %parallel_loop3A_1298 = arith.constant 32 : i32
        %parallel_loop3A_1299 = arith.subi %parallel_loop3A_1297, %parallel_loop3A_1298 : i32
        %parallel_loop3A_1300 = arith.index_cast %parallel_loop3A_1299 : i32 to index
        %parallel_loop3A_1301 = tpu.vector_load %arg17[%parallel_loop3A_1300] {strides = array<i32>} : memref<8192xf32, #tpu.memory_space<vmem>>, vector<16xf32>,
        tpu.vector_store %arg17[%parallel_loop3A_1300], %parallel_loop3A_1295 {strides = array<i32>} : memref<8192xf32, #tpu.memory_space<vmem>>, vector<16xf32>,
        %parallel_loop3A_1302 = vector.shape_cast %and3A_11 : vector<16xi32> to vector<16x1xi32>
        %parallel_loop3A_1303 = vector.shape_cast %parallel_loop3A_1302 : vector<16x1xi32> to vector<16xi32>
        %parallel_loop3A_1304 = tpu.dynamic_gather %parallel_loop3A_1280[%parallel_loop3A_1303] in [0] : vector<16xf32>, vector<16xi32> -> vector<16xf32>
        %parallel_loop3A_1305 = vector.shape_cast %broadcast_in_dim3A_13 : vector<16xi32> to vector<16x1xi32>
        %parallel_loop3A_1306 = vector.shape_cast %parallel_loop3A_1305 : vector<16x1xi32> to vector<16xi32>
        %parallel_loop3A_1307 = tpu.dynamic_gather %parallel_loop3A_1284[%parallel_loop3A_1306] in [0] : vector<16xf32>, vector<16xi32> -> vector<16xf32>
        %parallel_loop3A_1308 = arith.select %eq3A_15, %parallel_loop3A_1307, %parallel_loop3A_1304 : vector<16xi1>, vector<16xf32>
        %parallel_loop3A_1309 = arith.addf %parallel_loop3A_1280, %parallel_loop3A_1308 : vector<16xf32>
        %parallel_loop3A_1310 = arith.constant 5.000000e-01 : f32
        %parallel_loop3A_1311 = vector.broadcast %parallel_loop3A_1310 : f32 to vector<16xf32>
        %parallel_loop3A_1312 = arith.mulf %parallel_loop3A_1309, %parallel_loop3A_1311 : vector<16xf32>
        %parallel_loop3A_1313 = arith.constant 32 : i32
        %parallel_loop3A_1314 = arith.muli %parallel_loop3A_1265, %parallel_loop3A_1313 : i32
        %parallel_loop3A_1315 = arith.constant 16 : i32
        %parallel_loop3A_1316 = arith.subi %parallel_loop3A_1314, %parallel_loop3A_1315 : i32
        %parallel_loop3A_1317 = arith.index_cast %parallel_loop3A_1316 : i32 to index
        %parallel_loop3A_1318 = tpu.vector_load %arg17[%parallel_loop3A_1317] {strides = array<i32>} : memref<8192xf32, #tpu.memory_space<vmem>>, vector<16xf32>,
        tpu.vector_store %arg17[%parallel_loop3A_1317], %parallel_loop3A_1312 {strides = array<i32>} : memref<8192xf32, #tpu.memory_space<vmem>>, vector<16xf32>,
        %parallel_loop3A_1319 = arith.constant 32 : i32
        %parallel_loop3A_1320 = arith.muli %parallel_loop3A_1265, %parallel_loop3A_1319 : i32
        %parallel_loop3A_1321 = arith.constant 16 : i32
        %parallel_loop3A_1322 = arith.subi %parallel_loop3A_1320, %parallel_loop3A_1321 : i32
        %parallel_loop3A_1323 = arith.index_cast %parallel_loop3A_1322 : i32 to index
        %parallel_loop3A_1324 = tpu.vector_load %arg15[%parallel_loop3A_1323] {strides = array<i32>} : memref<8192xf32, #tpu.memory_space<vmem>>, vector<16xf32>,
        %parallel_loop3A_1325 = arith.constant 32 : i32
        %parallel_loop3A_1326 = arith.muli %parallel_loop3A_1265, %parallel_loop3A_1325 : i32
        %parallel_loop3A_1327 = arith.index_cast %parallel_loop3A_1326 : i32 to index
        %parallel_loop3A_1328 = tpu.vector_load %arg15[%parallel_loop3A_1327] {strides = array<i32>} : memref<8192xf32, #tpu.memory_space<vmem>>, vector<16xf32>,
        %parallel_loop3A_1329 = arith.addf %parallel_loop3A_1266, %parallel_loop3A_1280 : vector<16xf32>
        %parallel_loop3A_1330 = arith.mulf %parallel_loop3A_1280, %parallel_loop3A_1280 : vector<16xf32>
        %parallel_loop3A_1331 = arith.addf %parallel_loop3A_1267, %parallel_loop3A_1330 : vector<16xf32>
        %parallel_loop3A_1332 = arith.addf %parallel_loop3A_1268, %parallel_loop3A_1284 : vector<16xf32>
        %parallel_loop3A_1333 = arith.mulf %parallel_loop3A_1284, %parallel_loop3A_1284 : vector<16xf32>
        %parallel_loop3A_1334 = arith.addf %parallel_loop3A_1269, %parallel_loop3A_1333 : vector<16xf32>
        %parallel_loop3A_1335 = arith.addf %parallel_loop3A_1271, %parallel_loop3A_1324 : vector<16xf32>
        %parallel_loop3A_1336 = arith.mulf %parallel_loop3A_1324, %parallel_loop3A_1324 : vector<16xf32>
        %parallel_loop3A_1337 = arith.addf %parallel_loop3A_1272, %parallel_loop3A_1336 : vector<16xf32>
        %parallel_loop3A_1338 = arith.addf %parallel_loop3A_1273, %parallel_loop3A_1328 : vector<16xf32>
        %parallel_loop3A_1339 = arith.mulf %parallel_loop3A_1328, %parallel_loop3A_1328 : vector<16xf32>
        %parallel_loop3A_1340 = arith.addf %parallel_loop3A_1274, %parallel_loop3A_1339 : vector<16xf32>
        scf.yield %parallel_loop3A_1329, %parallel_loop3A_1331, %parallel_loop3A_1332, %parallel_loop3A_1334, %parallel_loop3A_1284, %parallel_loop3A_1335, %parallel_loop3A_1337, %parallel_loop3A_1338, %parallel_loop3A_1340 : vector<16xf32>, vector<16xf32>, vector<16xf32>, vector<16xf32>, vector<16xf32>, vector<16xf32>, vector<16xf32>, vector<16xf32>, vector<16xf32>
      } {sc.loop_unroll_factor = 2 : i64, sc.parallel_access}
      %get3A_978 = arith.constant 8176 : index
      %get3A_979 = tpu.vector_load %arg13[%get3A_978] {strides = array<i32>} : memref<8192xf32, #tpu.memory_space<vmem>>, vector<16xf32>,
      %get3A_980 = arith.constant 8176 : index
      %get3A_981 = tpu.vector_load %arg15[%get3A_980] {strides = array<i32>} : memref<8192xf32, #tpu.memory_space<vmem>>, vector<16xf32>,
      %add3A_982 = arith.addf %parallel_loop3A_977#0, %get3A_979 : vector<16xf32>
      %mul3A_983 = arith.mulf %get3A_979, %get3A_979 : vector<16xf32>
      %add3A_984 = arith.addf %parallel_loop3A_977#1, %mul3A_983 : vector<16xf32>
      %add3A_985 = arith.addf %parallel_loop3A_977#5, %get3A_981 : vector<16xf32>
      %mul3A_986 = arith.mulf %get3A_981, %get3A_981 : vector<16xf32>
      %add3A_987 = arith.addf %parallel_loop3A_977#6, %mul3A_986 : vector<16xf32>
      %broadcast_in_dim3A_988 = vector.shape_cast %and3A_11 : vector<16xi32> to vector<16x1xi32>
      %gather3A_989 = vector.shape_cast %broadcast_in_dim3A_988 : vector<16x1xi32> to vector<16xi32>
      %gather3A_990 = tpu.dynamic_gather %parallel_loop3A_977#4[%gather3A_989] in [0] : vector<16xf32>, vector<16xi32> -> vector<16xf32>
      %broadcast_in_dim3A_991 = vector.shape_cast %broadcast_in_dim3A_13 : vector<16xi32> to vector<16x1xi32>
      %gather3A_992 = vector.shape_cast %broadcast_in_dim3A_991 : vector<16x1xi32> to vector<16xi32>
      %gather3A_993 = tpu.dynamic_gather %get3A_979[%gather3A_992] in [0] : vector<16xf32>, vector<16xi32> -> vector<16xf32>
      %select_n3A_994 = arith.select %eq3A_15, %gather3A_993, %gather3A_990 : vector<16xi1>, vector<16xf32>
      %add3A_995 = arith.addf %parallel_loop3A_977#4, %select_n3A_994 : vector<16xf32>
      %mul3A_996 = arith.constant 5.000000e-01 : f32
      %mul3A_997 = vector.broadcast %mul3A_996 : f32 to vector<16xf32>
      %mul3A_998 = arith.mulf %add3A_995, %mul3A_997 : vector<16xf32>
      %swap3A_999 = arith.constant 8160 : index
      %swap3A_1000 = tpu.vector_load %arg17[%swap3A_999] {strides = array<i32>} : memref<8192xf32, #tpu.memory_space<vmem>>, vector<16xf32>,
      tpu.vector_store %arg17[%swap3A_999], %mul3A_998 {strides = array<i32>} : memref<8192xf32, #tpu.memory_space<vmem>>, vector<16xf32>,
      %broadcast_in_dim3A_1001 = vector.shape_cast %and3A_11 : vector<16xi32> to vector<16x1xi32>
      %gather3A_1002 = vector.shape_cast %broadcast_in_dim3A_1001 : vector<16x1xi32> to vector<16xi32>
      %gather3A_1003 = tpu.dynamic_gather %get3A_979[%gather3A_1002] in [0] : vector<16xf32>, vector<16xi32> -> vector<16xf32>
      %jit3A_1004 = arith.constant 0.000000e+00 : f32
      %broadcast_in_dim3A_1005 = vector.broadcast %jit3A_1004 : f32 to vector<16xf32>
      %select_n3A_1006 = arith.select %eq3A_15, %broadcast_in_dim3A_1005, %gather3A_1003 : vector<16xi1>, vector<16xf32>
      %add3A_1007 = arith.addf %get3A_979, %select_n3A_1006 : vector<16xf32>
      %mul3A_1008 = arith.constant 5.000000e-01 : f32
      %mul3A_1009 = vector.broadcast %mul3A_1008 : f32 to vector<16xf32>
      %mul3A_1010 = arith.mulf %add3A_1007, %mul3A_1009 : vector<16xf32>
      %swap3A_1011 = arith.constant 8176 : index
      %swap3A_1012 = tpu.vector_load %arg17[%swap3A_1011] {strides = array<i32>} : memref<8192xf32, #tpu.memory_space<vmem>>, vector<16xf32>,
      tpu.vector_store %arg17[%swap3A_1011], %mul3A_1010 {strides = array<i32>} : memref<8192xf32, #tpu.memory_space<vmem>>, vector<16xf32>,
      %add3A_1013 = arith.addf %add3A_982, %parallel_loop3A_977#2 : vector<16xf32>
      %add3A_1014 = arith.addf %add3A_984, %parallel_loop3A_977#3 : vector<16xf32>
      %add3A_1015 = arith.constant 8 : i32
      %add3A_1016 = vector.broadcast %add3A_1015 : i32 to vector<16xi32>
      %add3A_1017 = arith.addi %iota3A, %add3A_1016 : vector<16xi32>
      %and3A_1018 = arith.constant 15 : i32
      %and3A_1019 = vector.broadcast %and3A_1018 : i32 to vector<16xi32>
      %and3A_1020 = arith.andi %add3A_1017, %and3A_1019 : vector<16xi32>
      %broadcast_in_dim3A_1021 = vector.shape_cast %and3A_1020 : vector<16xi32> to vector<16x1xi32>
      %gather3A_1022 = vector.shape_cast %broadcast_in_dim3A_1021 : vector<16x1xi32> to vector<16xi32>
      %gather3A_1023 = tpu.dynamic_gather %add3A_1013[%gather3A_1022] in [0] : vector<16xf32>, vector<16xi32> -> vector<16xf32>
      %add3A_1024 = arith.addf %add3A_1013, %gather3A_1023 : vector<16xf32>
      %add3A_1025 = arith.constant 4 : i32
      %add3A_1026 = vector.broadcast %add3A_1025 : i32 to vector<16xi32>
      %add3A_1027 = arith.addi %iota3A, %add3A_1026 : vector<16xi32>
      %and3A_1028 = arith.constant 15 : i32
      %and3A_1029 = vector.broadcast %and3A_1028 : i32 to vector<16xi32>
      %and3A_1030 = arith.andi %add3A_1027, %and3A_1029 : vector<16xi32>
      %broadcast_in_dim3A_1031 = vector.shape_cast %and3A_1030 : vector<16xi32> to vector<16x1xi32>
      %gather3A_1032 = vector.shape_cast %broadcast_in_dim3A_1031 : vector<16x1xi32> to vector<16xi32>
      %gather3A_1033 = tpu.dynamic_gather %add3A_1024[%gather3A_1032] in [0] : vector<16xf32>, vector<16xi32> -> vector<16xf32>
      %add3A_1034 = arith.addf %add3A_1024, %gather3A_1033 : vector<16xf32>
      %add3A_1035 = arith.constant 2 : i32
      %add3A_1036 = vector.broadcast %add3A_1035 : i32 to vector<16xi32>
      %add3A_1037 = arith.addi %iota3A, %add3A_1036 : vector<16xi32>
      %and3A_1038 = arith.constant 15 : i32
      %and3A_1039 = vector.broadcast %and3A_1038 : i32 to vector<16xi32>
      %and3A_1040 = arith.andi %add3A_1037, %and3A_1039 : vector<16xi32>
      %broadcast_in_dim3A_1041 = vector.shape_cast %and3A_1040 : vector<16xi32> to vector<16x1xi32>
      %gather3A_1042 = vector.shape_cast %broadcast_in_dim3A_1041 : vector<16x1xi32> to vector<16xi32>
      %gather3A_1043 = tpu.dynamic_gather %add3A_1034[%gather3A_1042] in [0] : vector<16xf32>, vector<16xi32> -> vector<16xf32>
      %add3A_1044 = arith.addf %add3A_1034, %gather3A_1043 : vector<16xf32>
      %add3A_1045 = arith.constant 1 : i32
      %add3A_1046 = vector.broadcast %add3A_1045 : i32 to vector<16xi32>
      %add3A_1047 = arith.addi %iota3A, %add3A_1046 : vector<16xi32>
      %and3A_1048 = arith.constant 15 : i32
      %and3A_1049 = vector.broadcast %and3A_1048 : i32 to vector<16xi32>
      %and3A_1050 = arith.andi %add3A_1047, %and3A_1049 : vector<16xi32>
      %broadcast_in_dim3A_1051 = vector.shape_cast %and3A_1050 : vector<16xi32> to vector<16x1xi32>
      %gather3A_1052 = vector.shape_cast %broadcast_in_dim3A_1051 : vector<16x1xi32> to vector<16xi32>
      %gather3A_1053 = tpu.dynamic_gather %add3A_1044[%gather3A_1052] in [0] : vector<16xf32>, vector<16xi32> -> vector<16xf32>
      %add3A_1054 = arith.addf %add3A_1044, %gather3A_1053 : vector<16xf32>
      %mul3A_1055 = vector.broadcast %scan3A_73 : f32 to vector<16xf32>
      %mul3A_1056 = arith.mulf %add3A_1054, %mul3A_1055 : vector<16xf32>
      %add3A_1057 = arith.constant 8 : i32
      %add3A_1058 = vector.broadcast %add3A_1057 : i32 to vector<16xi32>
      %add3A_1059 = arith.addi %iota3A, %add3A_1058 : vector<16xi32>
      %and3A_1060 = arith.constant 15 : i32
      %and3A_1061 = vector.broadcast %and3A_1060 : i32 to vector<16xi32>
      %and3A_1062 = arith.andi %add3A_1059, %and3A_1061 : vector<16xi32>
      %broadcast_in_dim3A_1063 = vector.shape_cast %and3A_1062 : vector<16xi32> to vector<16x1xi32>
      %gather3A_1064 = vector.shape_cast %broadcast_in_dim3A_1063 : vector<16x1xi32> to vector<16xi32>
      %gather3A_1065 = tpu.dynamic_gather %add3A_1014[%gather3A_1064] in [0] : vector<16xf32>, vector<16xi32> -> vector<16xf32>
      %add3A_1066 = arith.addf %add3A_1014, %gather3A_1065 : vector<16xf32>
      %add3A_1067 = arith.constant 4 : i32
      %add3A_1068 = vector.broadcast %add3A_1067 : i32 to vector<16xi32>
      %add3A_1069 = arith.addi %iota3A, %add3A_1068 : vector<16xi32>
      %and3A_1070 = arith.constant 15 : i32
      %and3A_1071 = vector.broadcast %and3A_1070 : i32 to vector<16xi32>
      %and3A_1072 = arith.andi %add3A_1069, %and3A_1071 : vector<16xi32>
      %broadcast_in_dim3A_1073 = vector.shape_cast %and3A_1072 : vector<16xi32> to vector<16x1xi32>
      %gather3A_1074 = vector.shape_cast %broadcast_in_dim3A_1073 : vector<16x1xi32> to vector<16xi32>
      %gather3A_1075 = tpu.dynamic_gather %add3A_1066[%gather3A_1074] in [0] : vector<16xf32>, vector<16xi32> -> vector<16xf32>
      %add3A_1076 = arith.addf %add3A_1066, %gather3A_1075 : vector<16xf32>
      %add3A_1077 = arith.constant 2 : i32
      %add3A_1078 = vector.broadcast %add3A_1077 : i32 to vector<16xi32>
      %add3A_1079 = arith.addi %iota3A, %add3A_1078 : vector<16xi32>
      %and3A_1080 = arith.constant 15 : i32
      %and3A_1081 = vector.broadcast %and3A_1080 : i32 to vector<16xi32>
      %and3A_1082 = arith.andi %add3A_1079, %and3A_1081 : vector<16xi32>
      %broadcast_in_dim3A_1083 = vector.shape_cast %and3A_1082 : vector<16xi32> to vector<16x1xi32>
      %gather3A_1084 = vector.shape_cast %broadcast_in_dim3A_1083 : vector<16x1xi32> to vector<16xi32>
      %gather3A_1085 = tpu.dynamic_gather %add3A_1076[%gather3A_1084] in [0] : vector<16xf32>, vector<16xi32> -> vector<16xf32>
      %add3A_1086 = arith.addf %add3A_1076, %gather3A_1085 : vector<16xf32>
      %add3A_1087 = arith.constant 1 : i32
      %add3A_1088 = vector.broadcast %add3A_1087 : i32 to vector<16xi32>
      %add3A_1089 = arith.addi %iota3A, %add3A_1088 : vector<16xi32>
      %and3A_1090 = arith.constant 15 : i32
      %and3A_1091 = vector.broadcast %and3A_1090 : i32 to vector<16xi32>
      %and3A_1092 = arith.andi %add3A_1089, %and3A_1091 : vector<16xi32>
      %broadcast_in_dim3A_1093 = vector.shape_cast %and3A_1092 : vector<16xi32> to vector<16x1xi32>
      %gather3A_1094 = vector.shape_cast %broadcast_in_dim3A_1093 : vector<16x1xi32> to vector<16xi32>
      %gather3A_1095 = tpu.dynamic_gather %add3A_1086[%gather3A_1094] in [0] : vector<16xf32>, vector<16xi32> -> vector<16xf32>
      %add3A_1096 = arith.addf %add3A_1086, %gather3A_1095 : vector<16xf32>
      %mul3A_1097 = vector.broadcast %scan3A_73 : f32 to vector<16xf32>
      %mul3A_1098 = arith.mulf %add3A_1096, %mul3A_1097 : vector<16xf32>
      %mul3A_1099 = arith.mulf %mul3A_1056, %mul3A_1056 : vector<16xf32>
      %sub3A_1100 = arith.subf %mul3A_1098, %mul3A_1099 : vector<16xf32>
      %add3A_1101 = arith.addf %add3A_985, %parallel_loop3A_977#7 : vector<16xf32>
      %add3A_1102 = arith.addf %add3A_987, %parallel_loop3A_977#8 : vector<16xf32>
      %add3A_1103 = arith.constant 8 : i32
      %add3A_1104 = vector.broadcast %add3A_1103 : i32 to vector<16xi32>
      %add3A_1105 = arith.addi %iota3A, %add3A_1104 : vector<16xi32>
      %and3A_1106 = arith.constant 15 : i32
      %and3A_1107 = vector.broadcast %and3A_1106 : i32 to vector<16xi32>
      %and3A_1108 = arith.andi %add3A_1105, %and3A_1107 : vector<16xi32>
      %broadcast_in_dim3A_1109 = vector.shape_cast %and3A_1108 : vector<16xi32> to vector<16x1xi32>
      %gather3A_1110 = vector.shape_cast %broadcast_in_dim3A_1109 : vector<16x1xi32> to vector<16xi32>
      %gather3A_1111 = tpu.dynamic_gather %add3A_1101[%gather3A_1110] in [0] : vector<16xf32>, vector<16xi32> -> vector<16xf32>
      %add3A_1112 = arith.addf %add3A_1101, %gather3A_1111 : vector<16xf32>
      %add3A_1113 = arith.constant 4 : i32
      %add3A_1114 = vector.broadcast %add3A_1113 : i32 to vector<16xi32>
      %add3A_1115 = arith.addi %iota3A, %add3A_1114 : vector<16xi32>
      %and3A_1116 = arith.constant 15 : i32
      %and3A_1117 = vector.broadcast %and3A_1116 : i32 to vector<16xi32>
      %and3A_1118 = arith.andi %add3A_1115, %and3A_1117 : vector<16xi32>
      %broadcast_in_dim3A_1119 = vector.shape_cast %and3A_1118 : vector<16xi32> to vector<16x1xi32>
      %gather3A_1120 = vector.shape_cast %broadcast_in_dim3A_1119 : vector<16x1xi32> to vector<16xi32>
      %gather3A_1121 = tpu.dynamic_gather %add3A_1112[%gather3A_1120] in [0] : vector<16xf32>, vector<16xi32> -> vector<16xf32>
      %add3A_1122 = arith.addf %add3A_1112, %gather3A_1121 : vector<16xf32>
      %add3A_1123 = arith.constant 2 : i32
      %add3A_1124 = vector.broadcast %add3A_1123 : i32 to vector<16xi32>
      %add3A_1125 = arith.addi %iota3A, %add3A_1124 : vector<16xi32>
      %and3A_1126 = arith.constant 15 : i32
      %and3A_1127 = vector.broadcast %and3A_1126 : i32 to vector<16xi32>
      %and3A_1128 = arith.andi %add3A_1125, %and3A_1127 : vector<16xi32>
      %broadcast_in_dim3A_1129 = vector.shape_cast %and3A_1128 : vector<16xi32> to vector<16x1xi32>
      %gather3A_1130 = vector.shape_cast %broadcast_in_dim3A_1129 : vector<16x1xi32> to vector<16xi32>
      %gather3A_1131 = tpu.dynamic_gather %add3A_1122[%gather3A_1130] in [0] : vector<16xf32>, vector<16xi32> -> vector<16xf32>
      %add3A_1132 = arith.addf %add3A_1122, %gather3A_1131 : vector<16xf32>
      %add3A_1133 = arith.constant 1 : i32
      %add3A_1134 = vector.broadcast %add3A_1133 : i32 to vector<16xi32>
      %add3A_1135 = arith.addi %iota3A, %add3A_1134 : vector<16xi32>
      %and3A_1136 = arith.constant 15 : i32
      %and3A_1137 = vector.broadcast %and3A_1136 : i32 to vector<16xi32>
      %and3A_1138 = arith.andi %add3A_1135, %and3A_1137 : vector<16xi32>
      %broadcast_in_dim3A_1139 = vector.shape_cast %and3A_1138 : vector<16xi32> to vector<16x1xi32>
      %gather3A_1140 = vector.shape_cast %broadcast_in_dim3A_1139 : vector<16x1xi32> to vector<16xi32>
      %gather3A_1141 = tpu.dynamic_gather %add3A_1132[%gather3A_1140] in [0] : vector<16xf32>, vector<16xi32> -> vector<16xf32>
      %add3A_1142 = arith.addf %add3A_1132, %gather3A_1141 : vector<16xf32>
      %mul3A_1143 = vector.broadcast %scan3A_73 : f32 to vector<16xf32>
      %mul3A_1144 = arith.mulf %add3A_1142, %mul3A_1143 : vector<16xf32>
      %add3A_1145 = arith.constant 8 : i32
      %add3A_1146 = vector.broadcast %add3A_1145 : i32 to vector<16xi32>
      %add3A_1147 = arith.addi %iota3A, %add3A_1146 : vector<16xi32>
      %and3A_1148 = arith.constant 15 : i32
      %and3A_1149 = vector.broadcast %and3A_1148 : i32 to vector<16xi32>
      %and3A_1150 = arith.andi %add3A_1147, %and3A_1149 : vector<16xi32>
      %broadcast_in_dim3A_1151 = vector.shape_cast %and3A_1150 : vector<16xi32> to vector<16x1xi32>
      %gather3A_1152 = vector.shape_cast %broadcast_in_dim3A_1151 : vector<16x1xi32> to vector<16xi32>
      %gather3A_1153 = tpu.dynamic_gather %add3A_1102[%gather3A_1152] in [0] : vector<16xf32>, vector<16xi32> -> vector<16xf32>
      %add3A_1154 = arith.addf %add3A_1102, %gather3A_1153 : vector<16xf32>
      %add3A_1155 = arith.constant 4 : i32
      %add3A_1156 = vector.broadcast %add3A_1155 : i32 to vector<16xi32>
      %add3A_1157 = arith.addi %iota3A, %add3A_1156 : vector<16xi32>
      %and3A_1158 = arith.constant 15 : i32
      %and3A_1159 = vector.broadcast %and3A_1158 : i32 to vector<16xi32>
      %and3A_1160 = arith.andi %add3A_1157, %and3A_1159 : vector<16xi32>
      %broadcast_in_dim3A_1161 = vector.shape_cast %and3A_1160 : vector<16xi32> to vector<16x1xi32>
      %gather3A_1162 = vector.shape_cast %broadcast_in_dim3A_1161 : vector<16x1xi32> to vector<16xi32>
      %gather3A_1163 = tpu.dynamic_gather %add3A_1154[%gather3A_1162] in [0] : vector<16xf32>, vector<16xi32> -> vector<16xf32>
      %add3A_1164 = arith.addf %add3A_1154, %gather3A_1163 : vector<16xf32>
      %add3A_1165 = arith.constant 2 : i32
      %add3A_1166 = vector.broadcast %add3A_1165 : i32 to vector<16xi32>
      %add3A_1167 = arith.addi %iota3A, %add3A_1166 : vector<16xi32>
      %and3A_1168 = arith.constant 15 : i32
      %and3A_1169 = vector.broadcast %and3A_1168 : i32 to vector<16xi32>
      %and3A_1170 = arith.andi %add3A_1167, %and3A_1169 : vector<16xi32>
      %broadcast_in_dim3A_1171 = vector.shape_cast %and3A_1170 : vector<16xi32> to vector<16x1xi32>
      %gather3A_1172 = vector.shape_cast %broadcast_in_dim3A_1171 : vector<16x1xi32> to vector<16xi32>
      %gather3A_1173 = tpu.dynamic_gather %add3A_1164[%gather3A_1172] in [0] : vector<16xf32>, vector<16xi32> -> vector<16xf32>
      %add3A_1174 = arith.addf %add3A_1164, %gather3A_1173 : vector<16xf32>
      %add3A_1175 = arith.constant 1 : i32
      %add3A_1176 = vector.broadcast %add3A_1175 : i32 to vector<16xi32>
      %add3A_1177 = arith.addi %iota3A, %add3A_1176 : vector<16xi32>
      %and3A_1178 = arith.constant 15 : i32
      %and3A_1179 = vector.broadcast %and3A_1178 : i32 to vector<16xi32>
      %and3A_1180 = arith.andi %add3A_1177, %and3A_1179 : vector<16xi32>
      %broadcast_in_dim3A_1181 = vector.shape_cast %and3A_1180 : vector<16xi32> to vector<16x1xi32>
      %gather3A_1182 = vector.shape_cast %broadcast_in_dim3A_1181 : vector<16x1xi32> to vector<16xi32>
      %gather3A_1183 = tpu.dynamic_gather %add3A_1174[%gather3A_1182] in [0] : vector<16xf32>, vector<16xi32> -> vector<16xf32>
      %add3A_1184 = arith.addf %add3A_1174, %gather3A_1183 : vector<16xf32>
      %mul3A_1185 = vector.broadcast %scan3A_73 : f32 to vector<16xf32>
      %mul3A_1186 = arith.mulf %add3A_1184, %mul3A_1185 : vector<16xf32>
      %mul3A_1187 = arith.mulf %mul3A_1144, %mul3A_1144 : vector<16xf32>
      %sub3A_1188 = arith.subf %mul3A_1186, %mul3A_1187 : vector<16xf32>
      %ge3A_1189 = arith.cmpf oge, %sub3A_879, %sub3A_1100 : vector<16xf32>
      %jit3A_1190 = arith.constant 1 : i32
      %jit3A_1191 = arith.constant 0 : i32
      %broadcast_in_dim3A_1192 = vector.broadcast %jit3A_1190 : i32 to vector<16xi32>
      %broadcast_in_dim3A_1193 = vector.broadcast %jit3A_1191 : i32 to vector<16xi32>
      %select_n3A_1194 = arith.select %ge3A_1189, %broadcast_in_dim3A_1192, %broadcast_in_dim3A_1193 : vector<16xi1>, vector<16xi32>
      %ge3A_1195 = arith.cmpf oge, %sub3A_967, %sub3A_1188 : vector<16xf32>
      %jit3A_1196 = arith.constant 1 : i32
      %jit3A_1197 = arith.constant 0 : i32
      %broadcast_in_dim3A_1198 = vector.broadcast %jit3A_1196 : i32 to vector<16xi32>
      %broadcast_in_dim3A_1199 = vector.broadcast %jit3A_1197 : i32 to vector<16xi32>
      %select_n3A_1200 = arith.select %ge3A_1195, %broadcast_in_dim3A_1198, %broadcast_in_dim3A_1199 : vector<16xi1>, vector<16xi32>
      %reduce_sum3A_1201 = arith.constant true
      %reduce_sum3A_1202 = vector.broadcast %reduce_sum3A_1201 : i1 to vector<16xi1>
      %reduce_sum3A_1203 = tpu.scan <sum>, %select_n3A_1194 masked %reduce_sum3A_1202 : vector<16xi32>, vector<16xi1> -> vector<16xi32>
      %reduce_sum3A_1204 = vector.extract %reduce_sum3A_1203[15] : i32 from vector<16xi32>
      %gt3A_1205 = arith.constant 0 : i32
      %gt3A_1206 = arith.cmpi sgt, %reduce_sum3A_1204, %gt3A_1205 : i32
      %reduce_sum3A_1207 = arith.constant true
      %reduce_sum3A_1208 = vector.broadcast %reduce_sum3A_1207 : i1 to vector<16xi1>
      %reduce_sum3A_1209 = tpu.scan <sum>, %select_n3A_1200 masked %reduce_sum3A_1208 : vector<16xi32>, vector<16xi1> -> vector<16xi32>
      %reduce_sum3A_1210 = vector.extract %reduce_sum3A_1209[15] : i32 from vector<16xi32>
      %gt3A_1211 = arith.constant 0 : i32
      %gt3A_1212 = arith.cmpi sgt, %reduce_sum3A_1210, %gt3A_1211 : i32
      %convert_element_type3A_1213 = arith.extui %gt3A_1212 : i1 to i32
      %cond3A_1214 = arith.constant 0 : i32
      %cond3A_1215 = arith.cmpi ne, %convert_element_type3A_1213, %cond3A_1214 : i32
      scf.if %cond3A_1215 {
        %parallel_loop3A_1265 = arith.constant 0 : i32
        %parallel_loop3A_1266 = arith.constant 128 : i32
        %parallel_loop3A_1267 = arith.constant 1 : i32
        %parallel_loop3A_1268 = scf.for %parallel_loop3A_1269 = %parallel_loop3A_1265 to %parallel_loop3A_1266 step %parallel_loop3A_1267 iter_args(%parallel_loop3A_1270 = %mul3A_5) -> (vector<16xi32>)  : i32 {
          %parallel_loop3A_1271 = tpu.vector_load_idx %arg14[%parallel_loop3A_1270] : memref<8192xf32, #tpu.memory_space<vmem>>[vector<16xi32>], vector<16xf32>,
          %parallel_loop3A_1272 = arith.constant 32 : i32
          %parallel_loop3A_1273 = arith.muli %parallel_loop3A_1269, %parallel_loop3A_1272 : i32
          %parallel_loop3A_1274 = arith.index_cast %parallel_loop3A_1273 : i32 to index
          %parallel_loop3A_1275 = tpu.vector_load %arg18[%parallel_loop3A_1274] {strides = array<i32>} : memref<4096xf32, #tpu.memory_space<vmem>>, vector<16xf32>,
          tpu.vector_store %arg18[%parallel_loop3A_1274], %parallel_loop3A_1271 {strides = array<i32>} : memref<4096xf32, #tpu.memory_space<vmem>>, vector<16xf32>,
          %parallel_loop3A_1276 = arith.constant 32 : i32
          %parallel_loop3A_1277 = vector.broadcast %parallel_loop3A_1276 : i32 to vector<16xi32>
          %parallel_loop3A_1278 = arith.addi %parallel_loop3A_1270, %parallel_loop3A_1277 : vector<16xi32>
          %parallel_loop3A_1279 = tpu.vector_load_idx %arg14[%parallel_loop3A_1278] : memref<8192xf32, #tpu.memory_space<vmem>>[vector<16xi32>], vector<16xf32>,
          %parallel_loop3A_1280 = arith.constant 32 : i32
          %parallel_loop3A_1281 = arith.muli %parallel_loop3A_1269, %parallel_loop3A_1280 : i32
          %parallel_loop3A_1282 = arith.constant 16 : i32
          %parallel_loop3A_1283 = arith.addi %parallel_loop3A_1281, %parallel_loop3A_1282 : i32
          %parallel_loop3A_1284 = arith.index_cast %parallel_loop3A_1283 : i32 to index
          %parallel_loop3A_1285 = tpu.vector_load %arg18[%parallel_loop3A_1284] {strides = array<i32>} : memref<4096xf32, #tpu.memory_space<vmem>>, vector<16xf32>,
          tpu.vector_store %arg18[%parallel_loop3A_1284], %parallel_loop3A_1279 {strides = array<i32>} : memref<4096xf32, #tpu.memory_space<vmem>>, vector<16xf32>,
          %parallel_loop3A_1286 = arith.constant 64 : i32
          %parallel_loop3A_1287 = vector.broadcast %parallel_loop3A_1286 : i32 to vector<16xi32>
          %parallel_loop3A_1288 = arith.addi %parallel_loop3A_1270, %parallel_loop3A_1287 : vector<16xi32>
          scf.yield %parallel_loop3A_1288 : vector<16xi32>
        } {sc.loop_unroll_factor = 4 : i64, sc.parallel_access}
      } else {
      }
      %not3A_1216 = arith.constant true
      %not3A_1217 = arith.xori %gt3A_1212, %not3A_1216 : i1
      %convert_element_type3A_1218 = arith.extui %not3A_1217 : i1 to i32
      %cond3A_1219 = arith.constant 0 : i32
      %cond3A_1220 = arith.cmpi ne, %convert_element_type3A_1218, %cond3A_1219 : i32
      scf.if %cond3A_1220 {
        %parallel_loop3A_1265 = arith.constant 0 : i32
        %parallel_loop3A_1266 = arith.constant 128 : i32
        %parallel_loop3A_1267 = arith.constant 1 : i32
        %parallel_loop3A_1268 = scf.for %parallel_loop3A_1269 = %parallel_loop3A_1265 to %parallel_loop3A_1266 step %parallel_loop3A_1267 iter_args(%parallel_loop3A_1270 = %mul3A_5) -> (vector<16xi32>)  : i32 {
          %parallel_loop3A_1271 = tpu.vector_load_idx %arg15[%parallel_loop3A_1270] : memref<8192xf32, #tpu.memory_space<vmem>>[vector<16xi32>], vector<16xf32>,
          %parallel_loop3A_1272 = arith.constant 32 : i32
          %parallel_loop3A_1273 = arith.muli %parallel_loop3A_1269, %parallel_loop3A_1272 : i32
          %parallel_loop3A_1274 = arith.index_cast %parallel_loop3A_1273 : i32 to index
          %parallel_loop3A_1275 = tpu.vector_load %arg18[%parallel_loop3A_1274] {strides = array<i32>} : memref<4096xf32, #tpu.memory_space<vmem>>, vector<16xf32>,
          tpu.vector_store %arg18[%parallel_loop3A_1274], %parallel_loop3A_1271 {strides = array<i32>} : memref<4096xf32, #tpu.memory_space<vmem>>, vector<16xf32>,
          %parallel_loop3A_1276 = arith.constant 32 : i32
          %parallel_loop3A_1277 = vector.broadcast %parallel_loop3A_1276 : i32 to vector<16xi32>
          %parallel_loop3A_1278 = arith.addi %parallel_loop3A_1270, %parallel_loop3A_1277 : vector<16xi32>
          %parallel_loop3A_1279 = tpu.vector_load_idx %arg15[%parallel_loop3A_1278] : memref<8192xf32, #tpu.memory_space<vmem>>[vector<16xi32>], vector<16xf32>,
          %parallel_loop3A_1280 = arith.constant 32 : i32
          %parallel_loop3A_1281 = arith.muli %parallel_loop3A_1269, %parallel_loop3A_1280 : i32
          %parallel_loop3A_1282 = arith.constant 16 : i32
          %parallel_loop3A_1283 = arith.addi %parallel_loop3A_1281, %parallel_loop3A_1282 : i32
          %parallel_loop3A_1284 = arith.index_cast %parallel_loop3A_1283 : i32 to index
          %parallel_loop3A_1285 = tpu.vector_load %arg18[%parallel_loop3A_1284] {strides = array<i32>} : memref<4096xf32, #tpu.memory_space<vmem>>, vector<16xf32>,
          tpu.vector_store %arg18[%parallel_loop3A_1284], %parallel_loop3A_1279 {strides = array<i32>} : memref<4096xf32, #tpu.memory_space<vmem>>, vector<16xf32>,
          %parallel_loop3A_1286 = arith.constant 64 : i32
          %parallel_loop3A_1287 = vector.broadcast %parallel_loop3A_1286 : i32 to vector<16xi32>
          %parallel_loop3A_1288 = arith.addi %parallel_loop3A_1270, %parallel_loop3A_1287 : vector<16xi32>
          scf.yield %parallel_loop3A_1288 : vector<16xi32>
        } {sc.loop_unroll_factor = 4 : i64, sc.parallel_access}
      } else {
      }
      %convert_element_type3A_1221 = arith.extui %gt3A_1206 : i1 to i32
      %cond3A_1222 = arith.constant 0 : i32
      %cond3A_1223 = arith.cmpi ne, %convert_element_type3A_1221, %cond3A_1222 : i32
      scf.if %cond3A_1223 {
        %mul3A_1265 = arith.constant 8192 : i32
        %mul3A_1266 = arith.muli %add3A_709, %mul3A_1265 : i32
        %dma_start3A_1267 = tpu.memref_slice %arg3[%mul3A_1266] : memref<8388608xf32, #tpu.memory_space<hbm>> -> memref<8192xf32, #tpu.memory_space<hbm>>
        %dma_start3A_1268 = tpu.memref_slice %arg3[%mul3A_1266] : memref<8388608xf32, #tpu.memory_space<hbm>> -> memref<8192xf32, #tpu.memory_space<hbm>>
        tpu.enqueue_dma source(%arg16 : memref<8192xf32, #tpu.memory_space<vmem>>) target(%dma_start3A_1268 : memref<8192xf32, #tpu.memory_space<hbm>>) target_semaphore(%arg22 : memref<!tpu.dma_semaphore, #tpu.memory_space<semaphore_mem>>)
      } else {
      }
      %not3A_1224 = arith.constant true
      %not3A_1225 = arith.xori %gt3A_1206, %not3A_1224 : i1
      %convert_element_type3A_1226 = arith.extui %not3A_1225 : i1 to i32
      %cond3A_1227 = arith.constant 0 : i32
      %cond3A_1228 = arith.cmpi ne, %convert_element_type3A_1226, %cond3A_1227 : i32
      scf.if %cond3A_1228 {
        %mul3A_1265 = arith.constant 8192 : i32
        %mul3A_1266 = arith.muli %add3A_709, %mul3A_1265 : i32
        %dma_start3A_1267 = tpu.memref_slice %arg3[%mul3A_1266] : memref<8388608xf32, #tpu.memory_space<hbm>> -> memref<8192xf32, #tpu.memory_space<hbm>>
        %dma_start3A_1268 = tpu.memref_slice %arg3[%mul3A_1266] : memref<8388608xf32, #tpu.memory_space<hbm>> -> memref<8192xf32, #tpu.memory_space<hbm>>
        tpu.enqueue_dma source(%arg17 : memref<8192xf32, #tpu.memory_space<vmem>>) target(%dma_start3A_1268 : memref<8192xf32, #tpu.memory_space<hbm>>) target_semaphore(%arg22 : memref<!tpu.dma_semaphore, #tpu.memory_space<semaphore_mem>>)
      } else {
      }
      %mul3A_1229 = arith.constant 4096 : i32
      %mul3A_1230 = arith.muli %add3A_709, %mul3A_1229 : i32
      %dma_start3A_1231 = tpu.memref_slice %arg4[%mul3A_1230] : memref<4194304xf32, #tpu.memory_space<hbm>> -> memref<4096xf32, #tpu.memory_space<hbm>>
      %dma_start3A_1232 = tpu.memref_slice %arg4[%mul3A_1230] : memref<4194304xf32, #tpu.memory_space<hbm>> -> memref<4096xf32, #tpu.memory_space<hbm>>
      tpu.enqueue_dma source(%arg18 : memref<4096xf32, #tpu.memory_space<vmem>>) target(%dma_start3A_1232 : memref<4096xf32, #tpu.memory_space<hbm>>) target_semaphore(%arg22 : memref<!tpu.dma_semaphore, #tpu.memory_space<semaphore_mem>>)
      %add3A_1233 = arith.constant 2 : i32
      %add3A_1234 = arith.addi %add3A_709, %add3A_1233 : i32
      %min3A_1235 = arith.constant 1023 : i32
      %min3A_1236 = arith.minsi %add3A_1234, %min3A_1235 : i32
      %dma_start3A_1237 = arith.constant 1 : i32
      %dma_start3A_1238 = arith.constant 0 : i32
      %dma_start3A_1239 = tpu.memref_slice %arg2[%dma_start3A_1237, %min3A_1236, %dma_start3A_1238] : memref<5x1024x8192xf32, #tpu.memory_space<hbm>> -> memref<1x1x8192xf32, #tpu.memory_space<hbm>>
      %dma_start3A_1240 = tpu.memref_squeeze %dma_start3A_1239 : memref<1x1x8192xf32, #tpu.memory_space<hbm>> -> memref<8192xf32, #tpu.memory_space<hbm>>
      %dma_start3A_1241 = arith.constant 0 : i32
      %dma_start3A_1242 = tpu.memref_slice %arg2[%dma_start3A_1237, %min3A_1236, %dma_start3A_1241] : memref<5x1024x8192xf32, #tpu.memory_space<hbm>> -> memref<1x1x8192xf32, #tpu.memory_space<hbm>>
      %dma_start3A_1243 = tpu.memref_squeeze %dma_start3A_1242 : memref<1x1x8192xf32, #tpu.memory_space<hbm>> -> memref<8192xf32, #tpu.memory_space<hbm>>
      tpu.enqueue_dma source(%dma_start3A_1243 : memref<8192xf32, #tpu.memory_space<hbm>>) target(%arg12 : memref<8192xf32, #tpu.memory_space<vmem>>) target_semaphore(%arg20 : memref<!tpu.dma_semaphore, #tpu.memory_space<semaphore_mem>>)
      %dma_start3A_1244 = arith.constant 2 : i32
      %dma_start3A_1245 = arith.constant 0 : i32
      %dma_start3A_1246 = tpu.memref_slice %arg2[%dma_start3A_1244, %min3A_1236, %dma_start3A_1245] : memref<5x1024x8192xf32, #tpu.memory_space<hbm>> -> memref<1x1x8192xf32, #tpu.memory_space<hbm>>
      %dma_start3A_1247 = tpu.memref_squeeze %dma_start3A_1246 : memref<1x1x8192xf32, #tpu.memory_space<hbm>> -> memref<8192xf32, #tpu.memory_space<hbm>>
      %dma_start3A_1248 = arith.constant 0 : i32
      %dma_start3A_1249 = tpu.memref_slice %arg2[%dma_start3A_1244, %min3A_1236, %dma_start3A_1248] : memref<5x1024x8192xf32, #tpu.memory_space<hbm>> -> memref<1x1x8192xf32, #tpu.memory_space<hbm>>
      %dma_start3A_1250 = tpu.memref_squeeze %dma_start3A_1249 : memref<1x1x8192xf32, #tpu.memory_space<hbm>> -> memref<8192xf32, #tpu.memory_space<hbm>>
      tpu.enqueue_dma source(%dma_start3A_1250 : memref<8192xf32, #tpu.memory_space<hbm>>) target(%arg13 : memref<8192xf32, #tpu.memory_space<vmem>>) target_semaphore(%arg20 : memref<!tpu.dma_semaphore, #tpu.memory_space<semaphore_mem>>)
      %dma_start3A_1251 = arith.constant 3 : i32
      %dma_start3A_1252 = arith.constant 0 : i32
      %dma_start3A_1253 = tpu.memref_slice %arg2[%dma_start3A_1251, %min3A_1236, %dma_start3A_1252] : memref<5x1024x8192xf32, #tpu.memory_space<hbm>> -> memref<1x1x8192xf32, #tpu.memory_space<hbm>>
      %dma_start3A_1254 = tpu.memref_squeeze %dma_start3A_1253 : memref<1x1x8192xf32, #tpu.memory_space<hbm>> -> memref<8192xf32, #tpu.memory_space<hbm>>
      %dma_start3A_1255 = arith.constant 0 : i32
      %dma_start3A_1256 = tpu.memref_slice %arg2[%dma_start3A_1251, %min3A_1236, %dma_start3A_1255] : memref<5x1024x8192xf32, #tpu.memory_space<hbm>> -> memref<1x1x8192xf32, #tpu.memory_space<hbm>>
      %dma_start3A_1257 = tpu.memref_squeeze %dma_start3A_1256 : memref<1x1x8192xf32, #tpu.memory_space<hbm>> -> memref<8192xf32, #tpu.memory_space<hbm>>
      tpu.enqueue_dma source(%dma_start3A_1257 : memref<8192xf32, #tpu.memory_space<hbm>>) target(%arg14 : memref<8192xf32, #tpu.memory_space<vmem>>) target_semaphore(%arg20 : memref<!tpu.dma_semaphore, #tpu.memory_space<semaphore_mem>>)
      %dma_start3A_1258 = arith.constant 4 : i32
      %dma_start3A_1259 = arith.constant 0 : i32
      %dma_start3A_1260 = tpu.memref_slice %arg2[%dma_start3A_1258, %min3A_1236, %dma_start3A_1259] : memref<5x1024x8192xf32, #tpu.memory_space<hbm>> -> memref<1x1x8192xf32, #tpu.memory_space<hbm>>
      %dma_start3A_1261 = tpu.memref_squeeze %dma_start3A_1260 : memref<1x1x8192xf32, #tpu.memory_space<hbm>> -> memref<8192xf32, #tpu.memory_space<hbm>>
      %dma_start3A_1262 = arith.constant 0 : i32
      %dma_start3A_1263 = tpu.memref_slice %arg2[%dma_start3A_1258, %min3A_1236, %dma_start3A_1262] : memref<5x1024x8192xf32, #tpu.memory_space<hbm>> -> memref<1x1x8192xf32, #tpu.memory_space<hbm>>
      %dma_start3A_1264 = tpu.memref_squeeze %dma_start3A_1263 : memref<1x1x8192xf32, #tpu.memory_space<hbm>> -> memref<8192xf32, #tpu.memory_space<hbm>>
      tpu.enqueue_dma source(%dma_start3A_1264 : memref<8192xf32, #tpu.memory_space<hbm>>) target(%arg15 : memref<8192xf32, #tpu.memory_space<vmem>>) target_semaphore(%arg20 : memref<!tpu.dma_semaphore, #tpu.memory_space<semaphore_mem>>)
    }
    %scan3A_78 = arith.constant 16 : i32
    %dma_wait3A = arith.constant 0 : i32
    %dma_wait3A_79 = arith.constant 0 : i32
    %dma_wait3A_80 = arith.constant 0 : i32
    %dma_wait3A_81 = tpu.memref_slice %arg2[%dma_wait3A, %dma_wait3A_79, %dma_wait3A_80] : memref<5x1024x8192xf32, #tpu.memory_space<hbm>> -> memref<1x1x8192xf32, #tpu.memory_space<hbm>>
    %dma_wait3A_82 = tpu.memref_squeeze %dma_wait3A_81 : memref<1x1x8192xf32, #tpu.memory_space<hbm>> -> memref<8192xf32, #tpu.memory_space<hbm>>
    %dma_wait3A_83 = arith.constant 0 : i32
    %dma_wait3A_84 = tpu.memref_slice %arg2[%dma_wait3A, %dma_wait3A_79, %dma_wait3A_83] : memref<5x1024x8192xf32, #tpu.memory_space<hbm>> -> memref<1x1x8192xf32, #tpu.memory_space<hbm>>
    %dma_wait3A_85 = tpu.memref_squeeze %dma_wait3A_84 : memref<1x1x8192xf32, #tpu.memory_space<hbm>> -> memref<8192xf32, #tpu.memory_space<hbm>>
    tpu.wait_dma2 semaphore(%arg19 : memref<!tpu.dma_semaphore, #tpu.memory_space<semaphore_mem>>) src(%dma_wait3A_85 : memref<8192xf32, #tpu.memory_space<hbm>>) dst(%arg5 : memref<8192xf32, #tpu.memory_space<vmem>>)
    %dma_wait3A_86 = arith.constant 0 : i32
    %dma_wait3A_87 = arith.constant 0 : i32
    %dma_wait3A_88 = arith.constant 0 : i32
    %dma_wait3A_89 = tpu.memref_slice %arg2[%dma_wait3A_86, %dma_wait3A_87, %dma_wait3A_88] : memref<5x1024x8192xf32, #tpu.memory_space<hbm>> -> memref<1x1x8192xf32, #tpu.memory_space<hbm>>
    %dma_wait3A_90 = tpu.memref_squeeze %dma_wait3A_89 : memref<1x1x8192xf32, #tpu.memory_space<hbm>> -> memref<8192xf32, #tpu.memory_space<hbm>>
    %dma_wait3A_91 = arith.constant 0 : i32
    %dma_wait3A_92 = tpu.memref_slice %arg2[%dma_wait3A_86, %dma_wait3A_87, %dma_wait3A_91] : memref<5x1024x8192xf32, #tpu.memory_space<hbm>> -> memref<1x1x8192xf32, #tpu.memory_space<hbm>>
    %dma_wait3A_93 = tpu.memref_squeeze %dma_wait3A_92 : memref<1x1x8192xf32, #tpu.memory_space<hbm>> -> memref<8192xf32, #tpu.memory_space<hbm>>
    tpu.wait_dma2 semaphore(%arg19 : memref<!tpu.dma_semaphore, #tpu.memory_space<semaphore_mem>>) src(%dma_wait3A_93 : memref<8192xf32, #tpu.memory_space<hbm>>) dst(%arg6 : memref<8192xf32, #tpu.memory_space<vmem>>)
    %dma_wait3A_94 = arith.constant 0 : i32
    %dma_wait3A_95 = arith.constant 0 : i32
    %dma_wait3A_96 = arith.constant 0 : i32
    %dma_wait3A_97 = tpu.memref_slice %arg2[%dma_wait3A_94, %dma_wait3A_95, %dma_wait3A_96] : memref<5x1024x8192xf32, #tpu.memory_space<hbm>> -> memref<1x1x8192xf32, #tpu.memory_space<hbm>>
    %dma_wait3A_98 = tpu.memref_squeeze %dma_wait3A_97 : memref<1x1x8192xf32, #tpu.memory_space<hbm>> -> memref<8192xf32, #tpu.memory_space<hbm>>
    %dma_wait3A_99 = arith.constant 0 : i32
    %dma_wait3A_100 = tpu.memref_slice %arg2[%dma_wait3A_94, %dma_wait3A_95, %dma_wait3A_99] : memref<5x1024x8192xf32, #tpu.memory_space<hbm>> -> memref<1x1x8192xf32, #tpu.memory_space<hbm>>
    %dma_wait3A_101 = tpu.memref_squeeze %dma_wait3A_100 : memref<1x1x8192xf32, #tpu.memory_space<hbm>> -> memref<8192xf32, #tpu.memory_space<hbm>>
    tpu.wait_dma2 semaphore(%arg19 : memref<!tpu.dma_semaphore, #tpu.memory_space<semaphore_mem>>) src(%dma_wait3A_101 : memref<8192xf32, #tpu.memory_space<hbm>>) dst(%arg7 : memref<8192xf32, #tpu.memory_space<vmem>>)
    %dma_wait3A_102 = arith.constant 0 : i32
    %dma_wait3A_103 = arith.constant 0 : i32
    %dma_wait3A_104 = arith.constant 0 : i32
    %dma_wait3A_105 = tpu.memref_slice %arg2[%dma_wait3A_102, %dma_wait3A_103, %dma_wait3A_104] : memref<5x1024x8192xf32, #tpu.memory_space<hbm>> -> memref<1x1x8192xf32, #tpu.memory_space<hbm>>
    %dma_wait3A_106 = tpu.memref_squeeze %dma_wait3A_105 : memref<1x1x8192xf32, #tpu.memory_space<hbm>> -> memref<8192xf32, #tpu.memory_space<hbm>>
    %dma_wait3A_107 = arith.constant 0 : i32
    %dma_wait3A_108 = tpu.memref_slice %arg2[%dma_wait3A_102, %dma_wait3A_103, %dma_wait3A_107] : memref<5x1024x8192xf32, #tpu.memory_space<hbm>> -> memref<1x1x8192xf32, #tpu.memory_space<hbm>>
    %dma_wait3A_109 = tpu.memref_squeeze %dma_wait3A_108 : memref<1x1x8192xf32, #tpu.memory_space<hbm>> -> memref<8192xf32, #tpu.memory_space<hbm>>
    tpu.wait_dma2 semaphore(%arg19 : memref<!tpu.dma_semaphore, #tpu.memory_space<semaphore_mem>>) src(%dma_wait3A_109 : memref<8192xf32, #tpu.memory_space<hbm>>) dst(%arg8 : memref<8192xf32, #tpu.memory_space<vmem>>)
    %dma_wait3A_110 = arith.constant 0 : i32
    %dma_wait3A_111 = tpu.memref_slice %arg3[%dma_wait3A_110] : memref<8388608xf32, #tpu.memory_space<hbm>> -> memref<8192xf32, #tpu.memory_space<hbm>>
    %dma_wait3A_112 = arith.constant 0 : i32
    %dma_wait3A_113 = tpu.memref_slice %arg3[%dma_wait3A_112] : memref<8388608xf32, #tpu.memory_space<hbm>> -> memref<8192xf32, #tpu.memory_space<hbm>>
    tpu.wait_dma2 semaphore(%arg21 : memref<!tpu.dma_semaphore, #tpu.memory_space<semaphore_mem>>) src(%arg9 : memref<8192xf32, #tpu.memory_space<vmem>>) dst(%dma_wait3A_113 : memref<8192xf32, #tpu.memory_space<hbm>>)
    %dma_wait3A_114 = arith.constant 0 : i32
    %dma_wait3A_115 = tpu.memref_slice %arg4[%dma_wait3A_114] : memref<4194304xf32, #tpu.memory_space<hbm>> -> memref<4096xf32, #tpu.memory_space<hbm>>
    %dma_wait3A_116 = arith.constant 0 : i32
    %dma_wait3A_117 = tpu.memref_slice %arg4[%dma_wait3A_116] : memref<4194304xf32, #tpu.memory_space<hbm>> -> memref<4096xf32, #tpu.memory_space<hbm>>
    tpu.wait_dma2 semaphore(%arg21 : memref<!tpu.dma_semaphore, #tpu.memory_space<semaphore_mem>>) src(%arg11 : memref<4096xf32, #tpu.memory_space<vmem>>) dst(%dma_wait3A_117 : memref<4096xf32, #tpu.memory_space<hbm>>)
    %dma_wait3A_118 = arith.constant 0 : i32
    %dma_wait3A_119 = arith.constant 0 : i32
    %dma_wait3A_120 = arith.constant 0 : i32
    %dma_wait3A_121 = tpu.memref_slice %arg2[%dma_wait3A_118, %dma_wait3A_119, %dma_wait3A_120] : memref<5x1024x8192xf32, #tpu.memory_space<hbm>> -> memref<1x1x8192xf32, #tpu.memory_space<hbm>>
    %dma_wait3A_122 = tpu.memref_squeeze %dma_wait3A_121 : memref<1x1x8192xf32, #tpu.memory_space<hbm>> -> memref<8192xf32, #tpu.memory_space<hbm>>
    %dma_wait3A_123 = arith.constant 0 : i32
    %dma_wait3A_124 = tpu.memref_slice %arg2[%dma_wait3A_118, %dma_wait3A_119, %dma_wait3A_123] : memref<5x1024x8192xf32, #tpu.memory_space<hbm>> -> memref<1x1x8192xf32, #tpu.memory_space<hbm>>
    %dma_wait3A_125 = tpu.memref_squeeze %dma_wait3A_124 : memref<1x1x8192xf32, #tpu.memory_space<hbm>> -> memref<8192xf32, #tpu.memory_space<hbm>>
    tpu.wait_dma2 semaphore(%arg20 : memref<!tpu.dma_semaphore, #tpu.memory_space<semaphore_mem>>) src(%dma_wait3A_125 : memref<8192xf32, #tpu.memory_space<hbm>>) dst(%arg12 : memref<8192xf32, #tpu.memory_space<vmem>>)
    %dma_wait3A_126 = arith.constant 0 : i32
    %dma_wait3A_127 = arith.constant 0 : i32
    %dma_wait3A_128 = arith.constant 0 : i32
    %dma_wait3A_129 = tpu.memref_slice %arg2[%dma_wait3A_126, %dma_wait3A_127, %dma_wait3A_128] : memref<5x1024x8192xf32, #tpu.memory_space<hbm>> -> memref<1x1x8192xf32, #tpu.memory_space<hbm>>
    %dma_wait3A_130 = tpu.memref_squeeze %dma_wait3A_129 : memref<1x1x8192xf32, #tpu.memory_space<hbm>> -> memref<8192xf32, #tpu.memory_space<hbm>>
    %dma_wait3A_131 = arith.constant 0 : i32
    %dma_wait3A_132 = tpu.memref_slice %arg2[%dma_wait3A_126, %dma_wait3A_127, %dma_wait3A_131] : memref<5x1024x8192xf32, #tpu.memory_space<hbm>> -> memref<1x1x8192xf32, #tpu.memory_space<hbm>>
    %dma_wait3A_133 = tpu.memref_squeeze %dma_wait3A_132 : memref<1x1x8192xf32, #tpu.memory_space<hbm>> -> memref<8192xf32, #tpu.memory_space<hbm>>
    tpu.wait_dma2 semaphore(%arg20 : memref<!tpu.dma_semaphore, #tpu.memory_space<semaphore_mem>>) src(%dma_wait3A_133 : memref<8192xf32, #tpu.memory_space<hbm>>) dst(%arg13 : memref<8192xf32, #tpu.memory_space<vmem>>)
    %dma_wait3A_134 = arith.constant 0 : i32
    %dma_wait3A_135 = arith.constant 0 : i32
    %dma_wait3A_136 = arith.constant 0 : i32
    %dma_wait3A_137 = tpu.memref_slice %arg2[%dma_wait3A_134, %dma_wait3A_135, %dma_wait3A_136] : memref<5x1024x8192xf32, #tpu.memory_space<hbm>> -> memref<1x1x8192xf32, #tpu.memory_space<hbm>>
    %dma_wait3A_138 = tpu.memref_squeeze %dma_wait3A_137 : memref<1x1x8192xf32, #tpu.memory_space<hbm>> -> memref<8192xf32, #tpu.memory_space<hbm>>
    %dma_wait3A_139 = arith.constant 0 : i32
    %dma_wait3A_140 = tpu.memref_slice %arg2[%dma_wait3A_134, %dma_wait3A_135, %dma_wait3A_139] : memref<5x1024x8192xf32, #tpu.memory_space<hbm>> -> memref<1x1x8192xf32, #tpu.memory_space<hbm>>
    %dma_wait3A_141 = tpu.memref_squeeze %dma_wait3A_140 : memref<1x1x8192xf32, #tpu.memory_space<hbm>> -> memref<8192xf32, #tpu.memory_space<hbm>>
    tpu.wait_dma2 semaphore(%arg20 : memref<!tpu.dma_semaphore, #tpu.memory_space<semaphore_mem>>) src(%dma_wait3A_141 : memref<8192xf32, #tpu.memory_space<hbm>>) dst(%arg14 : memref<8192xf32, #tpu.memory_space<vmem>>)
    %dma_wait3A_142 = arith.constant 0 : i32
    %dma_wait3A_143 = arith.constant 0 : i32
    %dma_wait3A_144 = arith.constant 0 : i32
    %dma_wait3A_145 = tpu.memref_slice %arg2[%dma_wait3A_142, %dma_wait3A_143, %dma_wait3A_144] : memref<5x1024x8192xf32, #tpu.memory_space<hbm>> -> memref<1x1x8192xf32, #tpu.memory_space<hbm>>
    %dma_wait3A_146 = tpu.memref_squeeze %dma_wait3A_145 : memref<1x1x8192xf32, #tpu.memory_space<hbm>> -> memref<8192xf32, #tpu.memory_space<hbm>>
    %dma_wait3A_147 = arith.constant 0 : i32
    %dma_wait3A_148 = tpu.memref_slice %arg2[%dma_wait3A_142, %dma_wait3A_143, %dma_wait3A_147] : memref<5x1024x8192xf32, #tpu.memory_space<hbm>> -> memref<1x1x8192xf32, #tpu.memory_space<hbm>>
    %dma_wait3A_149 = tpu.memref_squeeze %dma_wait3A_148 : memref<1x1x8192xf32, #tpu.memory_space<hbm>> -> memref<8192xf32, #tpu.memory_space<hbm>>
    tpu.wait_dma2 semaphore(%arg20 : memref<!tpu.dma_semaphore, #tpu.memory_space<semaphore_mem>>) src(%dma_wait3A_149 : memref<8192xf32, #tpu.memory_space<hbm>>) dst(%arg15 : memref<8192xf32, #tpu.memory_space<vmem>>)
    %dma_wait3A_150 = arith.constant 0 : i32
    %dma_wait3A_151 = tpu.memref_slice %arg3[%dma_wait3A_150] : memref<8388608xf32, #tpu.memory_space<hbm>> -> memref<8192xf32, #tpu.memory_space<hbm>>
    %dma_wait3A_152 = arith.constant 0 : i32
    %dma_wait3A_153 = tpu.memref_slice %arg3[%dma_wait3A_152] : memref<8388608xf32, #tpu.memory_space<hbm>> -> memref<8192xf32, #tpu.memory_space<hbm>>
    tpu.wait_dma2 semaphore(%arg22 : memref<!tpu.dma_semaphore, #tpu.memory_space<semaphore_mem>>) src(%arg16 : memref<8192xf32, #tpu.memory_space<vmem>>) dst(%dma_wait3A_153 : memref<8192xf32, #tpu.memory_space<hbm>>)
    %dma_wait3A_154 = arith.constant 0 : i32
    %dma_wait3A_155 = tpu.memref_slice %arg4[%dma_wait3A_154] : memref<4194304xf32, #tpu.memory_space<hbm>> -> memref<4096xf32, #tpu.memory_space<hbm>>
    %dma_wait3A_156 = arith.constant 0 : i32
    %dma_wait3A_157 = tpu.memref_slice %arg4[%dma_wait3A_156] : memref<4194304xf32, #tpu.memory_space<hbm>> -> memref<4096xf32, #tpu.memory_space<hbm>>
    tpu.wait_dma2 semaphore(%arg22 : memref<!tpu.dma_semaphore, #tpu.memory_space<semaphore_mem>>) src(%arg18 : memref<4096xf32, #tpu.memory_space<vmem>>) dst(%dma_wait3A_157 : memref<4096xf32, #tpu.memory_space<hbm>>)
    return
  }
}

module attributes {stable_mosaic.version = 14 : i64} {
  func.func @_tc_ident_body(%arg0: i32, %arg1: memref<1x8x8192xf32, #tpu.memory_space<vmem>>, %arg2: memref<65536xf32, #tpu.memory_space<vmem>>) attributes {dimension_semantics = [#tpu.dimension_semantics<arbitrary>], iteration_bounds = array<i64: 128>, scalar_prefetch = 0 : i64, scratch_operands = 0 : i64, tpu.core_type = #tpu.core_type<tc>, window_params = [{transform_indices = @transform_0, window_bounds = array<i64: 1, 8, 8192>}, {transform_indices = @transform_1, window_bounds = array<i64: 65536>}]} {
    %get3A = arith.constant 0 : index
    %get3A_0 = arith.constant 0 : index
    %get3A_1 = arith.constant 0 : index
    %get3A_2 = vector.load %arg1[%get3A, %get3A_0, %get3A_1] : memref<1x8x8192xf32, #tpu.memory_space<vmem>>, vector<1x8x8192xf32>
    %get3A_3 = vector.shape_cast %get3A_2 : vector<1x8x8192xf32> to vector<8x8192xf32>
    %reshape3A = vector.shape_cast %get3A_3 : vector<8x8192xf32> to vector<65536xf32>
    %swap3A = arith.constant 0 : index
    %swap3A_4 = vector.load %arg2[%swap3A] : memref<65536xf32, #tpu.memory_space<vmem>>, vector<65536xf32>
    tpu.vector_store %arg2[%swap3A], %reshape3A {strides = array<i32>} : memref<65536xf32, #tpu.memory_space<vmem>>, vector<65536xf32>,
    return
  }
  func.func @transform_0(%arg0: i32) -> (i32, i32, i32) {
    %c0_i32 = arith.constant 0 : i32
    %c0_i32_0 = arith.constant 0 : i32
    %c0_i32_1 = arith.constant 0 : i32
    return %c0_i32, %arg0, %c0_i32_0 : i32, i32, i32
  }
  func.func @transform_1(%arg0: i32) -> i32 {
    %c0_i32 = arith.constant 0 : i32
    return %arg0 : i32
  }
}

</mosaic_0001>

<sc_bundles>
// kernel: kernel.4.cloned.1.call-start
scs
__scs_entry_jumppad:
0x0: {  	(pc) =	sbr.rel $0x88, $3  }
0x1: {  	(tag) =	ssettag $0x0;
	lr =	simm.s32 $0x1  }
0x2: {  	[smem:$0x3FA0] =	sst lr;
	_ =	strace $0xD0000000  }
0x3: {  	_ = 	snop  }
0x4: {  	_ = 	snop  }
0x5: {  	_ = 	snop  }
0x6: {  	_ = 	snop  }
0x7: {  	_ = 	snop  }
__scs_overlays_trampoline_lowered:
0x8: {  	[smem:$0x3FAF] =	sst s0  }
0x9: {  	[smem:$0x3FB0] =	sst s1  }
0xa: {  	[smem:$0x3FB1] =	sst s2  }
0xb: {  	[smem:$0x3FB2] =	sst s3  }
0xc: {  	[smem:$0x3FB3] =	sst s4  }
0xd: {  	[smem:$0x3FB4] =	sst s5  }
0xe: {  	[smem:$0x3FB5] =	sst s6  }
0xf: {  	[smem:$0x3FB6] =	sst s7  }
0x10: {  	[smem:$0x3FB7] =	sst s8  }
0x11: {  	[smem:$0x3FB8] =	sst s9;
	s0 =	simm.s32 @!p0 $0x0  }
0x12: {  	s1 =	sld [smem:$0x3F9E];
	s0 =	simm.s32 @p0 $0x1  }
0x13: {  	[smem:$0x3FB9] =	sst s0;
	s0 =	simm.s32 @!p1 $0x0  }
0x14: {  	s2 =	sld [smem:$0x3F9D];
	s0 =	simm.s32 @p1 $0x1  }
0x15: {  	[smem:$0x3FBA] =	sst s0;
	s0 =	simm.s32 @!p2 $0x0  }
0x16: {  	s3 =	sld [smem:$0x3FDB];
	s0 =	simm.s32 @p2 $0x1  }
0x17: {  	s4 =	simm.s32 $0x1BF5;
	[smem:$0x3FBC] =	sst s0  }
0x18: {  	s0 =	sld [smem:$0x3F9F];
	_ =	swait.ge [sflag:s4], $0x0  }
0x19: {  	s7 =	sld [smem:$0x3FA0]  }
0x1a: {  	s8 =	sadd.s32 $0xFFFFE003, lr  }
0x1b: {  	s9 =	sadd.s32 $0xFFFFFEF7, lr;
	s5 =	simm.s32 $0xFFFFFFFF;
	p2 =	slt.u32 s8, $0xFFFFF086  }
0x1c: {  	p1 =	slt.u32 s9, $0xF7A;
	s5 =	simm.s32 @!p2 $0x0  }
0x1d: {  	s5 =	simm.s32 @p1 $0x1;
	p0 =	seq.s32 s7, s2  }
0x1e: {  	s7 =	smul.u32 @!p0 $0xF7A, s2;
	p2 =	seq.s32 @!p0 s5, $0x0  }
0x1f: {  	s9 =	smul.u32 $0xF7A, s1;
	s8 =	simm.s32 @!p0 $0x1BF5;
	p2 =	por !p2, p0  }
0x20: {  	[sflag:s8] =	ssyncset.s32 @!p0 $0xFFFFF086;
	s6 =	sadd.s32 @!p0 s3, s7;
	s7 =	simm.s32 @!p0 $0x108  }
0x21: {  	s3 =	sadd.s32 s3, s9;
	s6 =	sadd.s32 @!p0 $0x88, s6;
	s7 =	simm.s32 @p2 $0x1082  }
0x22: {  	[simem:s7], [sflag:s8] =	dma.local @!p0 [hbm:s6], $0xF7A  }
0x23: {  	s9 =	sor.u32 $0xD0000000, s2;
	s6 =	simm.s32 $0x108;
	_ =	swait.ge @!p0 [sflag:s8], $0x0  }
0x24: {  	s3 =	sadd.s32 $0x88, s3;
	s6 =	simm.s32 @!p1 $0x1082;
	[sflag:s4] =	ssyncset.s32 $0xFFFFF086  }
0x25: {  	[simem:s6], [sflag:s4] =	dma.local [hbm:s3], $0xF7A  }
0x26: {  	[smem:$0x3FA0] =	sst s1;
	(tag) =	ssettag s2;
	_ =	strace s9  }
0x27: {  	s1 =	sld [smem:$0x3FB0]  }
0x28: {  	s2 =	sld [smem:$0x3FB1]  }
0x29: {  	s4 =	sld [smem:$0x3FB3]  }
0x2a: {  	p0 =	seq.s32 s5, $0x0;
	s5 =	sld [smem:$0x3FB4]  }
0x2b: {  	s6 =	sld [smem:$0x3FB5]  }
0x2c: {  	s7 =	sld [smem:$0x3FB6]  }
0x2d: {  	s3 =	simm.s32 $0x108;
	s8 =	sld [smem:$0x3FB7]  }
0x2e: {  	s3 =	simm.s32 @!p0 $0x1082;
	s9 =	sld [smem:$0x3FB8]  }
0x2f: {  	lr =	sadd.s32 s0, s3;
	s0 =	sld [smem:$0x3FAF]  }
0x30: {  	s3 =	sld [smem:$0x3FB2]  }
0x31: {  	[smem:$0x3FBB] =	sst s10  }
0x32: {  	s10 =	sld [smem:$0x3FB9];
	_ =	sdelay $0x3  }
0x33: {  	p0 =	seq.s32 s10, $0x1;
	s10 =	sld [smem:$0x3FBB];
	_ =	sdelay $0x3  }
0x34: {  	[smem:$0x3FBB] =	sst s10  }
0x35: {  	s10 =	sld [smem:$0x3FBA];
	_ =	sdelay $0x3  }
0x36: {  	p1 =	seq.s32 s10, $0x1;
	s10 =	sld [smem:$0x3FBB];
	_ =	sdelay $0x3  }
0x37: {  	[smem:$0x3FBB] =	sst s10  }
0x38: {  	s10 =	sld [smem:$0x3FBC]  }
0x39: {  	_ = 	snop;
	(pc) =	sbr.ind lr, $3  }
0x3a: {  	_ = 	snop  }
0x3b: {  	_ = 	snop  }
0x3c: {  	p2 =	seq.s32 s10, $0x1;
	s10 =	sld [smem:$0x3FBB]  }
0x3d: {  	_ =	shalt  }
0x3e: {  	_ =	shalt  }
0x3f: {  	_ =	shalt  }
0x40: {  	_ =	shalt  }
0x41: {  	_ =	shalt  }
0x42: {  	_ =	shalt  }
0x43: {  	_ =	shalt  }
0x44: {  	_ =	shalt  }
0x45: {  	_ =	shalt  }
0x46: {  	_ =	shalt  }
0x47: {  	_ =	shalt  }
0x48: {  	_ =	shalt  }
0x49: {  	_ =	shalt  }
0x4a: {  	_ =	shalt  }
0x4b: {  	_ =	shalt  }
0x4c: {  	_ =	shalt  }
0x4d: {  	_ =	shalt  }
0x4e: {  	_ =	shalt  }
0x4f: {  	_ =	shalt  }
0x50: {  	_ =	shalt  }
0x51: {  	_ =	shalt  }
0x52: {  	_ =	shalt  }
0x53: {  	_ =	shalt  }
0x54: {  	_ =	shalt  }
0x55: {  	_ =	shalt  }
0x56: {  	_ =	shalt  }
0x57: {  	_ =	shalt  }
0x58: {  	_ =	shalt  }
0x59: {  	_ =	shalt  }
0x5a: {  	_ =	shalt  }
0x5b: {  	_ =	shalt  }
0x5c: {  	_ =	shalt  }
0x5d: {  	_ =	shalt  }
0x5e: {  	_ =	shalt  }
0x5f: {  	_ =	shalt  }
0x60: {  	_ =	shalt  }
0x61: {  	_ =	shalt  }
0x62: {  	_ =	shalt  }
0x63: {  	_ =	shalt  }
0x64: {  	_ =	shalt  }
0x65: {  	_ =	shalt  }
0x66: {  	_ =	shalt  }
0x67: {  	_ =	shalt  }
0x68: {  	_ =	shalt  }
0x69: {  	_ =	shalt  }
0x6a: {  	_ =	shalt  }
0x6b: {  	_ =	shalt  }
0x6c: {  	_ =	shalt  }
0x6d: {  	_ =	shalt  }
0x6e: {  	_ =	shalt  }
0x6f: {  	_ =	shalt  }
0x70: {  	_ =	shalt  }
0x71: {  	_ =	shalt  }
0x72: {  	_ =	shalt  }
0x73: {  	_ =	shalt  }
0x74: {  	_ =	shalt  }
0x75: {  	_ =	shalt  }
0x76: {  	_ =	shalt  }
0x77: {  	_ =	shalt  }
0x78: {  	_ =	shalt  }
0x79: {  	_ =	shalt  }
0x7a: {  	_ =	shalt  }
0x7b: {  	_ =	shalt  }
0x7c: {  	_ =	shalt  }
0x7d: {  	_ =	shalt  }
0x7e: {  	_ =	shalt  }
0x7f: {  	_ =	shalt  }
0x80: {  	_ =	shalt  }
0x81: {  	_ =	shalt  }
0x82: {  	_ =	shalt  }
0x83: {  	_ =	shalt  }
0x84: {  	_ =	shalt  }
0x85: {  	_ =	shalt  }
0x86: {  	_ =	shalt  }
0x87: {  	_ =	shalt  }
.Lfunc_end0:
.L_simem_size_0:
called_computation_lowered:
.L_overlay_start_0:
0x88: {  	s2 =	sld [smem:$0x3FD9]  }
0x89: {  	s3 =	sld [smem:$0x3FFE];
	_ =	sdelay $0x1  }
0x8a: {  	s1 =	srdreg.scid  }
0x8b: {  	s0 =	sand.u32 $0x1, s1  }
0x8c: {  	s15 =	sshll.u32 s0, $0xA;
	s2 =	sadd.s32 s3, s2  }
0x8d: {  	s2 =	sadd.s32 s2, s15  }
0x8e: {  	[smem:$0x3FC7] =	sst s2  }
0x8f: {  	_ = 	snop  }
0x90: {  	s2 =	sld [smem:$0x3FD0];
	_ =	sdelay $0x2  }
0x91: {  	s4 =	simm.s32 $0xA;
	s5 =	simm.s32 $0x10;
	s16 =	sld [smem:$0x3FC9]  }
0x92: {  	[smem:s5], [sflag:s4] =	dma.local [hbm:s2], $0x1  }
0x93: {  	_ =	swait.eq [sflag:s4], $0x1  }
0x94: {  	[sflag:s4] =	ssyncset.done $0x0  }
0x95: {  	s17 =	sld [smem:$0x11];
	[sflag:s4] =	ssyncadd.s32 $0xFFFFFFFF  }
0x96: {  	s18 =	sld [smem:$0x12];
	(tm) =	ssettm $0x1  }
0x97: {  	s19 =	sld [smem:$0x3FFB];
	_ =	sdelay $0x3  }
0x98: {  	_ =	strace s19  }
0x99: {  	s5 =	sld [smem:$0x3FFC];
	_ =	sdelay $0x3  }
0x9a: {  	_ =	strace s5  }
0x9b: {  	s5 =	sld [smem:$0x3FFD];
	_ =	sdelay $0x3  }
0x9c: {  	_ =	strace s5  }
0x9d: {  	_ =	strace $0x8FFFFFFF  }
0x9e: {  	s20 =	sld [smem:$0x3FDB];
	_ =	sdelay $0x1  }
0x9f: {  	s6 =	simm.s32 $_scs_section_size  }
0xa0: {  	s7 =	simm.s32 $_size__tile_overlayer_lowered;
	s8 =	simm.s32 $_tile_overlayer_lowered  }
0xa1: {  	s23 =	simm.s32 $0x1BFF;
	s22 =	sshll.u32 s8, $0x1;
	s5 =	sadd.s32 s6, s20  }
0xa2: {  	s9 =	simm.s32 $0x0;
	s21 =	sshll.u32 s7, $0x1;
	s7 =	sadd.s32 s22, s5  }
0xa3: {  	[timem:s9], [sflag:s23] =	dma.local [hbm:s7], s21  }
0xa4: {  	_ =	swait.ge [sflag:s23], s21  }
0xa5: {  	s6 =	ssub.s32 $0x0, s21;
	[sflag:s23] =	ssyncset.done $0x0  }
0xa6: {  	[sflag:s23] =	ssyncadd.s32 s6;
	_ =	sdelay $0x1  }
0xa7: {  	s24 =	simm.s32 $0x1B8B  }
0xa8: {  	_ =	swait.ge [sflag:s24], $0x1  }
0xa9: {  	[sflag:s24] =	ssyncset.done $0x0  }
0xaa: {  	s25 =	simm.s32 $0x1B8E;
	[sflag:s24] =	ssyncadd.s32 $0xFFFFFFFF  }
0xab: {  	s26 =	simm.s32 $execute0_lowered;
	[smem:$0x3FD2] =	sst s25  }
0xac: {  	s6 =	sshll.u32 s26, $0x1;
	_ =	strace $0x80000046;
	[dreg:$0x1] =	wrdreg $0xFFFFFFFF  }
0xad: {  	s28 =	simm.s32 $_size_execute0_lowered;
	s5 =	sadd.s32 s5, s6;
	[dreg:$0x0] =	wrdreg $0x0  }
0xae: {  	s6 =	sshll.u32 s28, $0x1;
	[dreg:$0x2] =	wrdreg s5  }
0xaf: {  	[dreg:$0x3] =	wrdreg s6  }
0xb0: {  	[dreg:$0x4] =	wrdreg $0xC0  }
0xb1: {  	_ =	task [dreg:s9], $0x5FFFF  }
0xb2: {  	[dreg:$0x1] =	wrdreg $0xFFFFFFFF  }
0xb3: {  	[dreg:$0x0] =	wrdreg $0x60  }
0xb4: {  	[dreg:$0x2] =	wrdreg s16  }
0xb5: {  	[dreg:$0x3] =	wrdreg s17  }
0xb6: {  	[dreg:$0x4] =	wrdreg s18  }
0xb7: {  	[dreg:$0x5] =	wrdreg $0x9  }
0xb8: {  	_ =	task.clear_ibuf [dreg:s9], $0x6FFFF;
	_ =	strace $0x90000046  }
0xb9: {  	s29 =	simm.s32 $0x9;
	_ =	strace $0x80000048  }
0xba: {  	_ =	swait.ge [sflag:s29], $0x1  }
0xbb: {  	[sflag:s29] =	ssyncadd.s32 $0xFFFFFFFF  }
0xbc: {  	_ =	strace $0x90000048  }
0xbd: {  	_ =	sfence  }
0xbe: {  	s30 =	sld [smem:$0x0];
	_ =	sdelay $0x2  }
0xbf: {  	s31 =	sshll.u32 s1, $0xD;
	s1 =	sshrl.u32 s1, $0x2  }
0xc0: {  	s3 =	sand.u32 $0x4000, s31;
	s1 =	sadd.s32 s1, s30  }
0xc1: {  	s0 =	sor.u32 s3, s0;
	s1 =	sshll.u32 s1, $0x11  }
0xc2: {  	s0 =	sor.u32 s1, s0  }
0xc3: {  	s0 =	sadd.s32 $0x8F2B, s0  }
0xc4: {  	[sflag:s0] =	ssyncadd.remote.s32 $0x1  }
0xc5: {  	_ =	sfence.sel $0xFFFF  }
0xc6: {  	[dreg:$0x0] =	wrdreg $0xFFFFFFFF;
	(pc) =	sbr.abs _section_cstart, $3  }
0xc7: {  	[dreg:$0x1] =	wrdreg $0xFFFFFFFF  }
0xc8: {  	_ =	task.clear_ibuf [dreg:s9], $0x2FFFF;
	_ =	strace $0x9FFFFFFF  }
0xc9: {  	(tm) =	ssettm $0x7FFFFFFF  }
tec
execute0_lowered:
.L_overlay_start_1:
0x0: {  	(tag) =	ssettag $0x1  }
0x1: {  	s0 =	srdreg.scid;
	s1 =	rddreg [dreg:$0x0]  }
0x2: {  	s3 =	stileid.u32;
	s2 =	rddreg [dreg:$0x1]  }
0x3: {  	s4 =	rddreg [dreg:$0x2];
	s6 =	simm.s32 $0x0;
	s16 =	simm.s32 $0x80  }
0x4: {  	s17 =	simm.s32 $0x400;
	s18 =	simm.s32 $0x2000;
	s19 =	simm.s32 $0x4000  }
0x5: {  	v0 =	vimm.s32 $0xFEDCBA9;
	v1 =	vimm.s32 $0x87654321;
	s20 =	simm.s32 $0x6000;
	s21 =	simm.s32 $0xD000;
	s0 =	sand.u32 $0x1, s0  }
0x6: {  	s28 =	simm.s32 $0x2;
	s3 =	sshll.u32 s3, $0x6;
	v0 =	vunpack.c.l.s4.s8 v0;
	v1 =	vunpack.c.l.s4.s8 v1;
	s5 =	sshll.u32 s0, $0x5  }
0x7: {  	v2 =	vimm.s32 $0x76543210;
	v3 =	vimm.s32 $0xBA987654;
	s29 =	simm.s32 $0x19000;
	s30 =	simm.s32 $0x3;
	s5 =	sor.u32 s5, s3  }
0x8: {  	v4 =	vimm.s32 $0x10FEDCBA;
	s31 =	simm.s32 $0x4;
	s0 =	ssub.s32 $0x2, s0;
	v0 =	vunpack.c.0.s8.s32 v0;
	v1 =	vunpack.c.0.s8.s32 v1;
	s3 =	sshll.u32 s5, $0xA  }
0x9: {  	v5 =	vimm.s32 $0x98765432;
	v6 =	vimm.s32 $0xFEDCBA98;
	[smem:$0x7FF] =	sst s6;
	v4 =	vunpack.c.l.s4.s8 v4;
	s25 =	sshrl.u32 s0, $0x1;
	s3 =	sadd.s32 s3, s1  }
0xa: {  	v5 =	vunpack.c.l.s4.s8 v5;
	_ =	strace $0x80000047;
	s0 =	ssub.s32 s0, s25;
	v0 =	vcombine.low v1, v0;
	v1 =	vimm.s32 $0x3210FEDC;
	s7 =	sadd.s32 $0x100000, s3  }
0xb: {  	v3 =	vunpack.c.l.s4.s8 v3;
	v6 =	vunpack.c.l.s4.s8 v6;
	s25 =	simm.s32 $0x1;
	s22 =	sadd.s32 $0x200000, s3;
	v1 =	vunpack.c.l.s4.s8 v1;
	[dreg:$0x4] =	wrdreg s7  }
0xc: {  	v2 =	vunpack.c.l.s4.s8 v2;
	v4 =	vunpack.c.0.s8.s32 v4;
	v5 =	vunpack.c.0.s8.s32 v5;
	s15 =	smax.u32 s0, $0x1;
	s23 =	sadd.s32 $0x300000, s3;
	[dreg:$0x5] =	wrdreg s22  }
.Ltmp0:
0xd: {  	v3 =	vunpack.c.0.s8.s32 v3;
	v6 =	vunpack.c.0.s8.s32 v6;
	s24 =	sadd.s32 $0x400000, s3;
	[dreg:$0x6] =	wrdreg s23;
	v1 =	vunpack.c.0.s8.s32 v1;
	(pc) =	sbr.rel .LBB2_1-.Ltmp0, $4  }
0xe: {  	vm0 =	vmmov $0x7fff;
	v5 =	vcombine.low v5, v4;
	s8 =	sadd.s32 $0x100010, s3;
	s26 =	sadd.s32 $0x200010, s3;
	[dreg:$0x7] =	wrdreg s24  }
0xf: {  	v4 =	vand.u32 $0xF, v6;
	s13 =	sadd.s32 $0x300010, s3;
	s14 =	sadd.s32 $0x400010, s3;
	[dreg:$0x8] =	wrdreg s8;
	v7 =	vcombine.low v3, v1;
	v3 =	vunpack.c.0.s8.s32 v2  }
0x10: {  	s3 =	simm.s32 $0x0;
	[dreg:$0x9] =	wrdreg s26;
	s22 =	simm.s32 $0xF000;
	v0 =	vand.u32 $0xF, v0;
	v5 =	vand.u32 $0xF, v5;
	v1 =	vimm.s32 $0x0  }
0x11: {  	s23 =	simm.s32 $0x11000;
	s24 =	simm.s32 $0x13000;
	s26 =	simm.s32 $0xC000;
	v2 =	vlaneseq.u32;
	v3 =	vcombine.low v4, v3;
	v4 =	vand.u32 $0xF, v7  }
.LBB2_25:
0x12: {  	_ =	swait.ge [sflag:s25], $0x2000  }
0x13: {  	[sflag:s25] =	ssyncset.done $0x0  }
0x14: {  	[sflag:s25] =	ssyncadd.s32 $0xFFFFE000  }
0x15: {  	_ =	swait.ge [sflag:s25], $0x2000  }
0x16: {  	[sflag:s25] =	ssyncset.done $0x0  }
0x17: {  	[sflag:s25] =	ssyncadd.s32 $0xFFFFE000  }
0x18: {  	_ =	swait.ge [sflag:s25], $0x2000  }
0x19: {  	[sflag:s25] =	ssyncset.done $0x0  }
0x1a: {  	[sflag:s25] =	ssyncadd.s32 $0xFFFFE000  }
0x1b: {  	_ =	swait.ge [sflag:s25], $0x2000  }
0x1c: {  	[sflag:s25] =	ssyncset.done $0x0  }
0x1d: {  	[sflag:s25] =	ssyncadd.s32 $0xFFFFE000  }
0x1e: {  	_ =	swait.ge [sflag:s30], $0x2000  }
0x1f: {  	[sflag:s30] =	ssyncset.done $0x0  }
0x20: {  	[sflag:s30] =	ssyncadd.s32 $0xFFFFE000  }
0x21: {  	_ =	swait.ge [sflag:s30], $0x1000  }
0x22: {  	[sflag:s30] =	ssyncset.done $0x0  }
0x23: {  	[sflag:s30] =	ssyncadd.s32 $0xFFFFF000  }
0x24: {  	_ =	swait.ge [sflag:s28], $0x2000  }
0x25: {  	[sflag:s28] =	ssyncset.done $0x0  }
0x26: {  	[sflag:s28] =	ssyncadd.s32 $0xFFFFE000  }
0x27: {  	_ =	swait.ge [sflag:s28], $0x2000  }
0x28: {  	[sflag:s28] =	ssyncset.done $0x0  }
0x29: {  	[sflag:s28] =	ssyncadd.s32 $0xFFFFE000  }
0x2a: {  	_ =	swait.ge [sflag:s28], $0x2000  }
0x2b: {  	[sflag:s28] =	ssyncset.done $0x0  }
0x2c: {  	[sflag:s28] =	ssyncadd.s32 $0xFFFFE000  }
0x2d: {  	_ =	swait.ge [sflag:s28], $0x2000  }
0x2e: {  	[sflag:s28] =	ssyncset.done $0x0  }
0x2f: {  	s3 =	sadd.s32 $0x1, s3;
	[sflag:s28] =	ssyncadd.s32 $0xFFFFE000  }
0x30: {  	p0 =	sne.s32 s3, s15;
	_ =	swait.ge [sflag:s31], $0x2000  }
.Ltmp1:
0x31: {  	[sflag:s31] =	ssyncset.done $0x0;
	(pc) =	sbr.rel @!p0 .LBB2_26-.Ltmp1, $4  }
0x32: {  	[sflag:s31] =	ssyncadd.s32 $0xFFFFE000  }
0x33: {  	_ =	swait.ge [sflag:s31], $0x1000  }
0x34: {  	[sflag:s31] =	ssyncset.done $0x0  }
0x35: {  	[sflag:s31] =	ssyncadd.s32 $0xFFFFF000  }
.LBB2_1:
0x36: {  	s0 =	rddreg [dreg:$0x4]  }
0x37: {  	[tilespmem:s6], [sflag:$0x1] =	stream.strided.gather [hbm4b:s0+s16], $0x2000, s17, s16, $0x38;
	[tilespmem:$0x1A000] =	vst v63  }
0x38: {  	s8 =	rddreg [dreg:$0x5]  }
0x39: {  	[tilespmem:s18], [sflag:$0x1] =	stream.strided.gather [hbm4b:s8+s16], $0x2000, s17, s16, $0x38;
	[tilespmem:$0x1A000] =	vst v63  }
0x3a: {  	s9 =	rddreg [dreg:$0x6]  }
0x3b: {  	[tilespmem:s19], [sflag:$0x1] =	stream.strided.gather [hbm4b:s9+s16], $0x2000, s17, s16, $0x38;
	[tilespmem:$0x1A000] =	vst v63  }
0x3c: {  	s10 =	rddreg [dreg:$0x7]  }
0x3d: {  	[tilespmem:s20], [sflag:$0x1] =	stream.strided.gather [hbm4b:s10+s16], $0x2000, s17, s16, $0x38;
	[tilespmem:$0x1A000] =	vst v63  }
0x3e: {  	s11 =	rddreg [dreg:$0x8]  }
0x3f: {  	[tilespmem:s21], [sflag:$0x2] =	stream.strided.gather [hbm4b:s11+s16], $0x2000, s17, s16, $0x38;
	[tilespmem:$0x1A000] =	vst v63  }
0x40: {  	s12 =	rddreg [dreg:$0x9]  }
0x41: {  	[tilespmem:s22], [sflag:$0x2] =	stream.strided.gather [hbm4b:s12+s16], $0x2000, s17, s16, $0x38;
	[tilespmem:$0x1A000] =	vst v63  }
.Ltmp2:
0x42: {  	_ = 	snop;
	(pc) =	sbr.rel .LBB2_2-.Ltmp2, $4  }
0x43: {  	_ = 	snop  }
0x44: {  	[tilespmem:s23], [sflag:$0x2] =	stream.strided.gather [hbm4b:s13+s16], $0x2000, s17, s16, $0x38;
	[tilespmem:$0x1A000] =	vst v63  }
0x45: {  	s0 =	simm.s32 $0x0  }
0x46: {  	[tilespmem:s24], [sflag:$0x2] =	stream.strided.gather [hbm4b:s14+s16], $0x2000, s17, s16, $0x38;
	[tilespmem:$0x1A000] =	vst v63  }
.LBB2_24:
0x47: {  	s10 =	sshll.u32 s8, $0xA  }
0x48: {  	p0 =	sgt.s32 s9, $0x0;
	s12 =	sand.u32 $0x1FFFFC00, s10;
	s10 =	simm.s32 $0x15000  }
0x49: {  	s9 =	sadd.s32 s2, s12;
	s10 =	simm.s32 @!p0 $0x17000  }
0x4a: {  	[hbm4b:s9+s6] =	stream.linear.scatter [tilespmem:s10], [sflag:$0x4], $0x2000, $0x38;
	[tilespmem:$0x1A000] =	vst v63  }
0x4b: {  	s7 =	smin.u32 s7, $0x3FC;
	s9 =	sshll.u32 s8, $0x9  }
0x4c: {  	s7 =	sadd.s32 $0x3, s7;
	s8 =	sand.u32 $0x1FFFFE00, s9  }
0x4d: {  	s10 =	sshll.u32 s7, $0xD;
	s7 =	sshll.u32 s7, $0x7;
	s8 =	sadd.s32 s4, s8  }
0x4e: {  	[hbm4b:s8+s6] =	stream.linear.scatter [tilespmem:s29], [sflag:$0x4], $0x1000, $0x38;
	[tilespmem:$0x1A000] =	vst v63  }
0x4f: {  	s7 =	sand.u32 $0x380, s7;
	s8 =	sand.u32 $0xFF0000, s10  }
0x50: {  	s7 =	sor.u32 s7, s8  }
0x51: {  	s8 =	sadd.s32 $0x800000, s7  }
0x52: {  	s8 =	sshrl.u32 s8, $0x3  }
0x53: {  	s11 =	sor.u32 $0x1000000, s7;
	s8 =	sadd.s32 s1, s8  }
0x54: {  	[tilespmem:s21], [sflag:$0x2] =	stream.strided.gather [hbm4b:s8+s16], $0x2000, s17, s16, $0x38;
	[tilespmem:$0x1A000] =	vst v63  }
0x55: {  	s0 =	sadd.s32 $0x1, s0;
	s8 =	sshrl.u32 s11, $0x3  }
0x56: {  	p0 =	sne.s32 s0, $0x10;
	s12 =	sadd.s32 $0x1800000, s7;
	s8 =	sadd.s32 s1, s8  }
0x57: {  	[tilespmem:s22], [sflag:$0x2] =	stream.strided.gather [hbm4b:s8+s16], $0x2000, s17, s16, $0x38;
	[tilespmem:$0x1A000] =	vst v63  }
.Ltmp3:
0x58: {  	s7 =	sor.u32 $0x2000000, s7;
	s8 =	sshrl.u32 s12, $0x3;
	(pc) =	sbr.rel @!p0 .LBB2_25-.Ltmp3, $4  }
0x59: {  	s7 =	sshrl.u32 s7, $0x3;
	s8 =	sadd.s32 s1, s8  }
0x5a: {  	[tilespmem:s23], [sflag:$0x2] =	stream.strided.gather [hbm4b:s8+s16], $0x2000, s17, s16, $0x38;
	[tilespmem:$0x1A000] =	vst v63  }
0x5b: {  	s7 =	sadd.s32 s1, s7  }
0x5c: {  	[tilespmem:s24], [sflag:$0x2] =	stream.strided.gather [hbm4b:s7+s16], $0x2000, s17, s16, $0x38;
	[tilespmem:$0x1A000] =	vst v63  }
.LBB2_2:
0x5d: {  	_ =	swait.ge [sflag:s25], $0x2000  }
0x5e: {  	[sflag:s25] =	ssyncset.done $0x0  }
0x5f: {  	[sflag:s25] =	ssyncadd.s32 $0xFFFFE000  }
0x60: {  	_ =	swait.ge [sflag:s25], $0x2000  }
0x61: {  	[sflag:s25] =	ssyncset.done $0x0  }
0x62: {  	[sflag:s25] =	ssyncadd.s32 $0xFFFFE000  }
0x63: {  	_ =	swait.ge [sflag:s25], $0x2000  }
0x64: {  	[sflag:s25] =	ssyncset.done $0x0  }
0x65: {  	[sflag:s25] =	ssyncadd.s32 $0xFFFFE000  }
0x66: {  	_ =	swait.ge [sflag:s25], $0x2000  }
0x67: {  	p0 =	seq.s32 s0, $0x0;
	[sflag:s25] =	ssyncset.done $0x0  }
0x68: {  	s7 =	simm.s32 @!p0 $0x3;
	[sflag:s25] =	ssyncadd.s32 $0xFFFFE000  }
0x69: {  	_ =	swait.ge @!p0 [sflag:s7], $0x2000  }
0x6a: {  	[sflag:s7] =	ssyncset.done @!p0 $0x0  }
0x6b: {  	[sflag:s7] =	ssyncadd.s32 @!p0 $0xFFFFE000  }
0x6c: {  	_ =	swait.ge @!p0 [sflag:s7], $0x1000  }
0x6d: {  	[sflag:s7] =	ssyncset.done @!p0 $0x0  }
0x6e: {  	[sflag:s7] =	ssyncadd.s32 @!p0 $0xFFFFF000  }
0x6f: {  	v6 =	vld [tilespmem:$0x0]  }
0x70: {  	s9 =	simm.s32 $0x20;
	v14 =	vld [tilespmem:$0x4000]  }
0x71: {  	v8 =	vld [tilespmem:s9+$0xFFFFFFF0]  }
0x72: {  	v9 =	vld [tilespmem:s9+$0x0]  }
0x73: {  	v11 =	vld [tilespmem:s9+$0x10]  }
0x74: {  	v15 =	vld [tilespmem:s9+$0x20];
	_ =	sdelay $0x1  }
0x75: {  	v12 =	vmul.f32 v6, v6;
	v7 =	vmul.f32 v14, v14  }
0x76: {  	v23 =	vimm.f32 $0.0e+00;
	v10 =	vperm.xlane v6, v0;
	v13 =	vperm.xlane v8, v1  }
0x77: {  	v16 =	vadd.f32 v9, v23;
	v18 =	vperm.xlane v9, v1;
	v20 =	vperm.xlane v8, v0  }
0x78: {  	v19 =	vadd.f32 v8, v6;
	v21 =	vperm.xlane v11, v0;
	v22 =	vperm.xlane v15, v1  }
0x79: {  	v10 =	vsel vm0, v10, v13;
	v13 =	vperm.xlane v9, v0;
	v18 =	vsel vm0, v20, v18  }
0x7a: {  	s10 =	simm.s32 $0x60;
	v20 =	vsel vm0, v21, v22;
	v6 =	vadd.f32 v10, v6;
	v10 =	vperm.xlane v11, v1  }
0x7b: {  	v17 =	vmul.f32 v9, v9;
	v22 =	vld [tilespmem:s10+$0x0];
	v18 =	vadd.f32 v18, v8;
	v20 =	vadd.f32 v20, v11  }
0x7c: {  	v6 =	vmul.f32 $5.000000000e-01, v6;
	v10 =	vsel vm0, v13, v10;
	v13 =	vmul.f32 v8, v8;
	v8 =	vld [tilespmem:s10+$0xFFFFFFF0]  }
0x7d: {  	s8 =	simm.s32 $0x8020;
	v17 =	vadd.f32 v17, v23;
	v18 =	vmul.f32 $5.000000000e-01, v18;
	v9 =	vadd.f32 v10, v9  }
0x7e: {  	v21 =	vmul.f32 v15, v15;
	v16 =	vadd.f32 v15, v16;
	v20 =	vmul.f32 $5.000000000e-01, v20;
	[tilespmem:s8+$0xFFFFFFE0] =	vst v6  }
0x7f: {  	v10 =	vld [tilespmem:s10+$0x10];
	v12 =	vadd.f32 v13, v12;
	v13 =	vmul.f32 v11, v11;
	[tilespmem:s8+$0xFFFFFFF0] =	vst v18;
	v9 =	vmul.f32 $5.000000000e-01, v9  }
0x80: {  	s11 =	simm.s32 $0x4040;
	v17 =	vadd.f32 v21, v17;
	v6 =	vld [tilespmem:s10+$0x20];
	v18 =	vadd.f32 v11, v19;
	[tilespmem:s8+$0x10] =	vst v20;
	v20 =	vperm.xlane v15, v0  }
0x81: {  	v19 =	vld [tilespmem:s11+$0xFFFFFFD0];
	v11 =	vadd.f32 v13, v12;
	v13 =	vmul.f32 v22, v22;
	[tilespmem:s8+$0x0] =	vst v9;
	v9 =	vperm.xlane v8, v1  }
0x82: {  	v16 =	vadd.f32 v22, v16;
	v21 =	vperm.xlane v22, v1;
	v24 =	vld [tilespmem:s11+$0xFFFFFFE0];
	v12 =	vadd.f32 v8, v18  }
0x83: {  	v18 =	vperm.xlane v8, v0;
	v25 =	vld [tilespmem:s11+$0xFFFFFFF0];
	v13 =	vadd.f32 v13, v17;
	v20 =	vsel vm0, v20, v9  }
0x84: {  	v17 =	vperm.xlane v22, v0;
	v26 =	vperm.xlane v10, v0;
	v15 =	vadd.f32 v20, v15  }
0x85: {  	v9 =	vadd.f32 v6, v16;
	v27 =	vperm.xlane v6, v1;
	v16 =	vld [tilespmem:s11+$0x0];
	v21 =	vsel vm0, v18, v21  }
0x86: {  	v20 =	vperm.xlane v10, v1;
	v14 =	vadd.f32 v19, v14;
	v15 =	vmul.f32 $5.000000000e-01, v15  }
0x87: {  	v18 =	vmul.f32 v19, v19;
	v19 =	vadd.f32 v21, v8;
	v21 =	vsel vm0, v26, v27  }
0x88: {  	s12 =	sshll.u32 s0, $0x1;
	v26 =	vmul.f32 v24, v24;
	v17 =	vsel vm0, v17, v20;
	v14 =	vadd.f32 v25, v14  }
0x89: {  	s7 =	sadd.s32 s5, s12;
	s9 =	simm.s32 $0x8060;
	v20 =	vadd.f32 v17, v22;
	v17 =	vmul.f32 v25, v25;
	v22 =	vadd.f32 v24, v23  }
0x8a: {  	s10 =	simm.s32 $0x3;
	s8 =	simm.s32 $0x4080;
	s11 =	simm.s32 $0xA0;
	v19 =	vmul.f32 $5.000000000e-01, v19;
	v23 =	vadd.f32 v26, v23;
	[tilespmem:s9+$0xFFFFFFE0] =	vst v15;
	v24 =	vmul.f32 v16, v16;
	v15 =	vmovc v10  }
.LBB2_3:
0x8b: {  	v25 =	vld [tilespmem:s11+$0x0];
	s10 =	sadd.s32 $0x2, s10;
	v26 =	vmul.f32 v8, v8;
	v21 =	vadd.f32 v21, v10;
	v7 =	vadd.f32 v18, v7;
	v18 =	vmovc v6  }
0x8c: {  	v27 =	vmul.f32 v6, v6;
	v8 =	vld [tilespmem:s11+$0xFFFFFFF0];
	p1 =	slt.u32 s10, $0xFD;
	v22 =	vadd.f32 v16, v22;
	v23 =	vadd.f32 v24, v23  }
0x8d: {  	v11 =	vadd.f32 v26, v11;
	v16 =	vmul.f32 $5.000000000e-01, v21;
	v21 =	vmul.f32 v15, v10;
	v15 =	vld [tilespmem:s11+$0x10]  }
0x8e: {  	v13 =	vadd.f32 v27, v13;
	v7 =	vadd.f32 v17, v7;
	v6 =	vld [tilespmem:s11+$0x20];
	[tilespmem:s9+$0xFFFFFFF0] =	vst v19;
	v19 =	vmul.f32 $5.000000000e-01, v20  }
0x8f: {  	v28 =	vadd.f32 v10, v12;
	v17 =	vld [tilespmem:s8+$0xFFFFFFD0];
	[tilespmem:s9+$0x10] =	vst v16;
	v11 =	vadd.f32 v21, v11  }
0x90: {  	v16 =	vperm.xlane v18, v0;
	v9 =	vadd.f32 v25, v9;
	v20 =	vmul.f32 v25, v25;
	v24 =	vld [tilespmem:s8+$0xFFFFFFE0];
	[tilespmem:s9+$0x0] =	vst v19  }
0x91: {  	v21 =	vperm.xlane v25, v1;
	v19 =	vperm.xlane v8, v1;
	v12 =	vadd.f32 v8, v28;
	v26 =	vld [tilespmem:s8+$0xFFFFFFF0]  }
0x92: {  	v27 =	vperm.xlane v8, v0;
	v13 =	vadd.f32 v20, v13;
	v20 =	vperm.xlane v25, v0;
	v10 =	vmovc v15  }
0x93: {  	v16 =	vsel vm0, v16, v19;
	v19 =	vperm.xlane v10, v0;
	v9 =	vadd.f32 v6, v9  }
0x94: {  	v29 =	vperm.xlane v10, v1;
	v30 =	vperm.xlane v6, v1;
	v28 =	vadd.f32 v16, v18;
	v16 =	vld [tilespmem:s8+$0x0]  }
.Ltmp4:
0x95: {  	v21 =	vsel vm0, v27, v21;
	v14 =	vadd.f32 v17, v14;
	v18 =	vmul.f32 v17, v17;
	(pc) =	sbr.rel @p1 .LBB2_3-.Ltmp4, $4  }
0x96: {  	v27 =	vadd.f32 v21, v8;
	v21 =	vsel vm0, v19, v30;
	v17 =	vmul.f32 $5.000000000e-01, v28  }
0x97: {  	s9 =	sadd.s32 $0x40, s9;
	v20 =	vsel vm0, v20, v29;
	v28 =	vmul.f32 v24, v24;
	v14 =	vadd.f32 v26, v14  }
0x98: {  	s8 =	sadd.s32 $0x40, s8;
	v19 =	vmul.f32 $5.000000000e-01, v27;
	v20 =	vadd.f32 v20, v25;
	[tilespmem:s9+$0xFFFFFFE0] =	vst v17;
	v17 =	vmul.f32 v26, v26  }
0x99: {  	s11 =	sadd.s32 $0x40, s11;
	v22 =	vadd.f32 v24, v22;
	v23 =	vadd.f32 v28, v23;
	v24 =	vmul.f32 v16, v16  }
0x9a: {  	v21 =	vadd.f32 v21, v10  }
0x9b: {  	[tilespmem:s9+$0xFFFFFFF0] =	vst v19;
	v19 =	vmul.f32 $5.000000000e-01, v20  }
0x9c: {  	v20 =	vld [tilespmem:s8+$0xFFFFFFD0];
	v21 =	vmul.f32 $5.000000000e-01, v21  }
0x9d: {  	[tilespmem:s9+$0x0] =	vst v19  }
0x9e: {  	v8 =	vmul.f32 v8, v8;
	[tilespmem:s9+$0x10] =	vst v21;
	v21 =	vld [tilespmem:s8+$0xFFFFFFE0]  }
0x9f: {  	v7 =	vadd.f32 v18, v7;
	v18 =	vmul.f32 v6, v6;
	v16 =	vadd.f32 v16, v22;
	v19 =	vld [tilespmem:s8+$0xFFFFFFF0]  }
0xa0: {  	v22 =	vadd.f32 v24, v23;
	v8 =	vadd.f32 v8, v11;
	v11 =	vmul.f32 v15, v10;
	v23 =	vld [tilespmem:s8+$0x0]  }
0xa1: {  	v7 =	vadd.f32 v17, v7;
	v10 =	vadd.f32 v10, v12;
	v15 =	vld [tilespmem:$0x1FD0];
	v12 =	vmul.f32 v20, v20  }
0xa2: {  	v13 =	vadd.f32 v18, v13;
	v8 =	vadd.f32 v11, v8;
	v17 =	vld [tilespmem:$0x1FE0]  }
0xa3: {  	vm1 =	veq.s32 v2, $0xF;
	v14 =	vadd.f32 v20, v14;
	v7 =	vadd.f32 v12, v7  }
0xa4: {  	v12 =	vperm.xlane v6, v0;
	v11 =	vmul.f32 v21, v21;
	v16 =	vadd.f32 v21, v16  }
0xa5: {  	v24 =	vld [tilespmem:$0x5FE0];
	v14 =	vadd.f32 v19, v14;
	v18 =	vmul.f32 v19, v19;
	v19 =	vmul.f32 v23, v23  }
0xa6: {  	v21 =	vld [tilespmem:$0x5FD0];
	v20 =	vperm.xlane v15, v1;
	v10 =	vadd.f32 v15, v10;
	v11 =	vadd.f32 v11, v22  }
0xa7: {  	v16 =	vadd.f32 v23, v16;
	v22 =	vperm.xlane v15, v0;
	v23 =	vperm.xlane v17, v1  }
0xa8: {  	v9 =	vadd.f32 v17, v9;
	v7 =	vadd.f32 v18, v7;
	v18 =	vld [tilespmem:$0x1FF0];
	v12 =	vsel vm0, v12, v20  }
0xa9: {  	v20 =	vmul.f32 v15, v15;
	v11 =	vadd.f32 v19, v11;
	v19 =	vsel vm0, v22, v23;
	v22 =	vld [tilespmem:$0x5FF0]  }
0xaa: {  	v6 =	vadd.f32 v12, v6;
	v12 =	vadd.f32 v19, v15;
	v19 =	vmul.f32 v17, v17  }
0xab: {  	v16 =	vadd.f32 v24, v16;
	v8 =	vadd.f32 v20, v8;
	v15 =	vmul.f32 v21, v21  }
0xac: {  	v14 =	vadd.f32 v21, v14;
	v13 =	vadd.f32 v19, v13;
	v19 =	vmul.f32 v24, v24  }
0xad: {  	v7 =	vadd.f32 v15, v7;
	v15 =	vmul.f32 v18, v18;
	v10 =	vadd.f32 v18, v10  }
0xae: {  	v11 =	vadd.f32 v19, v11;
	v19 =	vmul.f32 v22, v22;
	v14 =	vadd.f32 v22, v14  }
0xaf: {  	v8 =	vadd.f32 v15, v8;
	v15 =	vperm.xlane v17, v0;
	v9 =	vadd.f32 v10, v9  }
0xb0: {  	v7 =	vadd.f32 v19, v7;
	v19 =	vperm.xlane v18, v1;
	v10 =	vadd.f32 v14, v16  }
0xb1: {  	v6 =	vmul.f32 $5.000000000e-01, v6;
	v8 =	vadd.f32 v8, v13;
	v13 =	vperm.xlane v9, v3  }
0xb2: {  	v7 =	vadd.f32 v7, v11;
	v11 =	vsel vm0, v15, v19;
	v15 =	vperm.xlane v10, v3  }
0xb3: {  	v14 =	vperm.xlane v8, v3;
	v11 =	vadd.f32 v11, v17;
	v17 =	vperm.xlane v18, v0  }
0xb4: {  	v12 =	vmul.f32 $5.000000000e-01, v12;
	v9 =	vadd.f32 v13, v9;
	v16 =	vperm.xlane v7, v3  }
0xb5: {  	v10 =	vadd.f32 v15, v10;
	v8 =	vadd.f32 v14, v8;
	v13 =	vsel vm1, $0x0, v17  }
0xb6: {  	[tilespmem:$0x9FC0] =	vst v6;
	v14 =	vperm.xlane v9, v4;
	v6 =	vmul.f32 $5.000000000e-01, v11;
	v13 =	vadd.f32 v13, v18  }
0xb7: {  	v7 =	vadd.f32 v16, v7;
	v16 =	vperm.xlane v10, v4;
	v15 =	vperm.xlane v8, v4  }
0xb8: {  	[tilespmem:$0x9FD0] =	vst v12;
	v9 =	vadd.f32 v14, v9;
	v11 =	vmul.f32 $5.000000000e-01, v13  }
0xb9: {  	[tilespmem:$0x9FE0] =	vst v6;
	v17 =	vperm.xlane v7, v4;
	v12 =	vadd.f32 v16, v10;
	v16 =	vld [tilespmem:$0x2000];
	v8 =	vadd.f32 v15, v8  }
0xba: {  	s9 =	simm.s32 $0x2020;
	v21 =	vld [tilespmem:$0x6000];
	v6 =	vperm.xlane v9, v5;
	[tilespmem:$0x9FF0] =	vst v11  }
0xbb: {  	v13 =	vadd.f32 v17, v7;
	v14 =	vperm.xlane v12, v5;
	v7 =	vperm.xlane v8, v5;
	v17 =	vld [tilespmem:s9+$0xFFFFFFF0]  }
0xbc: {  	v11 =	vadd.f32 v6, v9  }
0xbd: {  	v15 =	vperm.xlane v13, v5;
	v10 =	vadd.f32 v7, v8;
	v7 =	vadd.f32 v14, v12;
	v12 =	vld [tilespmem:s9+$0x0]  }
0xbe: {  	v18 =	vld [tilespmem:s9+$0x10];
	v14 =	vperm.xlane v11, v0;
	v19 =	vmul.f32 v16, v16  }
0xbf: {  	v23 =	vld [tilespmem:s9+$0x20];
	v20 =	vperm.xlane v16, v0;
	v6 =	vadd.f32 v15, v13;
	v15 =	vmul.f32 v21, v21  }
0xc0: {  	v13 =	vperm.xlane v10, v0;
	v22 =	vperm.xlane v17, v1  }
0xc1: {  	v31 =	vimm.f32 $0.0e+00;
	v9 =	vperm.xlane v7, v0;
	v8 =	vperm.xlane v6, v0  }
0xc2: {  	v28 =	vperm.xlane v17, v0;
	v26 =	vperm.xlane v12, v1;
	v20 =	vsel vm0, v20, v22  }
0xc3: {  	v27 =	vadd.f32 v17, v16;
	v29 =	vperm.xlane v18, v0;
	v16 =	vadd.f32 v20, v16  }
0xc4: {  	v30 =	vperm.xlane v23, v1;
	v32 =	vmul.f32 v23, v23;
	v26 =	vsel vm0, v28, v26  }
0xc5: {  	s10 =	simm.s32 $0x2060;
	v25 =	vmul.f32 v12, v12;
	v28 =	vmul.f32 $5.000000000e-01, v16;
	v16 =	vadd.f32 v26, v17  }
0xc6: {  	v22 =	vperm.xlane v12, v0;
	v20 =	vperm.xlane v18, v1;
	v26 =	vsel vm0, v29, v30;
	v30 =	vld [tilespmem:s10+$0x0]  }
0xc7: {  	v24 =	vadd.f32 v12, v31;
	v26 =	vadd.f32 v26, v18;
	v29 =	vmul.f32 $5.000000000e-01, v16;
	v16 =	vld [tilespmem:s10+$0xFFFFFFF0]  }
0xc8: {  	v25 =	vadd.f32 v25, v31;
	v20 =	vsel vm0, v22, v20;
	v22 =	vmul.f32 v17, v17;
	v17 =	vld [tilespmem:s10+$0x10]  }
0xc9: {  	s11 =	simm.s32 $0xA020;
	v24 =	vadd.f32 v23, v24;
	v20 =	vadd.f32 v20, v12;
	v12 =	vld [tilespmem:s10+$0x20];
	v26 =	vmul.f32 $5.000000000e-01, v26  }
0xca: {  	v25 =	vadd.f32 v32, v25;
	v19 =	vadd.f32 v22, v19;
	v22 =	vmul.f32 v18, v18;
	[tilespmem:s11+$0xFFFFFFE0] =	vst v28  }
0xcb: {  	v18 =	vadd.f32 v18, v27;
	v20 =	vmul.f32 $5.000000000e-01, v20;
	[tilespmem:s11+$0x10] =	vst v26;
	v26 =	vperm.xlane v23, v0  }
0xcc: {  	s12 =	simm.s32 $0x6040;
	[tilespmem:s11+$0xFFFFFFF0] =	vst v29;
	v19 =	vadd.f32 v22, v19;
	v22 =	vmul.f32 v30, v30;
	v28 =	vperm.xlane v16, v1  }
0xcd: {  	v27 =	vld [tilespmem:s12+$0xFFFFFFD0];
	v24 =	vadd.f32 v30, v24;
	v29 =	vperm.xlane v30, v1;
	v35 =	vperm.xlane v17, v1  }
0xce: {  	v62 =	vld [tilespmem:s12+$0xFFFFFFE0];
	[tilespmem:s11+$0x0] =	vst v20;
	v36 =	vperm.xlane v12, v1;
	v34 =	vperm.xlane v16, v0;
	v26 =	vsel vm0, v26, v28  }
0xcf: {  	v33 =	vld [tilespmem:s12+$0xFFFFFFF0];
	v22 =	vadd.f32 v22, v25;
	v25 =	vperm.xlane v30, v0;
	v23 =	vadd.f32 v26, v23  }
0xd0: {  	v20 =	vadd.f32 v16, v18;
	v18 =	vadd.f32 v12, v24;
	v24 =	vld [tilespmem:s12+$0x0];
	v28 =	vperm.xlane v17, v0  }
0xd1: {  	v29 =	vsel vm0, v34, v29;
	v25 =	vsel vm0, v25, v35;
	v23 =	vmul.f32 $5.000000000e-01, v23  }
0xd2: {  	v21 =	vadd.f32 v27, v21;
	v26 =	vmul.f32 v27, v27;
	v27 =	vadd.f32 v29, v16  }
0xd3: {  	v63 =	vmul.f32 v62, v62;
	v29 =	vsel vm0, v28, v36;
	v28 =	vadd.f32 v25, v30  }
0xd4: {  	s9 =	simm.s32 $0xA060;
	v25 =	vmul.f32 v33, v33;
	v30 =	vadd.f32 v62, v31;
	v21 =	vadd.f32 v33, v21  }
0xd5: {  	s8 =	simm.s32 $0x6080;
	s10 =	simm.s32 $0x3;
	s11 =	simm.s32 $0x20A0;
	v27 =	vmul.f32 $5.000000000e-01, v27;
	v31 =	vadd.f32 v63, v31;
	v32 =	vmul.f32 v24, v24;
	[tilespmem:s9+$0xFFFFFFE0] =	vst v23;
	v23 =	vmovc v17  }
.LBB2_5:
0xd6: {  	v33 =	vld [tilespmem:s11+$0x0];
	s10 =	sadd.s32 $0x2, s10;
	v34 =	vmul.f32 v16, v16;
	v29 =	vadd.f32 v29, v17;
	v15 =	vadd.f32 v26, v15;
	v26 =	vmovc v12  }
0xd7: {  	v35 =	vmul.f32 v12, v12;
	v16 =	vld [tilespmem:s11+$0xFFFFFFF0];
	p1 =	slt.u32 s10, $0xFD;
	v30 =	vadd.f32 v24, v30;
	v31 =	vadd.f32 v32, v31  }
0xd8: {  	v19 =	vadd.f32 v34, v19;
	v24 =	vmul.f32 $5.000000000e-01, v29;
	v29 =	vmul.f32 v23, v17;
	v23 =	vld [tilespmem:s11+$0x10]  }
0xd9: {  	v22 =	vadd.f32 v35, v22;
	v15 =	vadd.f32 v25, v15;
	v12 =	vld [tilespmem:s11+$0x20];
	[tilespmem:s9+$0xFFFFFFF0] =	vst v27;
	v27 =	vmul.f32 $5.000000000e-01, v28  }
0xda: {  	v36 =	vadd.f32 v17, v20;
	v25 =	vld [tilespmem:s8+$0xFFFFFFD0];
	[tilespmem:s9+$0x10] =	vst v24;
	v19 =	vadd.f32 v29, v19  }
0xdb: {  	v24 =	vperm.xlane v26, v0;
	v18 =	vadd.f32 v33, v18;
	v28 =	vmul.f32 v33, v33;
	v32 =	vld [tilespmem:s8+$0xFFFFFFE0];
	[tilespmem:s9+$0x0] =	vst v27  }
0xdc: {  	v29 =	vperm.xlane v33, v1;
	v27 =	vperm.xlane v16, v1;
	v20 =	vadd.f32 v16, v36;
	v34 =	vld [tilespmem:s8+$0xFFFFFFF0]  }
0xdd: {  	v35 =	vperm.xlane v16, v0;
	v22 =	vadd.f32 v28, v22;
	v28 =	vperm.xlane v33, v0;
	v17 =	vmovc v23  }
0xde: {  	v24 =	vsel vm0, v24, v27;
	v27 =	vperm.xlane v17, v0;
	v18 =	vadd.f32 v12, v18  }
0xdf: {  	v37 =	vperm.xlane v17, v1;
	v38 =	vperm.xlane v12, v1;
	v36 =	vadd.f32 v24, v26;
	v24 =	vld [tilespmem:s8+$0x0]  }
.Ltmp5:
0xe0: {  	v29 =	vsel vm0, v35, v29;
	v21 =	vadd.f32 v25, v21;
	v26 =	vmul.f32 v25, v25;
	(pc) =	sbr.rel @p1 .LBB2_5-.Ltmp5, $4  }
0xe1: {  	v35 =	vadd.f32 v29, v16;
	v29 =	vsel vm0, v27, v38;
	v25 =	vmul.f32 $5.000000000e-01, v36  }
0xe2: {  	s9 =	sadd.s32 $0x40, s9;
	v28 =	vsel vm0, v28, v37;
	v36 =	vmul.f32 v32, v32;
	v21 =	vadd.f32 v34, v21  }
0xe3: {  	s8 =	sadd.s32 $0x40, s8;
	v27 =	vmul.f32 $5.000000000e-01, v35;
	v28 =	vadd.f32 v28, v33;
	[tilespmem:s9+$0xFFFFFFE0] =	vst v25;
	v25 =	vmul.f32 v34, v34  }
0xe4: {  	s11 =	sadd.s32 $0x40, s11;
	v30 =	vadd.f32 v32, v30;
	v31 =	vadd.f32 v36, v31;
	v32 =	vmul.f32 v24, v24  }
0xe5: {  	v29 =	vadd.f32 v29, v17  }
0xe6: {  	v58 =	vmul.f32 $5.000000000e-01, v28  }
0xe7: {  	[tilespmem:s9+$0xFFFFFFF0] =	vst v27;
	v29 =	vmul.f32 $5.000000000e-01, v29  }
0xe8: {  	v60 =	vld [tilespmem:s8+$0xFFFFFFE0];
	[tilespmem:s9+$0x0] =	vst v58  }
0xe9: {  	v59 =	vld [tilespmem:s8+$0xFFFFFFD0];
	[tilespmem:s9+$0x10] =	vst v29  }
0xea: {  	v16 =	vmul.f32 v16, v16;
	v15 =	vadd.f32 v26, v15;
	v27 =	vld [tilespmem:s8+$0xFFFFFFF0]  }
0xeb: {  	v61 =	vmul.f32 v12, v12;
	v33 =	vadd.f32 v17, v20;
	v24 =	vadd.f32 v24, v30;
	v63 =	vld [tilespmem:s8+$0x0]  }
0xec: {  	v62 =	vadd.f32 v32, v31;
	v32 =	vmul.f32 v23, v17;
	v16 =	vadd.f32 v16, v19;
	v23 =	vld [tilespmem:$0x3FD0]  }
0xed: {  	v22 =	vadd.f32 v61, v22;
	v15 =	vadd.f32 v25, v15;
	v34 =	vld [tilespmem:$0x3FE0];
	v36 =	vmul.f32 v60, v60  }
0xee: {  	v16 =	vadd.f32 v32, v16;
	v35 =	vmul.f32 v59, v59;
	v21 =	vadd.f32 v59, v21  }
0xef: {  	v37 =	vld [tilespmem:$0x7FD0];
	v24 =	vadd.f32 v60, v24;
	v25 =	vadd.f32 v36, v62  }
0xf0: {  	v40 =	vld [tilespmem:$0x7FE0];
	v15 =	vadd.f32 v35, v15;
	v38 =	vmul.f32 v27, v27;
	v39 =	vmul.f32 v63, v63  }
0xf1: {  	v42 =	vld [tilespmem:$0x3FF0];
	v21 =	vadd.f32 v27, v21;
	v24 =	vadd.f32 v63, v24;
	v41 =	vmul.f32 v23, v23  }
0xf2: {  	v44 =	vld [tilespmem:$0x7FF0];
	v43 =	vmul.f32 v34, v34;
	v17 =	vadd.f32 v23, v33;
	v18 =	vadd.f32 v34, v18  }
0xf3: {  	v25 =	vadd.f32 v39, v25;
	v15 =	vadd.f32 v38, v15  }
0xf4: {  	v45 =	vmul.f32 v37, v37;
	v16 =	vadd.f32 v41, v16;
	v22 =	vadd.f32 v43, v22  }
0xf5: {  	v46 =	vmul.f32 v40, v40;
	v21 =	vadd.f32 v37, v21;
	v19 =	vadd.f32 v40, v24  }
0xf6: {  	v47 =	vmul.f32 v42, v42;
	v17 =	vadd.f32 v42, v17;
	v15 =	vadd.f32 v45, v15  }
0xf7: {  	v48 =	vmul.f32 v44, v44;
	v25 =	vadd.f32 v46, v25;
	v21 =	vadd.f32 v44, v21  }
0xf8: {  	v16 =	vadd.f32 v47, v16;
	v17 =	vadd.f32 v17, v18  }
0xf9: {  	v15 =	vadd.f32 v48, v15;
	v49 =	vadd.f32 v21, v19  }
0xfa: {  	v16 =	vadd.f32 v16, v22;
	v50 =	vperm.xlane v17, v3  }
0xfb: {  	v15 =	vadd.f32 v15, v25;
	v21 =	vperm.xlane v49, v3  }
0xfc: {  	v17 =	vadd.f32 v50, v17;
	v51 =	vperm.xlane v16, v3  }
0xfd: {  	v18 =	vadd.f32 v21, v49;
	v52 =	vperm.xlane v15, v3  }
0xfe: {  	v53 =	vperm.xlane v17, v4;
	v16 =	vadd.f32 v51, v16  }
0xff: {  	v54 =	vperm.xlane v18, v4;
	v15 =	vadd.f32 v52, v15  }
0x100: {  	v17 =	vadd.f32 v53, v17;
	v55 =	vperm.xlane v16, v4  }
0x101: {  	v18 =	vadd.f32 v54, v18;
	v56 =	vperm.xlane v15, v4  }
0x102: {  	v11 =	vadd.f32 v14, v11;
	v57 =	vperm.xlane v17, v5;
	v16 =	vadd.f32 v55, v16  }
0x103: {  	v10 =	vadd.f32 v13, v10;
	v58 =	vperm.xlane v18, v5;
	v15 =	vadd.f32 v56, v15  }
0x104: {  	v7 =	vadd.f32 v9, v7;
	v14 =	vadd.f32 v57, v17;
	v59 =	vperm.xlane v16, v5  }
0x105: {  	v6 =	vadd.f32 v8, v6;
	v13 =	vadd.f32 v58, v18;
	v60 =	vperm.xlane v15, v5  }
0x106: {  	v11 =	vmul.f32 $1.220703130e-04, v11;
	v61 =	vperm.xlane v14, v0;
	v16 =	vadd.f32 v59, v16  }
0x107: {  	v10 =	vmul.f32 $1.220703130e-04, v10;
	v9 =	vperm.xlane v13, v0;
	v15 =	vadd.f32 v60, v15  }
0x108: {  	v7 =	vmul.f32 $1.220703130e-04, v7;
	v8 =	vadd.f32 v61, v14;
	v62 =	vperm.xlane v16, v0  }
0x109: {  	v6 =	vmul.f32 $1.220703130e-04, v6;
	v9 =	vadd.f32 v9, v13;
	v63 =	vperm.xlane v15, v0  }
0x10a: {  	v11 =	vmul.f32 v11, v11;
	v8 =	vmul.f32 $1.220703130e-04, v8;
	v14 =	vadd.f32 v62, v16  }
0x10b: {  	v7 =	vmul.f32 v7, v7;
	v9 =	vmul.f32 $1.220703130e-04, v9;
	v13 =	vadd.f32 v63, v15  }
0x10c: {  	v14 =	vmul.f32 $1.220703130e-04, v14;
	v8 =	vmul.f32 v8, v8  }
0x10d: {  	v13 =	vmul.f32 $1.220703130e-04, v13;
	v9 =	vmul.f32 v9, v9  }
0x10e: {  	v10 =	vsub.f32 v10, v11;
	v8 =	vsub.f32 v14, v8  }
0x10f: {  	v6 =	vsub.f32 v6, v7;
	v7 =	vsub.f32 v13, v9  }
0x110: {  	vm1 =	vge.f32 v10, v8  }
0x111: {  	v8 =	vsel vm1, $0x1, v1;
	vm1 =	vge.f32 v6, v7  }
0x112: {  	(xrf0) =	vadd.scan.msk.s32 $0xffff, v8;
	v6 =	vsel vm1, $0x1, v1  }
0x113: {  	(xrf0) =	vadd.scan.msk.s32 $0xffff, v6;
	_ =	sdelay $0x4  }
0x114: {  	v6, _, _ =	vpop (xrf0)  }
0x115: {  	(v2sf) =	vpush v6, $0xF;
	v6, _, _ =	vpop (xrf0)  }
0x116: {  	(v2sf) =	vpush v6, $0xF;
	_ =	sdelay $0x9  }
0x117: {  	v7 =	vperm.xlane v23, v1;
	v6 =	vperm.xlane v12, v0  }
0x118: {  	v9 =	vperm.xlane v34, v1;
	v10 =	vperm.xlane v42, v1  }
0x119: {  	v8 =	vperm.xlane v23, v0;
	v6 =	vsel vm0, v6, v7;
	v7 =	vperm.xlane v34, v0  }
0x11a: {  	v6 =	vadd.f32 v6, v12  }
0x11b: {  	v8 =	vsel vm0, v8, v9;
	v9 =	vperm.xlane v42, v0;
	v7 =	vsel vm0, v7, v10;
	s8 =	spop (v2sf)  }
0x11c: {  	vm1 =	veq.s32 v2, $0xF;
	v6 =	vmul.f32 $5.000000000e-01, v6;
	v7 =	vadd.f32 v7, v34;
	s12 =	spop (v2sf)  }
0x11d: {  	v8 =	vadd.f32 v8, v23;
	v9 =	vsel vm1, $0x0, v9;
	p1 =	slt.s32 s12, $0x1  }
.Ltmp6:
0x11e: {  	v9 =	vadd.f32 v9, v42;
	[tilespmem:$0xBFC0] =	vst v6;
	v6 =	vmul.f32 $5.000000000e-01, v7;
	(pc) =	sbr.rel @p1 .LBB2_10-.Ltmp6, $4  }
0x11f: {  	v8 =	vmul.f32 $5.000000000e-01, v8  }
0x120: {  	v7 =	vmul.f32 $5.000000000e-01, v9;
	[tilespmem:$0xBFE0] =	vst v6;
	v6 =	vmul.u32 $0x2, v2  }
0x121: {  	[tilespmem:$0xBFD0] =	vst v8  }
0x122: {  	s9 =	simm.s32 $0xC040;
	[tilespmem:$0xBFF0] =	vst v7;
	v7 =	vadd.s32 $0xC0, v6;
	v8 =	vadd.s32 $0x40, v6;
	v9 =	vadd.s32 $0x80, v6  }
0x123: {  	_ =	sdelay $0x3  }
0x124: {  	v7 =	vld.idx.msk [tilespmem:v7+s19+$0x0], $0xffff;
	v11 =	vadd.s32 $0x100, v6  }
0x125: {  	v10 =	vadd.s32 $0xE0, v6  }
0x126: {  	v8 =	vld.idx.msk [tilespmem:v8+s19+$0x0], $0xffff;
	v12 =	vadd.s32 $0xC0, v11  }
0x127: {  	v15 =	vld.idx.msk [tilespmem:v6+s19+$0x0], $0xffff;
	v13 =	vadd.s32 $0x40, v11  }
0x128: {  	v9 =	vld.idx.msk [tilespmem:v9+s19+$0x0], $0xffff;
	v14 =	vadd.s32 $0x80, v11  }
0x129: {  	v16 =	vadd.s32 $0x60, v6;
	[tilespmem:s9+$0x20] =	vst v7;
	v21 =	vld.idx.msk [tilespmem:v11+s19+$0x0], $0xffff  }
0x12a: {  	v17 =	vadd.s32 $0xA0, v6;
	v10 =	vld.idx.msk [tilespmem:v10+s19+$0x0], $0xffff  }
0x12b: {  	v18 =	vadd.s32 $0x20, v6;
	v7 =	vadd.s32 $0x100, v11;
	v12 =	vld.idx.msk [tilespmem:v12+s19+$0x0], $0xffff  }
0x12c: {  	[tilespmem:s9+$0xFFFFFFC0] =	vst v15;
	v13 =	vld.idx.msk [tilespmem:v13+s19+$0x0], $0xffff;
	v15 =	vadd.s32 $0x40, v7  }
0x12d: {  	[tilespmem:s9+$0xFFFFFFE0] =	vst v8;
	v8 =	vld.idx.msk [tilespmem:v14+s19+$0x0], $0xffff;
	v14 =	vadd.s32 $0xE0, v11  }
0x12e: {  	s10 =	simm.s32 $0xC0C0;
	[tilespmem:s9+$0x0] =	vst v9;
	v20 =	vadd.s32 $0xC0, v7;
	v22 =	vld.idx.msk [tilespmem:v16+s19+$0x0], $0xffff  }
0x12f: {  	v23 =	vadd.s32 $0x80, v7;
	v16 =	vld.idx.msk [tilespmem:v17+s19+$0x0], $0xffff;
	[tilespmem:s10+$0xFFFFFFC0] =	vst v21  }
0x130: {  	v19 =	vld.idx.msk [tilespmem:v18+s19+$0x0], $0xffff;
	[tilespmem:s9+$0x30] =	vst v10  }
0x131: {  	[tilespmem:s10+$0x20] =	vst v12;
	v12 =	vadd.s32 $0x60, v11;
	v15 =	vld.idx.msk [tilespmem:v15+s19+$0x0], $0xffff  }
0x132: {  	[tilespmem:s10+$0xFFFFFFE0] =	vst v13;
	v13 =	vadd.s32 $0xA0, v11;
	v18 =	vld.idx.msk [tilespmem:v14+s19+$0x0], $0xffff  }
0x133: {  	v9 =	vadd.s32 $0x20, v11;
	v21 =	vadd.s32 $0x100, v7;
	[tilespmem:s10+$0x0] =	vst v8;
	v8 =	vadd.s32 $0x20, v7;
	v14 =	vld.idx.msk [tilespmem:v20+s19+$0x0], $0xffff  }
0x134: {  	s11 =	simm.s32 $0x8;
	v10 =	vadd.s32 $0x60, v7;
	v11 =	vadd.s32 $0xA0, v7;
	v17 =	vld.idx.msk [tilespmem:v23+s19+$0x0], $0xffff;
	[tilespmem:s9+$0xFFFFFFF0] =	vst v22;
	v20 =	vadd.s32 $0xE0, v7  }
.LBB2_8:
0x135: {  	v22 =	vadd.s32 $0x40, v21;
	v23 =	vadd.s32 $0x80, v21;
	v24 =	vadd.s32 $0xC0, v21;
	s11 =	sadd.s32 $0x4, s11;
	v25 =	vld.idx.msk [tilespmem:v7+s19+$0x0], $0xffff;
	[tilespmem:s9+$0x10] =	vst v16;
	v7 =	vmovc v21  }
0x136: {  	v26 =	vadd.s32 $0x20, v21;
	v27 =	vadd.s32 $0xA0, v21;
	p1 =	slt.u32 s11, $0x7C;
	v28 =	vld.idx.msk [tilespmem:v12+s19+$0x0], $0xffff;
	[tilespmem:s9+$0xFFFFFFD0] =	vst v19;
	v12 =	vmovc v10;
	v10 =	vadd.s32 $0x60, v21;
	s9 =	smov.u32 s10  }
0x137: {  	s10 =	sadd.s32 $0x80, s10;
	v16 =	vld.idx.msk [tilespmem:v13+s19+$0x0], $0xffff;
	[tilespmem:s9+$0x30] =	vst v18;
	v13 =	vmov v11;
	v11 =	vmov v27  }
.Ltmp7:
0x138: {  	[tilespmem:s10+$0x20] =	vst v14;
	v19 =	vld.idx.msk [tilespmem:v9+s19+$0x0], $0xffff;
	v9 =	vmov v8;
	v8 =	vmov v26;
	(pc) =	sbr.rel @p1 .LBB2_8-.Ltmp7, $4  }
0x139: {  	[tilespmem:s10+$0xFFFFFFE0] =	vst v15;
	v18 =	vld.idx.msk [tilespmem:v20+s19+$0x0], $0xffff  }
0x13a: {  	v14 =	vld.idx.msk [tilespmem:v24+s19+$0x0], $0xffff;
	[tilespmem:s10+$0x0] =	vst v17  }
0x13b: {  	v15 =	vld.idx.msk [tilespmem:v22+s19+$0x0], $0xffff;
	[tilespmem:s10+$0xFFFFFFC0] =	vst v25  }
0x13c: {  	v21 =	vadd.s32 $0x100, v21;
	v20 =	vadd.s32 $0xE0, v7;
	v17 =	vld.idx.msk [tilespmem:v23+s19+$0x0], $0xffff;
	[tilespmem:s9+$0xFFFFFFF0] =	vst v28  }
0x13d: {  	_ =	sdelay $0x2  }
0x13e: {  	[tilespmem:s9+$0x10] =	vst v16  }
0x13f: {  	v7 =	vld.idx.msk [tilespmem:v7+s19+$0x0], $0xffff;
	[tilespmem:s9+$0xFFFFFFD0] =	vst v19  }
0x140: {  	v12 =	vld.idx.msk [tilespmem:v12+s19+$0x0], $0xffff;
	s12 =	sadd.s32 $0x80, s10;
	[tilespmem:s10+$0x30] =	vst v18  }
0x141: {  	v13 =	vld.idx.msk [tilespmem:v13+s19+$0x0], $0xffff;
	[tilespmem:s12+$0x20] =	vst v14  }
0x142: {  	v9 =	vld.idx.msk [tilespmem:v9+s19+$0x0], $0xffff;
	[tilespmem:s12+$0xFFFFFFE0] =	vst v15  }
0x143: {  	v14 =	vld.idx.msk [tilespmem:v20+s19+$0x0], $0xffff;
	[tilespmem:s12+$0x0] =	vst v17  }
0x144: {  	[tilespmem:s12+$0xFFFFFFC0] =	vst v7;
	v7 =	vld.idx.msk [tilespmem:v10+s19+$0x0], $0xffff  }
0x145: {  	[tilespmem:s10+$0xFFFFFFF0] =	vst v12;
	v63 =	vld.idx.msk [tilespmem:v11+s19+$0x0], $0xffff  }
0x146: {  	[tilespmem:s10+$0x10] =	vst v13;
	v8 =	vld.idx.msk [tilespmem:v8+s19+$0x0], $0xffff  }
.Ltmp8:
0x147: {  	[tilespmem:s10+$0xFFFFFFD0] =	vst v9;
	(pc) =	sbr.rel .LBB2_13-.Ltmp8, $4  }
0x148: {  	[tilespmem:s12+$0x30] =	vst v14  }
0x149: {  	[tilespmem:s12+$0xFFFFFFF0] =	vst v7  }
0x14a: {  	[tilespmem:s12+$0x10] =	vst v63  }
0x14b: {  	[tilespmem:s12+$0xFFFFFFD0] =	vst v8  }
.LBB2_10:
0x14c: {  	_ =	sdelay $0x3  }
0x14d: {  	v7 =	vld.idx.msk [tilespmem:v7+s20+$0x0], $0xffff;
	v11 =	vadd.s32 $0x100, v6  }
0x14e: {  	v10 =	vadd.s32 $0xE0, v6  }
0x14f: {  	v8 =	vld.idx.msk [tilespmem:v8+s20+$0x0], $0xffff;
	v12 =	vadd.s32 $0xC0, v11  }
0x150: {  	v15 =	vld.idx.msk [tilespmem:v6+s20+$0x0], $0xffff;
	v13 =	vadd.s32 $0x40, v11  }
0x151: {  	v9 =	vld.idx.msk [tilespmem:v9+s20+$0x0], $0xffff;
	v14 =	vadd.s32 $0x80, v11  }
0x152: {  	v16 =	vadd.s32 $0x60, v6;
	[tilespmem:s9+$0x20] =	vst v7;
	v21 =	vld.idx.msk [tilespmem:v11+s20+$0x0], $0xffff  }
0x153: {  	v17 =	vadd.s32 $0xA0, v6;
	v10 =	vld.idx.msk [tilespmem:v10+s20+$0x0], $0xffff  }
0x154: {  	v18 =	vadd.s32 $0x20, v6;
	v7 =	vadd.s32 $0x100, v11;
	v12 =	vld.idx.msk [tilespmem:v12+s20+$0x0], $0xffff  }
0x155: {  	[tilespmem:s9+$0xFFFFFFC0] =	vst v15;
	v13 =	vld.idx.msk [tilespmem:v13+s20+$0x0], $0xffff;
	v15 =	vadd.s32 $0x40, v7  }
0x156: {  	[tilespmem:s9+$0xFFFFFFE0] =	vst v8;
	v8 =	vld.idx.msk [tilespmem:v14+s20+$0x0], $0xffff;
	v14 =	vadd.s32 $0xE0, v11  }
0x157: {  	s10 =	simm.s32 $0xC0C0;
	[tilespmem:s9+$0x0] =	vst v9;
	v20 =	vadd.s32 $0xC0, v7;
	v22 =	vld.idx.msk [tilespmem:v16+s20+$0x0], $0xffff  }
0x158: {  	v23 =	vadd.s32 $0x80, v7;
	v16 =	vld.idx.msk [tilespmem:v17+s20+$0x0], $0xffff;
	[tilespmem:s10+$0xFFFFFFC0] =	vst v21  }
0x159: {  	v19 =	vld.idx.msk [tilespmem:v18+s20+$0x0], $0xffff;
	[tilespmem:s9+$0x30] =	vst v10  }
0x15a: {  	[tilespmem:s10+$0x20] =	vst v12;
	v12 =	vadd.s32 $0x60, v11;
	v15 =	vld.idx.msk [tilespmem:v15+s20+$0x0], $0xffff  }
0x15b: {  	[tilespmem:s10+$0xFFFFFFE0] =	vst v13;
	v13 =	vadd.s32 $0xA0, v11;
	v18 =	vld.idx.msk [tilespmem:v14+s20+$0x0], $0xffff  }
0x15c: {  	v9 =	vadd.s32 $0x20, v11;
	v21 =	vadd.s32 $0x100, v7;
	[tilespmem:s10+$0x0] =	vst v8;
	v8 =	vadd.s32 $0x20, v7;
	v14 =	vld.idx.msk [tilespmem:v20+s20+$0x0], $0xffff  }
0x15d: {  	s11 =	simm.s32 $0x8;
	v10 =	vadd.s32 $0x60, v7;
	v11 =	vadd.s32 $0xA0, v7;
	v17 =	vld.idx.msk [tilespmem:v23+s20+$0x0], $0xffff;
	[tilespmem:s9+$0xFFFFFFF0] =	vst v22;
	v20 =	vadd.s32 $0xE0, v7  }
.LBB2_11:
0x15e: {  	v22 =	vadd.s32 $0x40, v21;
	v23 =	vadd.s32 $0x80, v21;
	v24 =	vadd.s32 $0xC0, v21;
	s11 =	sadd.s32 $0x4, s11;
	v25 =	vld.idx.msk [tilespmem:v7+s20+$0x0], $0xffff;
	[tilespmem:s9+$0x10] =	vst v16;
	v7 =	vmovc v21  }
0x15f: {  	v26 =	vadd.s32 $0x20, v21;
	v27 =	vadd.s32 $0xA0, v21;
	p1 =	slt.u32 s11, $0x7C;
	v28 =	vld.idx.msk [tilespmem:v12+s20+$0x0], $0xffff;
	[tilespmem:s9+$0xFFFFFFD0] =	vst v19;
	v12 =	vmovc v10;
	v10 =	vadd.s32 $0x60, v21;
	s9 =	smov.u32 s10  }
0x160: {  	s10 =	sadd.s32 $0x80, s10;
	v16 =	vld.idx.msk [tilespmem:v13+s20+$0x0], $0xffff;
	[tilespmem:s9+$0x30] =	vst v18;
	v13 =	vmov v11;
	v11 =	vmov v27  }
.Ltmp9:
0x161: {  	[tilespmem:s10+$0x20] =	vst v14;
	v19 =	vld.idx.msk [tilespmem:v9+s20+$0x0], $0xffff;
	v9 =	vmov v8;
	v8 =	vmov v26;
	(pc) =	sbr.rel @p1 .LBB2_11-.Ltmp9, $4  }
0x162: {  	[tilespmem:s10+$0xFFFFFFE0] =	vst v15;
	v18 =	vld.idx.msk [tilespmem:v20+s20+$0x0], $0xffff  }
0x163: {  	v14 =	vld.idx.msk [tilespmem:v24+s20+$0x0], $0xffff;
	[tilespmem:s10+$0x0] =	vst v17  }
0x164: {  	v15 =	vld.idx.msk [tilespmem:v22+s20+$0x0], $0xffff;
	[tilespmem:s10+$0xFFFFFFC0] =	vst v25  }
0x165: {  	v21 =	vadd.s32 $0x100, v21;
	v20 =	vadd.s32 $0xE0, v7;
	v17 =	vld.idx.msk [tilespmem:v23+s20+$0x0], $0xffff;
	[tilespmem:s9+$0xFFFFFFF0] =	vst v28  }
0x166: {  	_ =	sdelay $0x2  }
0x167: {  	[tilespmem:s9+$0x10] =	vst v16  }
0x168: {  	v7 =	vld.idx.msk [tilespmem:v7+s20+$0x0], $0xffff;
	[tilespmem:s9+$0xFFFFFFD0] =	vst v19  }
0x169: {  	v12 =	vld.idx.msk [tilespmem:v12+s20+$0x0], $0xffff;
	s12 =	sadd.s32 $0x80, s10;
	[tilespmem:s10+$0x30] =	vst v18  }
0x16a: {  	v13 =	vld.idx.msk [tilespmem:v13+s20+$0x0], $0xffff;
	[tilespmem:s12+$0x20] =	vst v14  }
0x16b: {  	v9 =	vld.idx.msk [tilespmem:v9+s20+$0x0], $0xffff;
	[tilespmem:s12+$0xFFFFFFE0] =	vst v15  }
0x16c: {  	v14 =	vld.idx.msk [tilespmem:v20+s20+$0x0], $0xffff;
	[tilespmem:s12+$0x0] =	vst v17  }
0x16d: {  	[tilespmem:s12+$0xFFFFFFC0] =	vst v7;
	v7 =	vld.idx.msk [tilespmem:v10+s20+$0x0], $0xffff  }
0x16e: {  	[tilespmem:s10+$0xFFFFFFF0] =	vst v12;
	v63 =	vld.idx.msk [tilespmem:v11+s20+$0x0], $0xffff  }
0x16f: {  	[tilespmem:s10+$0x10] =	vst v13;
	v8 =	vld.idx.msk [tilespmem:v8+s20+$0x0], $0xffff  }
0x170: {  	[tilespmem:s10+$0xFFFFFFD0] =	vst v9  }
0x171: {  	[tilespmem:s12+$0x30] =	vst v14  }
0x172: {  	[tilespmem:s12+$0xFFFFFFF0] =	vst v7  }
0x173: {  	[tilespmem:s12+$0x10] =	vst v63  }
0x174: {  	[tilespmem:s12+$0xFFFFFFD0] =	vst v8  }
.LBB2_13:
0x175: {  	p1 =	sgt.s32 s8, $0x0;
	s11 =	sshll.u32 s7, $0xA;
	s9 =	simm.s32 $0x8000  }
0x176: {  	s12 =	sshll.u32 s7, $0x9;
	s8 =	sadd.s32 s2, s11;
	s9 =	simm.s32 @!p1 $0xA000  }
0x177: {  	[hbm4b:s8+s6] =	stream.linear.scatter [tilespmem:s9], [sflag:$0x3], $0x2000, $0x38;
	[tilespmem:$0x1A000] =	vst v63  }
0x178: {  	s8 =	sadd.s32 s4, s12;
	s9 =	smin.u32 s7, $0x3FD  }
0x179: {  	[hbm4b:s8+s6] =	stream.linear.scatter [tilespmem:s26], [sflag:$0x3], $0x1000, $0x38;
	[tilespmem:$0x1A000] =	vst v63  }
0x17a: {  	s8 =	sadd.s32 $0x2, s9  }
0x17b: {  	s10 =	sshll.u32 s8, $0xD;
	s8 =	sshll.u32 s8, $0x7  }
0x17c: {  	s9 =	sand.u32 $0xFF0000, s10;
	s8 =	sand.u32 $0x380, s8  }
0x17d: {  	s8 =	sor.u32 s8, s9  }
0x17e: {  	s9 =	sadd.s32 $0x800000, s8  }
0x17f: {  	s9 =	sshrl.u32 s9, $0x3  }
0x180: {  	s11 =	sor.u32 $0x1000000, s8;
	s9 =	sadd.s32 s1, s9  }
0x181: {  	[tilespmem:s6], [sflag:$0x1] =	stream.strided.gather [hbm4b:s9+s16], $0x2000, s17, s16, $0x38;
	[tilespmem:$0x1A000] =	vst v63  }
0x182: {  	s9 =	sshrl.u32 s11, $0x3  }
0x183: {  	s12 =	sadd.s32 $0x1800000, s8;
	s9 =	sadd.s32 s1, s9  }
0x184: {  	[tilespmem:s18], [sflag:$0x1] =	stream.strided.gather [hbm4b:s9+s16], $0x2000, s17, s16, $0x38;
	[tilespmem:$0x1A000] =	vst v63  }
0x185: {  	s8 =	sor.u32 $0x2000000, s8;
	s9 =	sshrl.u32 s12, $0x3  }
0x186: {  	s8 =	sshrl.u32 s8, $0x3;
	s9 =	sadd.s32 s1, s9  }
0x187: {  	[tilespmem:s19], [sflag:$0x1] =	stream.strided.gather [hbm4b:s9+s16], $0x2000, s17, s16, $0x38;
	[tilespmem:$0x1A000] =	vst v63  }
0x188: {  	s8 =	sadd.s32 s1, s8  }
0x189: {  	[tilespmem:s20], [sflag:$0x1] =	stream.strided.gather [hbm4b:s8+s16], $0x2000, s17, s16, $0x38;
	[tilespmem:$0x1A000] =	vst v63  }
0x18a: {  	_ =	swait.ge [sflag:s28], $0x2000  }
0x18b: {  	[sflag:s28] =	ssyncset.done $0x0  }
0x18c: {  	[sflag:s28] =	ssyncadd.s32 $0xFFFFE000  }
0x18d: {  	_ =	swait.ge [sflag:s28], $0x2000  }
0x18e: {  	[sflag:s28] =	ssyncset.done $0x0  }
0x18f: {  	[sflag:s28] =	ssyncadd.s32 $0xFFFFE000  }
0x190: {  	_ =	swait.ge [sflag:s28], $0x2000  }
0x191: {  	[sflag:s28] =	ssyncset.done $0x0  }
0x192: {  	[sflag:s28] =	ssyncadd.s32 $0xFFFFE000  }
0x193: {  	_ =	swait.ge [sflag:s28], $0x2000  }
0x194: {  	[sflag:s28] =	ssyncset.done $0x0  }
0x195: {  	s8 =	simm.s32 @!p0 $0x4;
	[sflag:s28] =	ssyncadd.s32 $0xFFFFE000  }
0x196: {  	_ =	swait.ge @!p0 [sflag:s8], $0x2000  }
0x197: {  	[sflag:s8] =	ssyncset.done @!p0 $0x0  }
0x198: {  	[sflag:s8] =	ssyncadd.s32 @!p0 $0xFFFFE000  }
0x199: {  	_ =	swait.ge @!p0 [sflag:s8], $0x1000  }
0x19a: {  	[sflag:s8] =	ssyncset.done @!p0 $0x0  }
0x19b: {  	[sflag:s8] =	ssyncadd.s32 @!p0 $0xFFFFF000  }
0x19c: {  	v7 =	vld [tilespmem:$0xD000]  }
0x19d: {  	s9 =	simm.s32 $0xD020;
	v15 =	vld [tilespmem:$0x11000]  }
0x19e: {  	v9 =	vld [tilespmem:s9+$0xFFFFFFF0]  }
0x19f: {  	v10 =	vld [tilespmem:s9+$0x0]  }
0x1a0: {  	v12 =	vld [tilespmem:s9+$0x10]  }
0x1a1: {  	v16 =	vld [tilespmem:s9+$0x20];
	_ =	sdelay $0x1  }
0x1a2: {  	v13 =	vmul.f32 v7, v7;
	v8 =	vmul.f32 v15, v15  }
0x1a3: {  	v24 =	vimm.f32 $0.0e+00;
	v11 =	vperm.xlane v7, v0;
	v14 =	vperm.xlane v9, v1  }
0x1a4: {  	v17 =	vadd.f32 v10, v24;
	v19 =	vperm.xlane v10, v1;
	v21 =	vperm.xlane v9, v0  }
0x1a5: {  	v20 =	vadd.f32 v9, v7;
	v22 =	vperm.xlane v12, v0;
	v23 =	vperm.xlane v16, v1  }
0x1a6: {  	v11 =	vsel vm0, v11, v14;
	v14 =	vperm.xlane v10, v0;
	v19 =	vsel vm0, v21, v19  }
0x1a7: {  	s10 =	simm.s32 $0xD060;
	v21 =	vsel vm0, v22, v23;
	v7 =	vadd.f32 v11, v7;
	v11 =	vperm.xlane v12, v1  }
0x1a8: {  	v18 =	vmul.f32 v10, v10;
	v23 =	vld [tilespmem:s10+$0x0];
	v19 =	vadd.f32 v19, v9;
	v21 =	vadd.f32 v21, v12  }
0x1a9: {  	v7 =	vmul.f32 $5.000000000e-01, v7;
	v11 =	vsel vm0, v14, v11;
	v14 =	vmul.f32 v9, v9;
	v9 =	vld [tilespmem:s10+$0xFFFFFFF0]  }
0x1aa: {  	s11 =	simm.s32 $0x15020;
	v18 =	vadd.f32 v18, v24;
	v19 =	vmul.f32 $5.000000000e-01, v19;
	v10 =	vadd.f32 v11, v10  }
0x1ab: {  	v22 =	vmul.f32 v16, v16;
	v17 =	vadd.f32 v16, v17;
	v21 =	vmul.f32 $5.000000000e-01, v21;
	[tilespmem:s11+$0xFFFFFFE0] =	vst v7  }
0x1ac: {  	v11 =	vld [tilespmem:s10+$0x10];
	v13 =	vadd.f32 v14, v13;
	v14 =	vmul.f32 v12, v12;
	[tilespmem:s11+$0xFFFFFFF0] =	vst v19;
	v10 =	vmul.f32 $5.000000000e-01, v10  }
0x1ad: {  	s12 =	simm.s32 $0x11040;
	v18 =	vadd.f32 v22, v18;
	v7 =	vld [tilespmem:s10+$0x20];
	v19 =	vadd.f32 v12, v20;
	[tilespmem:s11+$0x10] =	vst v21;
	v21 =	vperm.xlane v16, v0  }
0x1ae: {  	v20 =	vld [tilespmem:s12+$0xFFFFFFD0];
	v12 =	vadd.f32 v14, v13;
	v14 =	vmul.f32 v23, v23;
	[tilespmem:s11+$0x0] =	vst v10;
	v10 =	vperm.xlane v9, v1  }
0x1af: {  	v17 =	vadd.f32 v23, v17;
	v22 =	vperm.xlane v23, v1;
	v25 =	vld [tilespmem:s12+$0xFFFFFFE0];
	v13 =	vadd.f32 v9, v19  }
0x1b0: {  	v19 =	vperm.xlane v9, v0;
	v26 =	vld [tilespmem:s12+$0xFFFFFFF0];
	v14 =	vadd.f32 v14, v18;
	v21 =	vsel vm0, v21, v10  }
0x1b1: {  	v18 =	vperm.xlane v23, v0;
	v27 =	vperm.xlane v11, v0;
	v16 =	vadd.f32 v21, v16  }
0x1b2: {  	v10 =	vadd.f32 v7, v17;
	v28 =	vperm.xlane v7, v1;
	v17 =	vld [tilespmem:s12+$0x0];
	v22 =	vsel vm0, v19, v22  }
0x1b3: {  	v21 =	vperm.xlane v11, v1;
	v15 =	vadd.f32 v20, v15;
	v16 =	vmul.f32 $5.000000000e-01, v16  }
0x1b4: {  	v19 =	vmul.f32 v20, v20;
	v20 =	vadd.f32 v22, v9;
	v22 =	vsel vm0, v27, v28  }
0x1b5: {  	v27 =	vmul.f32 v25, v25;
	v18 =	vsel vm0, v18, v21;
	v15 =	vadd.f32 v26, v15  }
0x1b6: {  	s8 =	sor.u32 $0x1, s7;
	s10 =	simm.s32 $0x15060;
	v21 =	vadd.f32 v18, v23;
	v18 =	vmul.f32 v26, v26;
	v23 =	vadd.f32 v25, v24  }
0x1b7: {  	s9 =	simm.s32 $0x11080;
	s11 =	simm.s32 $0x3;
	s12 =	simm.s32 $0xD0A0;
	v20 =	vmul.f32 $5.000000000e-01, v20;
	v24 =	vadd.f32 v27, v24;
	[tilespmem:s10+$0xFFFFFFE0] =	vst v16;
	v25 =	vmul.f32 v17, v17;
	v16 =	vmovc v11  }
.LBB2_14:
0x1b8: {  	v26 =	vld [tilespmem:s12+$0x0];
	s11 =	sadd.s32 $0x2, s11;
	v27 =	vmul.f32 v9, v9;
	v22 =	vadd.f32 v22, v11;
	v8 =	vadd.f32 v19, v8;
	v19 =	vmovc v7  }
0x1b9: {  	v28 =	vmul.f32 v7, v7;
	v9 =	vld [tilespmem:s12+$0xFFFFFFF0];
	p0 =	slt.u32 s11, $0xFD;
	v23 =	vadd.f32 v17, v23;
	v24 =	vadd.f32 v25, v24  }
0x1ba: {  	v12 =	vadd.f32 v27, v12;
	v17 =	vmul.f32 $5.000000000e-01, v22;
	v22 =	vmul.f32 v16, v11;
	v16 =	vld [tilespmem:s12+$0x10]  }
0x1bb: {  	v14 =	vadd.f32 v28, v14;
	v8 =	vadd.f32 v18, v8;
	v7 =	vld [tilespmem:s12+$0x20];
	[tilespmem:s10+$0xFFFFFFF0] =	vst v20;
	v20 =	vmul.f32 $5.000000000e-01, v21  }
0x1bc: {  	v29 =	vadd.f32 v11, v13;
	v18 =	vld [tilespmem:s9+$0xFFFFFFD0];
	[tilespmem:s10+$0x10] =	vst v17;
	v12 =	vadd.f32 v22, v12  }
0x1bd: {  	v17 =	vperm.xlane v19, v0;
	v10 =	vadd.f32 v26, v10;
	v21 =	vmul.f32 v26, v26;
	v25 =	vld [tilespmem:s9+$0xFFFFFFE0];
	[tilespmem:s10+$0x0] =	vst v20  }
0x1be: {  	v22 =	vperm.xlane v26, v1;
	v20 =	vperm.xlane v9, v1;
	v13 =	vadd.f32 v9, v29;
	v27 =	vld [tilespmem:s9+$0xFFFFFFF0]  }
0x1bf: {  	v28 =	vperm.xlane v9, v0;
	v14 =	vadd.f32 v21, v14;
	v21 =	vperm.xlane v26, v0;
	v11 =	vmovc v16  }
0x1c0: {  	v17 =	vsel vm0, v17, v20;
	v20 =	vperm.xlane v11, v0;
	v10 =	vadd.f32 v7, v10  }
0x1c1: {  	v30 =	vperm.xlane v11, v1;
	v31 =	vperm.xlane v7, v1;
	v29 =	vadd.f32 v17, v19;
	v17 =	vld [tilespmem:s9+$0x0]  }
.Ltmp10:
0x1c2: {  	v22 =	vsel vm0, v28, v22;
	v15 =	vadd.f32 v18, v15;
	v19 =	vmul.f32 v18, v18;
	(pc) =	sbr.rel @p0 .LBB2_14-.Ltmp10, $4  }
0x1c3: {  	v28 =	vadd.f32 v22, v9;
	v22 =	vsel vm0, v20, v31;
	v18 =	vmul.f32 $5.000000000e-01, v29  }
0x1c4: {  	s10 =	sadd.s32 $0x40, s10;
	v21 =	vsel vm0, v21, v30;
	v29 =	vmul.f32 v25, v25;
	v15 =	vadd.f32 v27, v15  }
0x1c5: {  	s9 =	sadd.s32 $0x40, s9;
	v20 =	vmul.f32 $5.000000000e-01, v28;
	v21 =	vadd.f32 v21, v26;
	[tilespmem:s10+$0xFFFFFFE0] =	vst v18;
	v18 =	vmul.f32 v27, v27  }
0x1c6: {  	s12 =	sadd.s32 $0x40, s12;
	v23 =	vadd.f32 v25, v23;
	v24 =	vadd.f32 v29, v24;
	v25 =	vmul.f32 v17, v17  }
0x1c7: {  	v22 =	vadd.f32 v22, v11  }
0x1c8: {  	[tilespmem:s10+$0xFFFFFFF0] =	vst v20;
	v20 =	vmul.f32 $5.000000000e-01, v21  }
0x1c9: {  	v21 =	vld [tilespmem:s9+$0xFFFFFFD0];
	v22 =	vmul.f32 $5.000000000e-01, v22  }
0x1ca: {  	[tilespmem:s10+$0x0] =	vst v20  }
0x1cb: {  	v9 =	vmul.f32 v9, v9;
	[tilespmem:s10+$0x10] =	vst v22;
	v22 =	vld [tilespmem:s9+$0xFFFFFFE0]  }
0x1cc: {  	v8 =	vadd.f32 v19, v8;
	v19 =	vmul.f32 v7, v7;
	v17 =	vadd.f32 v17, v23;
	v20 =	vld [tilespmem:s9+$0xFFFFFFF0]  }
0x1cd: {  	v23 =	vadd.f32 v25, v24;
	v9 =	vadd.f32 v9, v12;
	v12 =	vmul.f32 v16, v11;
	v24 =	vld [tilespmem:s9+$0x0]  }
0x1ce: {  	v8 =	vadd.f32 v18, v8;
	v11 =	vadd.f32 v11, v13;
	v16 =	vld [tilespmem:$0xEFD0];
	v13 =	vmul.f32 v21, v21  }
0x1cf: {  	v14 =	vadd.f32 v19, v14;
	v9 =	vadd.f32 v12, v9;
	v18 =	vld [tilespmem:$0xEFE0]  }
0x1d0: {  	vm1 =	veq.s32 v2, $0xF;
	v15 =	vadd.f32 v21, v15;
	v8 =	vadd.f32 v13, v8  }
0x1d1: {  	v13 =	vperm.xlane v7, v0;
	v12 =	vmul.f32 v22, v22;
	v17 =	vadd.f32 v22, v17  }
0x1d2: {  	v25 =	vld [tilespmem:$0x12FE0];
	v15 =	vadd.f32 v20, v15;
	v19 =	vmul.f32 v20, v20;
	v20 =	vmul.f32 v24, v24  }
0x1d3: {  	v22 =	vld [tilespmem:$0x12FD0];
	v21 =	vperm.xlane v16, v1;
	v11 =	vadd.f32 v16, v11;
	v12 =	vadd.f32 v12, v23  }
0x1d4: {  	v17 =	vadd.f32 v24, v17;
	v23 =	vperm.xlane v16, v0;
	v24 =	vperm.xlane v18, v1  }
0x1d5: {  	v10 =	vadd.f32 v18, v10;
	v8 =	vadd.f32 v19, v8;
	v19 =	vld [tilespmem:$0xEFF0];
	v13 =	vsel vm0, v13, v21  }
0x1d6: {  	v21 =	vmul.f32 v16, v16;
	v12 =	vadd.f32 v20, v12;
	v20 =	vsel vm0, v23, v24;
	v23 =	vld [tilespmem:$0x12FF0]  }
0x1d7: {  	v7 =	vadd.f32 v13, v7;
	v13 =	vadd.f32 v20, v16;
	v20 =	vmul.f32 v18, v18  }
0x1d8: {  	v17 =	vadd.f32 v25, v17;
	v9 =	vadd.f32 v21, v9;
	v16 =	vmul.f32 v22, v22  }
0x1d9: {  	v15 =	vadd.f32 v22, v15;
	v14 =	vadd.f32 v20, v14;
	v20 =	vmul.f32 v25, v25  }
0x1da: {  	v8 =	vadd.f32 v16, v8;
	v16 =	vmul.f32 v19, v19;
	v11 =	vadd.f32 v19, v11  }
0x1db: {  	v12 =	vadd.f32 v20, v12;
	v20 =	vmul.f32 v23, v23;
	v15 =	vadd.f32 v23, v15  }
0x1dc: {  	v9 =	vadd.f32 v16, v9;
	v16 =	vperm.xlane v18, v0;
	v10 =	vadd.f32 v11, v10  }
0x1dd: {  	v8 =	vadd.f32 v20, v8;
	v20 =	vperm.xlane v19, v1;
	v11 =	vadd.f32 v15, v17  }
0x1de: {  	v7 =	vmul.f32 $5.000000000e-01, v7;
	v9 =	vadd.f32 v9, v14;
	v14 =	vperm.xlane v10, v3  }
0x1df: {  	v8 =	vadd.f32 v8, v12;
	v12 =	vsel vm0, v16, v20;
	v16 =	vperm.xlane v11, v3  }
0x1e0: {  	v15 =	vperm.xlane v9, v3;
	v12 =	vadd.f32 v12, v18;
	v18 =	vperm.xlane v19, v0  }
0x1e1: {  	v13 =	vmul.f32 $5.000000000e-01, v13;
	v10 =	vadd.f32 v14, v10;
	v17 =	vperm.xlane v8, v3  }
0x1e2: {  	v11 =	vadd.f32 v16, v11;
	v9 =	vadd.f32 v15, v9;
	v14 =	vsel vm1, $0x0, v18  }
0x1e3: {  	[tilespmem:$0x16FC0] =	vst v7;
	v15 =	vperm.xlane v10, v4;
	v7 =	vmul.f32 $5.000000000e-01, v12;
	v14 =	vadd.f32 v14, v19  }
0x1e4: {  	v8 =	vadd.f32 v17, v8;
	v17 =	vperm.xlane v11, v4;
	v16 =	vperm.xlane v9, v4  }
0x1e5: {  	[tilespmem:$0x16FD0] =	vst v13;
	v10 =	vadd.f32 v15, v10;
	v12 =	vmul.f32 $5.000000000e-01, v14  }
0x1e6: {  	[tilespmem:$0x16FE0] =	vst v7;
	v18 =	vperm.xlane v8, v4;
	v13 =	vadd.f32 v17, v11;
	v17 =	vld [tilespmem:$0xF000];
	v9 =	vadd.f32 v16, v9  }
0x1e7: {  	s12 =	simm.s32 $0xF020;
	v22 =	vld [tilespmem:$0x13000];
	v7 =	vperm.xlane v10, v5;
	[tilespmem:$0x16FF0] =	vst v12  }
0x1e8: {  	v14 =	vadd.f32 v18, v8;
	v15 =	vperm.xlane v13, v5;
	v8 =	vperm.xlane v9, v5;
	v18 =	vld [tilespmem:s12+$0xFFFFFFF0]  }
0x1e9: {  	v12 =	vadd.f32 v7, v10  }
0x1ea: {  	v16 =	vperm.xlane v14, v5;
	v11 =	vadd.f32 v8, v9;
	v8 =	vadd.f32 v15, v13;
	v13 =	vld [tilespmem:s12+$0x0]  }
0x1eb: {  	v19 =	vld [tilespmem:s12+$0x10];
	v15 =	vperm.xlane v12, v0;
	v20 =	vmul.f32 v17, v17  }
0x1ec: {  	v24 =	vld [tilespmem:s12+$0x20];
	v21 =	vperm.xlane v17, v0;
	v7 =	vadd.f32 v16, v14;
	v16 =	vmul.f32 v22, v22  }
0x1ed: {  	v14 =	vperm.xlane v11, v0;
	v23 =	vperm.xlane v18, v1  }
0x1ee: {  	v32 =	vimm.f32 $0.0e+00;
	v10 =	vperm.xlane v8, v0;
	v9 =	vperm.xlane v7, v0  }
0x1ef: {  	v29 =	vperm.xlane v18, v0;
	v27 =	vperm.xlane v13, v1;
	v21 =	vsel vm0, v21, v23  }
0x1f0: {  	v28 =	vadd.f32 v18, v17;
	v30 =	vperm.xlane v19, v0;
	v17 =	vadd.f32 v21, v17  }
0x1f1: {  	v31 =	vperm.xlane v24, v1;
	v33 =	vmul.f32 v24, v24;
	v27 =	vsel vm0, v29, v27  }
0x1f2: {  	s10 =	simm.s32 $0xF060;
	v26 =	vmul.f32 v13, v13;
	v29 =	vmul.f32 $5.000000000e-01, v17;
	v17 =	vadd.f32 v27, v18  }
0x1f3: {  	v23 =	vperm.xlane v13, v0;
	v21 =	vperm.xlane v19, v1;
	v27 =	vsel vm0, v30, v31;
	v31 =	vld [tilespmem:s10+$0x0]  }
0x1f4: {  	v25 =	vadd.f32 v13, v32;
	v27 =	vadd.f32 v27, v19;
	v30 =	vmul.f32 $5.000000000e-01, v17;
	v17 =	vld [tilespmem:s10+$0xFFFFFFF0]  }
0x1f5: {  	v26 =	vadd.f32 v26, v32;
	v21 =	vsel vm0, v23, v21;
	v23 =	vmul.f32 v18, v18;
	v18 =	vld [tilespmem:s10+$0x10]  }
0x1f6: {  	s11 =	simm.s32 $0x17020;
	v25 =	vadd.f32 v24, v25;
	v21 =	vadd.f32 v21, v13;
	v13 =	vld [tilespmem:s10+$0x20];
	v27 =	vmul.f32 $5.000000000e-01, v27  }
0x1f7: {  	v26 =	vadd.f32 v33, v26;
	v20 =	vadd.f32 v23, v20;
	v23 =	vmul.f32 v19, v19;
	[tilespmem:s11+$0xFFFFFFE0] =	vst v29  }
0x1f8: {  	v19 =	vadd.f32 v19, v28;
	v21 =	vmul.f32 $5.000000000e-01, v21;
	[tilespmem:s11+$0x10] =	vst v27;
	v27 =	vperm.xlane v24, v0  }
0x1f9: {  	s12 =	simm.s32 $0x13040;
	[tilespmem:s11+$0xFFFFFFF0] =	vst v30;
	v20 =	vadd.f32 v23, v20;
	v23 =	vmul.f32 v31, v31;
	v29 =	vperm.xlane v17, v1  }
0x1fa: {  	v28 =	vld [tilespmem:s12+$0xFFFFFFD0];
	v25 =	vadd.f32 v31, v25;
	v30 =	vperm.xlane v31, v1;
	v36 =	vperm.xlane v18, v1  }
0x1fb: {  	v62 =	vld [tilespmem:s12+$0xFFFFFFE0];
	[tilespmem:s11+$0x0] =	vst v21;
	v37 =	vperm.xlane v13, v1;
	v35 =	vperm.xlane v17, v0;
	v27 =	vsel vm0, v27, v29  }
0x1fc: {  	v34 =	vld [tilespmem:s12+$0xFFFFFFF0];
	v23 =	vadd.f32 v23, v26;
	v26 =	vperm.xlane v31, v0;
	v24 =	vadd.f32 v27, v24  }
0x1fd: {  	v21 =	vadd.f32 v17, v19;
	v19 =	vadd.f32 v13, v25;
	v25 =	vld [tilespmem:s12+$0x0];
	v29 =	vperm.xlane v18, v0  }
0x1fe: {  	v30 =	vsel vm0, v35, v30;
	v26 =	vsel vm0, v26, v36;
	v24 =	vmul.f32 $5.000000000e-01, v24  }
0x1ff: {  	v22 =	vadd.f32 v28, v22;
	v27 =	vmul.f32 v28, v28;
	v28 =	vadd.f32 v30, v17  }
0x200: {  	v63 =	vmul.f32 v62, v62;
	v30 =	vsel vm0, v29, v37;
	v29 =	vadd.f32 v26, v31  }
0x201: {  	s10 =	simm.s32 $0x17060;
	v26 =	vmul.f32 v34, v34;
	v31 =	vadd.f32 v62, v32;
	v22 =	vadd.f32 v34, v22  }
0x202: {  	s9 =	simm.s32 $0x13080;
	s11 =	simm.s32 $0x3;
	s12 =	simm.s32 $0xF0A0;
	v28 =	vmul.f32 $5.000000000e-01, v28;
	v32 =	vadd.f32 v63, v32;
	v33 =	vmul.f32 v25, v25;
	[tilespmem:s10+$0xFFFFFFE0] =	vst v24;
	v24 =	vmovc v18  }
.LBB2_16:
0x203: {  	v34 =	vld [tilespmem:s12+$0x0];
	s11 =	sadd.s32 $0x2, s11;
	v35 =	vmul.f32 v17, v17;
	v30 =	vadd.f32 v30, v18;
	v16 =	vadd.f32 v27, v16;
	v27 =	vmovc v13  }
0x204: {  	v36 =	vmul.f32 v13, v13;
	v17 =	vld [tilespmem:s12+$0xFFFFFFF0];
	p0 =	slt.u32 s11, $0xFD;
	v31 =	vadd.f32 v25, v31;
	v32 =	vadd.f32 v33, v32  }
0x205: {  	v20 =	vadd.f32 v35, v20;
	v25 =	vmul.f32 $5.000000000e-01, v30;
	v30 =	vmul.f32 v24, v18;
	v24 =	vld [tilespmem:s12+$0x10]  }
0x206: {  	v23 =	vadd.f32 v36, v23;
	v16 =	vadd.f32 v26, v16;
	v13 =	vld [tilespmem:s12+$0x20];
	[tilespmem:s10+$0xFFFFFFF0] =	vst v28;
	v28 =	vmul.f32 $5.000000000e-01, v29  }
0x207: {  	v37 =	vadd.f32 v18, v21;
	v26 =	vld [tilespmem:s9+$0xFFFFFFD0];
	[tilespmem:s10+$0x10] =	vst v25;
	v20 =	vadd.f32 v30, v20  }
0x208: {  	v25 =	vperm.xlane v27, v0;
	v19 =	vadd.f32 v34, v19;
	v29 =	vmul.f32 v34, v34;
	v33 =	vld [tilespmem:s9+$0xFFFFFFE0];
	[tilespmem:s10+$0x0] =	vst v28  }
0x209: {  	v30 =	vperm.xlane v34, v1;
	v28 =	vperm.xlane v17, v1;
	v21 =	vadd.f32 v17, v37;
	v35 =	vld [tilespmem:s9+$0xFFFFFFF0]  }
0x20a: {  	v36 =	vperm.xlane v17, v0;
	v23 =	vadd.f32 v29, v23;
	v29 =	vperm.xlane v34, v0;
	v18 =	vmovc v24  }
0x20b: {  	v25 =	vsel vm0, v25, v28;
	v28 =	vperm.xlane v18, v0;
	v19 =	vadd.f32 v13, v19  }
0x20c: {  	v38 =	vperm.xlane v18, v1;
	v39 =	vperm.xlane v13, v1;
	v37 =	vadd.f32 v25, v27;
	v25 =	vld [tilespmem:s9+$0x0]  }
.Ltmp11:
0x20d: {  	v30 =	vsel vm0, v36, v30;
	v22 =	vadd.f32 v26, v22;
	v27 =	vmul.f32 v26, v26;
	(pc) =	sbr.rel @p0 .LBB2_16-.Ltmp11, $4  }
0x20e: {  	v36 =	vadd.f32 v30, v17;
	v30 =	vsel vm0, v28, v39;
	v26 =	vmul.f32 $5.000000000e-01, v37  }
0x20f: {  	s10 =	sadd.s32 $0x40, s10;
	v29 =	vsel vm0, v29, v38;
	v37 =	vmul.f32 v33, v33;
	v22 =	vadd.f32 v35, v22  }
0x210: {  	s9 =	sadd.s32 $0x40, s9;
	v28 =	vmul.f32 $5.000000000e-01, v36;
	v29 =	vadd.f32 v29, v34;
	[tilespmem:s10+$0xFFFFFFE0] =	vst v26;
	v26 =	vmul.f32 v35, v35  }
0x211: {  	s12 =	sadd.s32 $0x40, s12;
	v31 =	vadd.f32 v33, v31;
	v32 =	vadd.f32 v37, v32;
	v33 =	vmul.f32 v25, v25  }
0x212: {  	v30 =	vadd.f32 v30, v18  }
0x213: {  	v57 =	vmul.f32 $5.000000000e-01, v29  }
0x214: {  	[tilespmem:s10+$0xFFFFFFF0] =	vst v28;
	v30 =	vmul.f32 $5.000000000e-01, v30  }
0x215: {  	v59 =	vld [tilespmem:s9+$0xFFFFFFE0];
	[tilespmem:s10+$0x0] =	vst v57  }
0x216: {  	v58 =	vld [tilespmem:s9+$0xFFFFFFD0];
	[tilespmem:s10+$0x10] =	vst v30  }
0x217: {  	v17 =	vmul.f32 v17, v17;
	v16 =	vadd.f32 v27, v16;
	v28 =	vld [tilespmem:s9+$0xFFFFFFF0]  }
0x218: {  	v60 =	vmul.f32 v13, v13;
	v25 =	vadd.f32 v25, v31;
	v61 =	vadd.f32 v33, v32;
	v62 =	vld [tilespmem:s9+$0x0]  }
0x219: {  	v63 =	vmul.f32 v24, v18;
	v33 =	vadd.f32 v18, v21;
	v17 =	vadd.f32 v17, v20;
	v24 =	vld [tilespmem:$0x10FD0]  }
0x21a: {  	v23 =	vadd.f32 v60, v23;
	v16 =	vadd.f32 v26, v16;
	v34 =	vld [tilespmem:$0x10FE0];
	v36 =	vmul.f32 v59, v59  }
0x21b: {  	v17 =	vadd.f32 v63, v17;
	v35 =	vmul.f32 v58, v58;
	v22 =	vadd.f32 v58, v22  }
0x21c: {  	v37 =	vld [tilespmem:$0x14FD0];
	v25 =	vadd.f32 v59, v25;
	v26 =	vadd.f32 v36, v61  }
0x21d: {  	v40 =	vld [tilespmem:$0x14FE0];
	v16 =	vadd.f32 v35, v16;
	v38 =	vmul.f32 v28, v28;
	v39 =	vmul.f32 v62, v62  }
0x21e: {  	v42 =	vld [tilespmem:$0x10FF0];
	v22 =	vadd.f32 v28, v22;
	v25 =	vadd.f32 v62, v25;
	v41 =	vmul.f32 v24, v24  }
0x21f: {  	v44 =	vld [tilespmem:$0x14FF0];
	v43 =	vmul.f32 v34, v34;
	v18 =	vadd.f32 v24, v33;
	v19 =	vadd.f32 v34, v19  }
0x220: {  	v26 =	vadd.f32 v39, v26;
	v16 =	vadd.f32 v38, v16  }
0x221: {  	v45 =	vmul.f32 v37, v37;
	v17 =	vadd.f32 v41, v17;
	v23 =	vadd.f32 v43, v23  }
0x222: {  	v46 =	vmul.f32 v40, v40;
	v22 =	vadd.f32 v37, v22;
	v20 =	vadd.f32 v40, v25  }
0x223: {  	v47 =	vmul.f32 v42, v42;
	v18 =	vadd.f32 v42, v18;
	v16 =	vadd.f32 v45, v16  }
0x224: {  	v48 =	vmul.f32 v44, v44;
	v26 =	vadd.f32 v46, v26;
	v22 =	vadd.f32 v44, v22  }
0x225: {  	v17 =	vadd.f32 v47, v17;
	v18 =	vadd.f32 v18, v19  }
0x226: {  	v16 =	vadd.f32 v48, v16;
	v49 =	vadd.f32 v22, v20  }
0x227: {  	v17 =	vadd.f32 v17, v23;
	v50 =	vperm.xlane v18, v3  }
0x228: {  	v16 =	vadd.f32 v16, v26;
	v22 =	vperm.xlane v49, v3  }
0x229: {  	v18 =	vadd.f32 v50, v18;
	v51 =	vperm.xlane v17, v3  }
0x22a: {  	v19 =	vadd.f32 v22, v49;
	v52 =	vperm.xlane v16, v3  }
0x22b: {  	v53 =	vperm.xlane v18, v4;
	v17 =	vadd.f32 v51, v17  }
0x22c: {  	v54 =	vperm.xlane v19, v4;
	v16 =	vadd.f32 v52, v16  }
0x22d: {  	v18 =	vadd.f32 v53, v18;
	v55 =	vperm.xlane v17, v4  }
0x22e: {  	v19 =	vadd.f32 v54, v19;
	v56 =	vperm.xlane v16, v4  }
0x22f: {  	v12 =	vadd.f32 v15, v12;
	v57 =	vperm.xlane v18, v5;
	v17 =	vadd.f32 v55, v17  }
0x230: {  	v11 =	vadd.f32 v14, v11;
	v58 =	vperm.xlane v19, v5;
	v16 =	vadd.f32 v56, v16  }
0x231: {  	v8 =	vadd.f32 v10, v8;
	v15 =	vadd.f32 v57, v18;
	v59 =	vperm.xlane v17, v5  }
0x232: {  	v7 =	vadd.f32 v9, v7;
	v14 =	vadd.f32 v58, v19;
	v60 =	vperm.xlane v16, v5  }
0x233: {  	v12 =	vmul.f32 $1.220703130e-04, v12;
	v61 =	vperm.xlane v15, v0;
	v17 =	vadd.f32 v59, v17  }
0x234: {  	v11 =	vmul.f32 $1.220703130e-04, v11;
	v10 =	vperm.xlane v14, v0;
	v16 =	vadd.f32 v60, v16  }
0x235: {  	v8 =	vmul.f32 $1.220703130e-04, v8;
	v9 =	vadd.f32 v61, v15;
	v62 =	vperm.xlane v17, v0  }
0x236: {  	v7 =	vmul.f32 $1.220703130e-04, v7;
	v10 =	vadd.f32 v10, v14;
	v63 =	vperm.xlane v16, v0  }
0x237: {  	v12 =	vmul.f32 v12, v12;
	v9 =	vmul.f32 $1.220703130e-04, v9;
	v15 =	vadd.f32 v62, v17  }
0x238: {  	v8 =	vmul.f32 v8, v8;
	v10 =	vmul.f32 $1.220703130e-04, v10;
	v14 =	vadd.f32 v63, v16  }
0x239: {  	v15 =	vmul.f32 $1.220703130e-04, v15;
	v9 =	vmul.f32 v9, v9  }
0x23a: {  	v14 =	vmul.f32 $1.220703130e-04, v14;
	v10 =	vmul.f32 v10, v10  }
0x23b: {  	v11 =	vsub.f32 v11, v12;
	v9 =	vsub.f32 v15, v9  }
0x23c: {  	v7 =	vsub.f32 v7, v8;
	v8 =	vsub.f32 v14, v10  }
0x23d: {  	vm1 =	vge.f32 v11, v9  }
0x23e: {  	v9 =	vsel vm1, $0x1, v1;
	vm1 =	vge.f32 v7, v8  }
0x23f: {  	(xrf0) =	vadd.scan.msk.s32 $0xffff, v9;
	v7 =	vsel vm1, $0x1, v1  }
0x240: {  	(xrf0) =	vadd.scan.msk.s32 $0xffff, v7;
	_ =	sdelay $0x4  }
0x241: {  	v7, _, _ =	vpop (xrf0)  }
0x242: {  	(v2sf) =	vpush v7, $0xF;
	v7, _, _ =	vpop (xrf0)  }
0x243: {  	(v2sf) =	vpush v7, $0xF;
	_ =	sdelay $0xa  }
0x244: {  	v8 =	vperm.xlane v24, v1;
	v7 =	vperm.xlane v13, v0  }
0x245: {  	v10 =	vperm.xlane v34, v1;
	v9 =	vperm.xlane v24, v0  }
0x246: {  	v11 =	vperm.xlane v42, v1;
	v7 =	vsel vm0, v7, v8;
	v8 =	vperm.xlane v34, v0  }
0x247: {  	v9 =	vsel vm0, v9, v10;
	v10 =	vperm.xlane v42, v0;
	v7 =	vadd.f32 v7, v13;
	s9 =	spop (v2sf)  }
0x248: {  	vm1 =	veq.s32 v2, $0xF;
	v9 =	vadd.f32 v9, v24;
	v8 =	vsel vm0, v8, v11;
	s12 =	spop (v2sf)  }
0x249: {  	v10 =	vsel vm1, $0x0, v10;
	v7 =	vmul.f32 $5.000000000e-01, v7;
	v8 =	vadd.f32 v8, v34;
	p0 =	slt.s32 s12, $0x1  }
.Ltmp12:
0x24a: {  	v9 =	vmul.f32 $5.000000000e-01, v9;
	v10 =	vadd.f32 v10, v42;
	(pc) =	sbr.rel @p0 .LBB2_21-.Ltmp12, $4  }
0x24b: {  	[tilespmem:$0x18FC0] =	vst v7;
	v7 =	vmul.f32 $5.000000000e-01, v8  }
0x24c: {  	[tilespmem:$0x18FD0] =	vst v9;
	v8 =	vmul.f32 $5.000000000e-01, v10  }
0x24d: {  	[tilespmem:$0x18FE0] =	vst v7  }
0x24e: {  	s10 =	simm.s32 $0x19040;
	v9 =	vadd.s32 $0x80, v6;
	[tilespmem:$0x18FF0] =	vst v8;
	v7 =	vadd.s32 $0xC0, v6;
	v8 =	vadd.s32 $0x40, v6  }
0x24f: {  	_ =	sdelay $0x3  }
0x250: {  	v7 =	vld.idx.msk [tilespmem:v7+s23+$0x0], $0xffff;
	v12 =	vadd.s32 $0x100, v6  }
0x251: {  	v10 =	vadd.s32 $0xE0, v6  }
0x252: {  	v8 =	vld.idx.msk [tilespmem:v8+s23+$0x0], $0xffff;
	v11 =	vadd.s32 $0xC0, v12  }
0x253: {  	v9 =	vld.idx.msk [tilespmem:v9+s23+$0x0], $0xffff;
	v13 =	vadd.s32 $0x40, v12  }
0x254: {  	v15 =	vld.idx.msk [tilespmem:v6+s23+$0x0], $0xffff;
	v14 =	vadd.s32 $0x80, v12  }
0x255: {  	v16 =	vadd.s32 $0xA0, v6;
	[tilespmem:s10+$0x20] =	vst v7;
	v19 =	vld.idx.msk [tilespmem:v12+s23+$0x0], $0xffff  }
0x256: {  	v7 =	vadd.s32 $0x60, v6;
	v10 =	vld.idx.msk [tilespmem:v10+s23+$0x0], $0xffff  }
0x257: {  	v17 =	vadd.s32 $0x20, v6;
	v6 =	vadd.s32 $0x100, v12;
	v11 =	vld.idx.msk [tilespmem:v11+s23+$0x0], $0xffff  }
0x258: {  	[tilespmem:s10+$0x0] =	vst v9;
	v13 =	vld.idx.msk [tilespmem:v13+s23+$0x0], $0xffff;
	v9 =	vadd.s32 $0xC0, v6  }
0x259: {  	[tilespmem:s10+$0xFFFFFFE0] =	vst v8;
	v8 =	vadd.s32 $0xE0, v12;
	v14 =	vld.idx.msk [tilespmem:v14+s23+$0x0], $0xffff  }
0x25a: {  	s11 =	simm.s32 $0x190C0;
	[tilespmem:s10+$0xFFFFFFC0] =	vst v15;
	v20 =	vadd.s32 $0x40, v6;
	v15 =	vld.idx.msk [tilespmem:v16+s23+$0x0], $0xffff  }
0x25b: {  	v22 =	vadd.s32 $0x80, v6;
	v21 =	vld.idx.msk [tilespmem:v7+s23+$0x0], $0xffff;
	[tilespmem:s11+$0xFFFFFFC0] =	vst v19  }
0x25c: {  	v18 =	vld.idx.msk [tilespmem:v17+s23+$0x0], $0xffff;
	[tilespmem:s11+$0x20] =	vst v11  }
0x25d: {  	[tilespmem:s11+$0xFFFFFFE0] =	vst v13;
	v11 =	vadd.s32 $0x60, v12;
	v13 =	vld.idx.msk [tilespmem:v9+s23+$0x0], $0xffff  }
0x25e: {  	[tilespmem:s10+$0x30] =	vst v10;
	v17 =	vld.idx.msk [tilespmem:v8+s23+$0x0], $0xffff;
	v8 =	vadd.s32 $0x20, v12;
	v12 =	vadd.s32 $0xA0, v12  }
0x25f: {  	v7 =	vadd.s32 $0x20, v6;
	v19 =	vadd.s32 $0xE0, v6;
	[tilespmem:s11+$0x0] =	vst v14;
	v14 =	vld.idx.msk [tilespmem:v20+s23+$0x0], $0xffff  }
0x260: {  	s12 =	simm.s32 $0x8;
	v9 =	vadd.s32 $0x60, v6;
	v10 =	vadd.s32 $0xA0, v6;
	v16 =	vld.idx.msk [tilespmem:v22+s23+$0x0], $0xffff;
	v20 =	vadd.s32 $0x100, v6;
	[tilespmem:s10+$0xFFFFFFF0] =	vst v21  }
.LBB2_19:
0x261: {  	v21 =	vadd.s32 $0x40, v20;
	v22 =	vadd.s32 $0x80, v20;
	v23 =	vadd.s32 $0xC0, v20;
	s12 =	sadd.s32 $0x4, s12;
	v24 =	vld.idx.msk [tilespmem:v6+s23+$0x0], $0xffff;
	[tilespmem:s10+$0x10] =	vst v15;
	v6 =	vmovc v20  }
0x262: {  	v25 =	vadd.s32 $0x20, v20;
	v26 =	vadd.s32 $0xA0, v20;
	p0 =	slt.u32 s12, $0x7C;
	v27 =	vld.idx.msk [tilespmem:v11+s23+$0x0], $0xffff;
	[tilespmem:s10+$0xFFFFFFD0] =	vst v18;
	v11 =	vmovc v9;
	v9 =	vadd.s32 $0x60, v20;
	s10 =	smov.u32 s11  }
0x263: {  	s11 =	sadd.s32 $0x80, s11;
	v15 =	vld.idx.msk [tilespmem:v12+s23+$0x0], $0xffff;
	[tilespmem:s10+$0x30] =	vst v17;
	v12 =	vmov v10;
	v10 =	vmov v26  }
.Ltmp13:
0x264: {  	[tilespmem:s11+$0x20] =	vst v13;
	v18 =	vld.idx.msk [tilespmem:v8+s23+$0x0], $0xffff;
	v8 =	vmov v7;
	v7 =	vmov v25;
	(pc) =	sbr.rel @p0 .LBB2_19-.Ltmp13, $4  }
0x265: {  	[tilespmem:s11+$0xFFFFFFE0] =	vst v14;
	v17 =	vld.idx.msk [tilespmem:v19+s23+$0x0], $0xffff  }
0x266: {  	v13 =	vld.idx.msk [tilespmem:v23+s23+$0x0], $0xffff;
	[tilespmem:s11+$0x0] =	vst v16  }
0x267: {  	v14 =	vld.idx.msk [tilespmem:v21+s23+$0x0], $0xffff;
	[tilespmem:s11+$0xFFFFFFC0] =	vst v24  }
0x268: {  	v20 =	vadd.s32 $0x100, v20;
	v19 =	vadd.s32 $0xE0, v6;
	v16 =	vld.idx.msk [tilespmem:v22+s23+$0x0], $0xffff;
	[tilespmem:s10+$0xFFFFFFF0] =	vst v27  }
0x269: {  	_ =	sdelay $0x2  }
0x26a: {  	[tilespmem:s10+$0x10] =	vst v15  }
0x26b: {  	v6 =	vld.idx.msk [tilespmem:v6+s23+$0x0], $0xffff;
	[tilespmem:s10+$0xFFFFFFD0] =	vst v18  }
0x26c: {  	v11 =	vld.idx.msk [tilespmem:v11+s23+$0x0], $0xffff;
	s12 =	sadd.s32 $0x80, s11;
	[tilespmem:s11+$0x30] =	vst v17  }
0x26d: {  	v12 =	vld.idx.msk [tilespmem:v12+s23+$0x0], $0xffff;
	[tilespmem:s12+$0x20] =	vst v13  }
0x26e: {  	v8 =	vld.idx.msk [tilespmem:v8+s23+$0x0], $0xffff;
	[tilespmem:s12+$0xFFFFFFE0] =	vst v14  }
0x26f: {  	v13 =	vld.idx.msk [tilespmem:v19+s23+$0x0], $0xffff;
	[tilespmem:s12+$0x0] =	vst v16  }
0x270: {  	[tilespmem:s12+$0xFFFFFFC0] =	vst v6;
	v6 =	vld.idx.msk [tilespmem:v9+s23+$0x0], $0xffff  }
0x271: {  	[tilespmem:s11+$0xFFFFFFF0] =	vst v11;
	v63 =	vld.idx.msk [tilespmem:v10+s23+$0x0], $0xffff  }
0x272: {  	[tilespmem:s11+$0x10] =	vst v12;
	v7 =	vld.idx.msk [tilespmem:v7+s23+$0x0], $0xffff  }
.Ltmp14:
0x273: {  	[tilespmem:s11+$0xFFFFFFD0] =	vst v8;
	(pc) =	sbr.rel .LBB2_24-.Ltmp14, $4  }
0x274: {  	[tilespmem:s12+$0x30] =	vst v13  }
0x275: {  	[tilespmem:s12+$0xFFFFFFF0] =	vst v6  }
0x276: {  	[tilespmem:s12+$0x10] =	vst v63  }
0x277: {  	[tilespmem:s12+$0xFFFFFFD0] =	vst v7  }
.LBB2_21:
0x278: {  	_ =	sdelay $0x3  }
0x279: {  	v7 =	vld.idx.msk [tilespmem:v7+s24+$0x0], $0xffff;
	v12 =	vadd.s32 $0x100, v6  }
0x27a: {  	v10 =	vadd.s32 $0xE0, v6  }
0x27b: {  	v8 =	vld.idx.msk [tilespmem:v8+s24+$0x0], $0xffff;
	v11 =	vadd.s32 $0xC0, v12  }
0x27c: {  	v9 =	vld.idx.msk [tilespmem:v9+s24+$0x0], $0xffff;
	v13 =	vadd.s32 $0x40, v12  }
0x27d: {  	v15 =	vld.idx.msk [tilespmem:v6+s24+$0x0], $0xffff;
	v14 =	vadd.s32 $0x80, v12  }
0x27e: {  	v16 =	vadd.s32 $0xA0, v6;
	[tilespmem:s10+$0x20] =	vst v7;
	v19 =	vld.idx.msk [tilespmem:v12+s24+$0x0], $0xffff  }
0x27f: {  	v7 =	vadd.s32 $0x60, v6;
	v10 =	vld.idx.msk [tilespmem:v10+s24+$0x0], $0xffff  }
0x280: {  	v17 =	vadd.s32 $0x20, v6;
	v6 =	vadd.s32 $0x100, v12;
	v11 =	vld.idx.msk [tilespmem:v11+s24+$0x0], $0xffff  }
0x281: {  	[tilespmem:s10+$0x0] =	vst v9;
	v13 =	vld.idx.msk [tilespmem:v13+s24+$0x0], $0xffff;
	v9 =	vadd.s32 $0xC0, v6  }
0x282: {  	[tilespmem:s10+$0xFFFFFFE0] =	vst v8;
	v8 =	vadd.s32 $0xE0, v12;
	v14 =	vld.idx.msk [tilespmem:v14+s24+$0x0], $0xffff  }
0x283: {  	s11 =	simm.s32 $0x190C0;
	[tilespmem:s10+$0xFFFFFFC0] =	vst v15;
	v20 =	vadd.s32 $0x40, v6;
	v15 =	vld.idx.msk [tilespmem:v16+s24+$0x0], $0xffff  }
0x284: {  	v22 =	vadd.s32 $0x80, v6;
	v21 =	vld.idx.msk [tilespmem:v7+s24+$0x0], $0xffff;
	[tilespmem:s11+$0xFFFFFFC0] =	vst v19  }
0x285: {  	v18 =	vld.idx.msk [tilespmem:v17+s24+$0x0], $0xffff;
	[tilespmem:s11+$0x20] =	vst v11  }
0x286: {  	[tilespmem:s11+$0xFFFFFFE0] =	vst v13;
	v11 =	vadd.s32 $0x60, v12;
	v13 =	vld.idx.msk [tilespmem:v9+s24+$0x0], $0xffff  }
0x287: {  	[tilespmem:s10+$0x30] =	vst v10;
	v17 =	vld.idx.msk [tilespmem:v8+s24+$0x0], $0xffff;
	v8 =	vadd.s32 $0x20, v12;
	v12 =	vadd.s32 $0xA0, v12  }
0x288: {  	v7 =	vadd.s32 $0x20, v6;
	v19 =	vadd.s32 $0xE0, v6;
	[tilespmem:s11+$0x0] =	vst v14;
	v14 =	vld.idx.msk [tilespmem:v20+s24+$0x0], $0xffff  }
0x289: {  	s12 =	simm.s32 $0x8;
	v9 =	vadd.s32 $0x60, v6;
	v10 =	vadd.s32 $0xA0, v6;
	v16 =	vld.idx.msk [tilespmem:v22+s24+$0x0], $0xffff;
	v20 =	vadd.s32 $0x100, v6;
	[tilespmem:s10+$0xFFFFFFF0] =	vst v21  }
.LBB2_22:
0x28a: {  	v21 =	vadd.s32 $0x40, v20;
	v22 =	vadd.s32 $0x80, v20;
	v23 =	vadd.s32 $0xC0, v20;
	s12 =	sadd.s32 $0x4, s12;
	v24 =	vld.idx.msk [tilespmem:v6+s24+$0x0], $0xffff;
	[tilespmem:s10+$0x10] =	vst v15;
	v6 =	vmovc v20  }
0x28b: {  	v25 =	vadd.s32 $0x20, v20;
	v26 =	vadd.s32 $0xA0, v20;
	p0 =	slt.u32 s12, $0x7C;
	v27 =	vld.idx.msk [tilespmem:v11+s24+$0x0], $0xffff;
	[tilespmem:s10+$0xFFFFFFD0] =	vst v18;
	v11 =	vmovc v9;
	v9 =	vadd.s32 $0x60, v20;
	s10 =	smov.u32 s11  }
0x28c: {  	s11 =	sadd.s32 $0x80, s11;
	v15 =	vld.idx.msk [tilespmem:v12+s24+$0x0], $0xffff;
	[tilespmem:s10+$0x30] =	vst v17;
	v12 =	vmov v10;
	v10 =	vmov v26  }
.Ltmp15:
0x28d: {  	[tilespmem:s11+$0x20] =	vst v13;
	v18 =	vld.idx.msk [tilespmem:v8+s24+$0x0], $0xffff;
	v8 =	vmov v7;
	v7 =	vmov v25;
	(pc) =	sbr.rel @p0 .LBB2_22-.Ltmp15, $4  }
0x28e: {  	[tilespmem:s11+$0xFFFFFFE0] =	vst v14;
	v17 =	vld.idx.msk [tilespmem:v19+s24+$0x0], $0xffff  }
0x28f: {  	v13 =	vld.idx.msk [tilespmem:v23+s24+$0x0], $0xffff;
	[tilespmem:s11+$0x0] =	vst v16  }
0x290: {  	v14 =	vld.idx.msk [tilespmem:v21+s24+$0x0], $0xffff;
	[tilespmem:s11+$0xFFFFFFC0] =	vst v24  }
0x291: {  	v20 =	vadd.s32 $0x100, v20;
	v19 =	vadd.s32 $0xE0, v6;
	v16 =	vld.idx.msk [tilespmem:v22+s24+$0x0], $0xffff;
	[tilespmem:s10+$0xFFFFFFF0] =	vst v27  }
0x292: {  	_ =	sdelay $0x2  }
0x293: {  	[tilespmem:s10+$0x10] =	vst v15  }
0x294: {  	v6 =	vld.idx.msk [tilespmem:v6+s24+$0x0], $0xffff;
	[tilespmem:s10+$0xFFFFFFD0] =	vst v18  }
0x295: {  	v11 =	vld.idx.msk [tilespmem:v11+s24+$0x0], $0xffff;
	s12 =	sadd.s32 $0x80, s11;
	[tilespmem:s11+$0x30] =	vst v17  }
0x296: {  	v12 =	vld.idx.msk [tilespmem:v12+s24+$0x0], $0xffff;
	[tilespmem:s12+$0x20] =	vst v13  }
0x297: {  	v8 =	vld.idx.msk [tilespmem:v8+s24+$0x0], $0xffff;
	[tilespmem:s12+$0xFFFFFFE0] =	vst v14  }
0x298: {  	v13 =	vld.idx.msk [tilespmem:v19+s24+$0x0], $0xffff;
	[tilespmem:s12+$0x0] =	vst v16  }
0x299: {  	[tilespmem:s12+$0xFFFFFFC0] =	vst v6;
	v6 =	vld.idx.msk [tilespmem:v9+s24+$0x0], $0xffff  }
0x29a: {  	[tilespmem:s11+$0xFFFFFFF0] =	vst v11;
	v63 =	vld.idx.msk [tilespmem:v10+s24+$0x0], $0xffff  }
0x29b: {  	[tilespmem:s11+$0x10] =	vst v12;
	v7 =	vld.idx.msk [tilespmem:v7+s24+$0x0], $0xffff  }
.Ltmp16:
0x29c: {  	[tilespmem:s11+$0xFFFFFFD0] =	vst v8;
	(pc) =	sbr.rel .LBB2_24-.Ltmp16, $4  }
0x29d: {  	[tilespmem:s12+$0x30] =	vst v13  }
0x29e: {  	[tilespmem:s12+$0xFFFFFFF0] =	vst v6  }
0x29f: {  	[tilespmem:s12+$0x10] =	vst v63  }
0x2a0: {  	[tilespmem:s12+$0xFFFFFFD0] =	vst v7  }
.LBB2_26:
0x2a1: {  	_ =	sfence.sel $0x180000  }
0x2a2: {  	[bflag:$0x0] =	sbarrier.arrive $0xFFFF  }
0x2a3: {  	_ =	strace $0x90000047  }
0x2a4: {  	s0 =	stileid.u32;
	[bflag:$0x2] =	sbarrier.arrive $0xFFFF  }
0x2a5: {  	p0 =	sne.s32 s0, $0x0;
	s0 =	rddreg [dreg:$0x3]  }
0x2a6: {  	s0 =	sadd.s32 @!p0 $0x100000, s0  }
0x2a7: {  	[sflag:s0] =	ssyncadd.tile.s32 @!p0 $0x1;
	_ =	shalt  }
.Lfunc_end2:
_tile_overlayer_lowered:
.L_overlay_start_2:
0x2a8: {  	(tag) =	ssettag $0x2  }
0x2a9: {  	s0 =	rddreg [dreg:$0x0];
	s2 =	stileid.u32  }
0x2aa: {  	s1 =	rddreg [dreg:$0x1];
	p0 =	sne.s32 s2, $0x0  }
0x2ab: {  	s3 =	rddreg [dreg:$0x2];
	[bflag:$0x3] =	sbarrier.arrive $0xFFFF;
	s2 =	simm.s32 @!p0 $0x1C05  }
0x2ac: {  	[timem:s3], [sflag:s2] =	dma.local @!p0 [hbm:s0], s1  }
0x2ad: {  	s0 =	simm.s32 @!p0 $0x5  }
0x2ae: {  	_ =	swait.ge @!p0 [sflag:s0], s1  }
0x2af: {  	s1 =	ssub.s32 @!p0 $0x0, s1;
	[sflag:s0] =	ssyncset.done @!p0 $0x0  }
0x2b0: {  	[sflag:s0] =	ssyncadd.s32 @!p0 s1  }
0x2b1: {  	[bflag:$0x3] =	sbarrier.arrive $0xFFFF  }
0x2b2: {  	_ =	shalt  }

</sc_bundles>
